<compile_context>
chip_gen: v7x
topology: tpu7x:2x2x1
jax: 0.10.2.dev20260603
libtpu: 0.0.44.dev20260713+nightly
codegen_flags: <defaults>
</compile_context>

<pallas_src>
import functools

import jax
import jax.numpy as jnp
from jax import lax
from jax.experimental import pallas as pl
from jax.experimental.pallas import tpu as pltpu
from jax.experimental.pallas import tpu_sc as plsc

N = 10000
D = 256
HID = 512
C = 40
CP = 48
E = 160000
EPAD = 163840
NC = 2
NS = 16
SUB = 128
NPT = N // NS
TRASH = N
ACCROWS = N + 8

_mesh = plsc.VectorSubcoreMesh(
    core_axis_name="c", subcore_axis_name="s", num_cores=NC, num_subcores=NS
)


@functools.partial(
    pl.kernel,
    out_type=jax.ShapeDtypeStruct((NC, N, 8), jnp.float32),
    mesh=_mesh,
    compiler_params=pltpu.CompilerParams(use_tc_tiling_on_sc=False),
    scratch_types=[
        pltpu.VMEM((5, 8 * SUB), jnp.int32),
        pltpu.VMEM((8 * SUB, 8), jnp.float32),
        pltpu.VMEM_SHARED((ACCROWS, 8), jnp.float32),
    ],
)
def _sc_deg(dst1k, zeros8, ones8, out, didx, ones_v, acc):
    c = lax.axis_index("c")
    s = lax.axis_index("s")
    w = c * NS + s
    pltpu.sync_copy(ones8, ones_v)
    pltpu.sync_copy(zeros8.at[pl.ds(s * NPT, NPT)], acc.at[pl.ds(s * NPT, NPT)])
    pltpu.sync_copy(dst1k.at[pl.ds(w * 5, 5)], didx)
    plsc.subcore_barrier()
    for k in range(5):
        pltpu.sync_copy(ones_v, acc.at[didx.at[k]], add=True)
    plsc.subcore_barrier()
    pltpu.sync_copy(acc.at[pl.ds(s * NPT, NPT)], out.at[c, pl.ds(s * NPT, NPT)])


def _edge_agg(table, src2d, dst2d, acc, sidx, didx, rows, semg, sems,
              nops, gi, src_row0, dst_row0):

    def group(g, carry):
        pltpu.sync_copy(src2d.at[pl.ds(src_row0 + g * gi, gi)], sidx)
        pltpu.sync_copy(dst2d.at[pl.ds(dst_row0 + g * gi, gi)], didx)
        nbuf = len(rows)
        gdesc = [None] * gi
        sdesc = [None] * gi
        gdesc[0] = pltpu.async_copy(table.at[sidx.at[0]], rows[0], semg[0])
        for k in range(gi):
            gdesc[k].wait()
            if k + 1 < gi:
                if k + 1 - nbuf >= 0:
                    sdesc[k + 1 - nbuf].wait()
                b = (k + 1) % nbuf
                gdesc[k + 1] = pltpu.async_copy(
                    table.at[sidx.at[k + 1]], rows[b], semg[b])
            sdesc[k] = pltpu.async_copy(rows[k % nbuf], acc.at[didx.at[k]],
                                        sems[k % nbuf], add=True)
        for t in range(max(0, gi - nbuf), gi):
            sdesc[t].wait()
        return carry

    lax.fori_loop(0, nops // gi, group, 0)


@functools.partial(
    pl.kernel,
    out_type=jax.ShapeDtypeStruct((4, N, 64), jnp.float32),
    mesh=_mesh,
    compiler_params=pltpu.CompilerParams(use_tc_tiling_on_sc=False),
    scratch_types=[
        pltpu.VMEM((8, 320), jnp.int32),
        pltpu.VMEM((8, 320), jnp.int32),
        [pltpu.VMEM((320, 64), jnp.float32)] * 2,
        [pltpu.SemaphoreType.DMA] * 2,
        [pltpu.SemaphoreType.DMA] * 2,
        pltpu.VMEM_SHARED((N, 64), jnp.float32),
        pltpu.VMEM_SHARED((ACCROWS, 64), jnp.float32),
    ],
)
def _sc_agg1(t1q, src2d, dst2d, out, sidx, didx, rows, semg, sems, tq, acc):
    c = lax.axis_index("c")
    s = lax.axis_index("s")
    for p in range(2):
        q = c * 2 + p
        pltpu.sync_copy(t1q.at[q, pl.ds(s * NPT, NPT)], tq.at[pl.ds(s * NPT, NPT)])
        pltpu.sync_copy(t1q.at[q, pl.ds(s * NPT, NPT)], acc.at[pl.ds(s * NPT, NPT)])
        plsc.subcore_barrier()
        _edge_agg(tq, src2d, dst2d, acc, sidx, didx, rows, semg, sems,
                  32, 8, s * 32, s * 32)
        plsc.subcore_barrier()
        pltpu.sync_copy(acc.at[pl.ds(s * NPT, NPT)], out.at[q, pl.ds(s * NPT, NPT)])
        if p == 0:
            plsc.subcore_barrier()


@functools.partial(
    pl.kernel,
    out_type=jax.ShapeDtypeStruct((NC, N, CP), jnp.float32),
    mesh=_mesh,
    compiler_params=pltpu.CompilerParams(use_tc_tiling_on_sc=False),
    scratch_types=[
        pltpu.VMEM((10, 4 * SUB), jnp.int32),
        pltpu.VMEM((10, 4 * SUB), jnp.int32),
        [pltpu.VMEM((4 * SUB, CP), jnp.float32)] * 2,
        [pltpu.SemaphoreType.DMA] * 2,
        [pltpu.SemaphoreType.DMA] * 2,
        pltpu.VMEM_SHARED((N, CP), jnp.float32),
        pltpu.VMEM_SHARED((ACCROWS, CP), jnp.float32),
    ],
)
def _sc_agg2(z2p, zeros48, src2d, dst2d, out, sidx, didx, rows, semg, sems, tq, acc):
    c = lax.axis_index("c")
    s = lax.axis_index("s")
    pltpu.sync_copy(z2p.at[pl.ds(s * NPT, NPT)], tq.at[pl.ds(s * NPT, NPT)])

    @pl.when(c == 0)
    def _():
        pltpu.sync_copy(z2p.at[pl.ds(s * NPT, NPT)], acc.at[pl.ds(s * NPT, NPT)])

    @pl.when(c != 0)
    def _():
        pltpu.sync_copy(zeros48.at[pl.ds(s * NPT, NPT)], acc.at[pl.ds(s * NPT, NPT)])

    plsc.subcore_barrier()
    _edge_agg(tq, src2d, dst2d, acc, sidx, didx, rows, semg, sems,
              10, 10, (c * NS + s) * 10, (c * NS + s) * 10)
    plsc.subcore_barrier()
    pltpu.sync_copy(acc.at[pl.ds(s * NPT, NPT)], out.at[c, pl.ds(s * NPT, NPT)])


def _dinv_from(degp_ref):
    deg = 1.0 + degp_ref[0, :, 0:1] + degp_ref[1, :, 0:1]
    return lax.rsqrt(deg)


def _tc_scale_body(x_ref, degp_ref, out_ref):
    p = pl.program_id(1)
    half = jnp.where(p == 0, x_ref[:, :64], x_ref[:, 64:])
    out_ref[...] = (half * _dinv_from(degp_ref))[None]


def _tc_mid_body(agg_ref, degp_ref, w1_ref, b1_ref, w2_ref, out_ref):
    dinv = _dinv_from(degp_ref)
    ax = jnp.concatenate([agg_ref[0], agg_ref[1], agg_ref[2],
                          agg_ref[3]], axis=1) * dinv
    h = jnp.dot(ax, w1_ref[...], preferred_element_type=jnp.float32) + b1_ref[...]
    h = jnp.maximum(h, 0.0)
    out_ref[...] = jnp.dot(h, w2_ref[...], preferred_element_type=jnp.float32) * dinv


def _tc_out_body(agg_ref, degp_ref, b2_ref, out_ref):
    dinv = _dinv_from(degp_ref)
    ssum = (agg_ref[0] + agg_ref[1]) * dinv
    logits = ssum[:, :C] + b2_ref[...]
    m = jnp.max(logits, axis=1, keepdims=True)
    lse = jnp.log(jnp.sum(jnp.exp(logits - m), axis=1, keepdims=True))
    out_ref[...] = logits - m - lse


_RS = 2000


def kernel(x, edge_index, W1, b1, W2, b2):
    src = edge_index[0].astype(jnp.int32)
    dst = edge_index[1].astype(jnp.int32)
    npad = EPAD - E
    src_p = jnp.concatenate([src, jnp.zeros((npad,), jnp.int32)])
    dst_p = jnp.concatenate([dst, jnp.full((npad,), TRASH, jnp.int32)])
    src256 = src_p.reshape(EPAD // 320, 320)
    dst256 = dst_p.reshape(EPAD // 320, 320)
    src512 = src_p.reshape(EPAD // 512, 512)
    dst512 = dst_p.reshape(EPAD // 512, 512)
    dst1k = dst_p.reshape(EPAD // 1024, 1024)
    zeros8 = jnp.zeros((N, 8), jnp.float32)
    ones8 = jnp.ones((8 * SUB, 8), jnp.float32)
    zeros48 = jnp.zeros((N, CP), jnp.float32)
    W2p = jnp.concatenate([W2, jnp.zeros((HID, CP - C), jnp.float32)], axis=1)

    degp = _sc_deg(dst1k, zeros8, ones8)

    t1q = pl.pallas_call(
        _tc_scale_body,
        grid=(2, 2, N // _RS),
        in_specs=[
            pl.BlockSpec((_RS, 128), lambda c, p, i: (i, c)),
            pl.BlockSpec((NC, _RS, 8), lambda c, p, i: (0, i, 0)),
        ],
        out_specs=pl.BlockSpec((1, _RS, 64), lambda c, p, i: (c * 2 + p, i, 0)),
        out_shape=jax.ShapeDtypeStruct((4, N, 64), jnp.float32),
    )(x, degp)

    agg1 = _sc_agg1(t1q, src256, dst256)

    z2p = pl.pallas_call(
        _tc_mid_body,
        grid=(N // _RS,),
        in_specs=[
            pl.BlockSpec((4, _RS, 64), lambda i: (0, i, 0)),
            pl.BlockSpec((NC, _RS, 8), lambda i: (0, i, 0)),
            pl.BlockSpec((D, HID), lambda i: (0, 0)),
            pl.BlockSpec((1, HID), lambda i: (0, 0)),
            pl.BlockSpec((HID, CP), lambda i: (0, 0)),
        ],
        out_specs=pl.BlockSpec((_RS, CP), lambda i: (i, 0)),
        out_shape=jax.ShapeDtypeStruct((N, CP), jnp.float32),
    )(agg1, degp, W1, b1.reshape(1, HID), W2p)

    agg2 = _sc_agg2(z2p, zeros48, src512, dst512)

    out = pl.pallas_call(
        _tc_out_body,
        grid=(N // _RS,),
        in_specs=[
            pl.BlockSpec((NC, _RS, CP), lambda i: (0, i, 0)),
            pl.BlockSpec((NC, _RS, 8), lambda i: (0, i, 0)),
            pl.BlockSpec((1, C), lambda i: (0, 0)),
        ],
        out_specs=pl.BlockSpec((_RS, C), lambda i: (i, 0)),
        out_shape=jax.ShapeDtypeStruct((N, C), jnp.float32),
    )(agg2, degp, b2.reshape(1, C))

    return out

# --- scband reference (transcript-rebuilt; emitter-appended) ---
"""Pipeline reference for scband-gen-gnn-55284819034826 (READ-ONLY COPY).

The authoritative reference and input builder live on the scoring server;
editing this copy changes nothing except your own understanding.
"""

import jax, jax.numpy as jnp
import numpy as np

N_NODES = 10000
N_EDGES = 160000
D_FEAT = 256
HIDDEN = 512
N_CLASSES = 40


def gcn_conv(x, src, dst, W, b, num_nodes):
    # GCNConv with self-loops and symmetric normalization:
    # out = D^{-1/2} (A + I) D^{-1/2} X W + b
    loop = jnp.arange(num_nodes, dtype=src.dtype)
    src_sl = jnp.concatenate([src, loop])
    dst_sl = jnp.concatenate([dst, loop])
    h = x @ W
    deg = jnp.zeros((num_nodes,), dtype=x.dtype).at[dst_sl].add(1.0)
    dinv = jnp.where(deg > 0, jax.lax.rsqrt(deg), 0.0)
    norm = dinv[src_sl] * dinv[dst_sl]
    msg = jnp.take(h, src_sl, axis=0) * norm[:, None]
    out = jnp.zeros((num_nodes, h.shape[1]), dtype=x.dtype).at[dst_sl].add(msg)
    return out + b


def setup_inputs(seed: int = 0) -> dict:
    key = jax.random.key(seed)
    k1, k2, k3, k4, k5, k6 = jax.random.split(key, 6)
    x = jax.random.normal(k1, (N_NODES, D_FEAT), dtype=jnp.float32)
    edge_index = jax.random.randint(k2, (2, N_EDGES), 0, N_NODES, dtype=jnp.int64)
    # Glorot-style init for GCNConv weights, zeros for bias (PyG default)
    s1 = float(np.sqrt(6.0 / (D_FEAT + HIDDEN)))
    W1 = jax.random.uniform(k3, (D_FEAT, HIDDEN), dtype=jnp.float32, minval=-s1, maxval=s1)
    b1 = jnp.zeros((HIDDEN,), dtype=jnp.float32)
    s2 = float(np.sqrt(6.0 / (HIDDEN + N_CLASSES)))
    W2 = jax.random.uniform(k4, (HIDDEN, N_CLASSES), dtype=jnp.float32, minval=-s2, maxval=s2)
    b2 = jnp.zeros((N_CLASSES,), dtype=jnp.float32)
    return {"x": x, "edge_index": edge_index, "W1": W1, "b1": b1, "W2": W2, "b2": b2}


def reference(x, edge_index, W1, b1, W2, b2):
    # GenGNN.forward(data) == self.post(data) == GCN.forward(data)
    # GCN (eval mode: dropout is identity):
    #   x = relu(conv1(x, edge_index))
    #   x = conv2(x, edge_index)
    #   return log_softmax(x, dim=1)
    src = edge_index[0]
    dst = edge_index[1]
    num_nodes = x.shape[0]
    h = gcn_conv(x, src, dst, W1, b1, num_nodes)
    h = jax.nn.relu(h)
    out = gcn_conv(h, src, dst, W2, b2, num_nodes)
    return jax.nn.log_softmax(out, axis=1)

if __name__ == "__main__":
    import jax
    _d = setup_inputs()
    print(jax.jit(kernel)(*tuple(_d.values())))

</pallas_src>

<mosaic_0001>
#map = affine_map<(d0, d1) -> (0, 0, 0)>
#map1 = affine_map<(d0, d1) -> (0, 0)>
module attributes {stable_mosaic.version = 14 : i64} {
  func.func @_sc_agg1(%arg0: i32, %arg1: i32, %arg2: memref<4x10000x64xf32, #tpu.memory_space<hbm>>, %arg3: memref<512x320xi32, #tpu.memory_space<hbm>>, %arg4: memref<512x320xi32, #tpu.memory_space<hbm>>, %arg5: memref<4x10000x64xf32, #tpu.memory_space<hbm>>, %arg6: memref<8x320xi32, #tpu.memory_space<vmem>>, %arg7: memref<8x320xi32, #tpu.memory_space<vmem>>, %arg8: memref<320x64xf32, #tpu.memory_space<vmem>>, %arg9: memref<320x64xf32, #tpu.memory_space<vmem>>, %arg10: memref<!tpu.dma_semaphore, #tpu.memory_space<semaphore_mem>>, %arg11: memref<!tpu.dma_semaphore, #tpu.memory_space<semaphore_mem>>, %arg12: memref<!tpu.dma_semaphore, #tpu.memory_space<semaphore_mem>>, %arg13: memref<!tpu.dma_semaphore, #tpu.memory_space<semaphore_mem>>, %arg14: memref<10000x64xf32, #tpu.memory_space<vmem_shared>>, %arg15: memref<10008x64xf32, #tpu.memory_space<vmem_shared>>) attributes {dimension_semantics = [#tpu.dimension_semantics<core_parallel>, #tpu.dimension_semantics<subcore_parallel>], iteration_bounds = array<i64: 2, 16>, scalar_prefetch = 0 : i64, scratch_operands = 10 : i64, tpu.core_type = #tpu.core_type<sc_vector_subcore>, window_params = [{transform_indices = #map}, {transform_indices = #map1}, {transform_indices = #map1}, {transform_indices = #map}]} {
    %mul3A = arith.constant 2 : i32
    %mul3A_0 = arith.muli %arg0, %mul3A : i32
    %add3A = arith.constant 0 : i32
    %add3A_1 = arith.addi %mul3A_0, %add3A : i32
    %mul3A_2 = arith.constant 625 : i32
    %mul3A_3 = arith.muli %arg1, %mul3A_2 : i32
    %mul3A_4 = arith.constant 625 : i32
    %mul3A_5 = arith.muli %arg1, %mul3A_4 : i32
    "tpu.region"() ({
      %run_scoped3A = tpu.sem_alloc : memref<!tpu.dma_semaphore, #tpu.memory_space<semaphore_mem>>
      %dma_start3A = arith.constant 0 : i32
      %dma_start3A_53 = tpu.memref_slice %arg14[%mul3A_5, %dma_start3A] : memref<10000x64xf32, #tpu.memory_space<vmem_shared>> -> memref<625x64xf32, #tpu.memory_space<vmem_shared>>
      %dma_start3A_54 = arith.constant 0 : i32
      %dma_start3A_55 = tpu.memref_slice %arg2[%add3A_1, %mul3A_3, %dma_start3A_54] : memref<4x10000x64xf32, #tpu.memory_space<hbm>> -> memref<1x625x64xf32, #tpu.memory_space<hbm>>
      %dma_start3A_56 = tpu.memref_squeeze %dma_start3A_55 : memref<1x625x64xf32, #tpu.memory_space<hbm>> -> memref<625x64xf32, #tpu.memory_space<hbm>>
      tpu.enqueue_dma source(%dma_start3A_56 : memref<625x64xf32, #tpu.memory_space<hbm>>) target(%dma_start3A_53 : memref<625x64xf32, #tpu.memory_space<vmem_shared>>) target_semaphore(%run_scoped3A : memref<!tpu.dma_semaphore, #tpu.memory_space<semaphore_mem>>)
      %dma_wait3A = arith.constant 0 : i32
      %dma_wait3A_57 = tpu.memref_slice %arg14[%mul3A_5, %dma_wait3A] : memref<10000x64xf32, #tpu.memory_space<vmem_shared>> -> memref<625x64xf32, #tpu.memory_space<vmem_shared>>
      %dma_wait3A_58 = arith.constant 0 : i32
      %dma_wait3A_59 = tpu.memref_slice %arg2[%add3A_1, %mul3A_3, %dma_wait3A_58] : memref<4x10000x64xf32, #tpu.memory_space<hbm>> -> memref<1x625x64xf32, #tpu.memory_space<hbm>>
      %dma_wait3A_60 = tpu.memref_squeeze %dma_wait3A_59 : memref<1x625x64xf32, #tpu.memory_space<hbm>> -> memref<625x64xf32, #tpu.memory_space<hbm>>
      tpu.wait_dma2 semaphore(%run_scoped3A : memref<!tpu.dma_semaphore, #tpu.memory_space<semaphore_mem>>) src(%dma_wait3A_60 : memref<625x64xf32, #tpu.memory_space<hbm>>) dst(%dma_wait3A_57 : memref<625x64xf32, #tpu.memory_space<vmem_shared>>)
      tpu.yield
    }) : () -> ()
    %mul3A_6 = arith.constant 625 : i32
    %mul3A_7 = arith.muli %arg1, %mul3A_6 : i32
    %mul3A_8 = arith.constant 625 : i32
    %mul3A_9 = arith.muli %arg1, %mul3A_8 : i32
    "tpu.region"() ({
      %run_scoped3A = tpu.sem_alloc : memref<!tpu.dma_semaphore, #tpu.memory_space<semaphore_mem>>
      %dma_start3A = arith.constant 0 : i32
      %dma_start3A_53 = tpu.memref_slice %arg15[%mul3A_9, %dma_start3A] : memref<10008x64xf32, #tpu.memory_space<vmem_shared>> -> memref<625x64xf32, #tpu.memory_space<vmem_shared>>
      %dma_start3A_54 = arith.constant 0 : i32
      %dma_start3A_55 = tpu.memref_slice %arg2[%add3A_1, %mul3A_7, %dma_start3A_54] : memref<4x10000x64xf32, #tpu.memory_space<hbm>> -> memref<1x625x64xf32, #tpu.memory_space<hbm>>
      %dma_start3A_56 = tpu.memref_squeeze %dma_start3A_55 : memref<1x625x64xf32, #tpu.memory_space<hbm>> -> memref<625x64xf32, #tpu.memory_space<hbm>>
      tpu.enqueue_dma source(%dma_start3A_56 : memref<625x64xf32, #tpu.memory_space<hbm>>) target(%dma_start3A_53 : memref<625x64xf32, #tpu.memory_space<vmem_shared>>) target_semaphore(%run_scoped3A : memref<!tpu.dma_semaphore, #tpu.memory_space<semaphore_mem>>)
      %dma_wait3A = arith.constant 0 : i32
      %dma_wait3A_57 = tpu.memref_slice %arg15[%mul3A_9, %dma_wait3A] : memref<10008x64xf32, #tpu.memory_space<vmem_shared>> -> memref<625x64xf32, #tpu.memory_space<vmem_shared>>
      %dma_wait3A_58 = arith.constant 0 : i32
      %dma_wait3A_59 = tpu.memref_slice %arg2[%add3A_1, %mul3A_7, %dma_wait3A_58] : memref<4x10000x64xf32, #tpu.memory_space<hbm>> -> memref<1x625x64xf32, #tpu.memory_space<hbm>>
      %dma_wait3A_60 = tpu.memref_squeeze %dma_wait3A_59 : memref<1x625x64xf32, #tpu.memory_space<hbm>> -> memref<625x64xf32, #tpu.memory_space<hbm>>
      tpu.wait_dma2 semaphore(%run_scoped3A : memref<!tpu.dma_semaphore, #tpu.memory_space<semaphore_mem>>) src(%dma_wait3A_60 : memref<625x64xf32, #tpu.memory_space<hbm>>) dst(%dma_wait3A_57 : memref<625x64xf32, #tpu.memory_space<vmem_shared>>)
      tpu.yield
    }) : () -> ()
    %barrier3A = arith.constant 0 : index
    tpu.barrier barrier_id(%barrier3A)
    %mul3A_10 = arith.constant 32 : i32
    %mul3A_11 = arith.muli %arg1, %mul3A_10 : i32
    %mul3A_12 = arith.constant 32 : i32
    %mul3A_13 = arith.muli %arg1, %mul3A_12 : i32
    %scan3A = arith.constant 0 : i32
    %scan3A_14 = arith.constant 0 : i32
    %scan3A_15 = arith.constant 4 : i32
    %scan3A_16 = arith.addi %scan3A_14, %scan3A_15 : i32
    %scan3A_17 = arith.constant 1 : i32
    scf.for %scan3A_53 = %scan3A_14 to %scan3A_16 step %scan3A_17  : i32 {
      %mul3A_54 = arith.constant 8 : i32
      %mul3A_55 = arith.muli %scan3A_53, %mul3A_54 : i32
      %add3A_56 = arith.addi %mul3A_11, %mul3A_55 : i32
      "tpu.region"() ({
        %run_scoped3A = tpu.sem_alloc : memref<!tpu.dma_semaphore, #tpu.memory_space<semaphore_mem>>
        %dma_start3A_282 = arith.constant 0 : i32
        %dma_start3A_283 = tpu.memref_slice %arg3[%add3A_56, %dma_start3A_282] : memref<512x320xi32, #tpu.memory_space<hbm>> -> memref<8x320xi32, #tpu.memory_space<hbm>>
        %dma_start3A_284 = arith.constant 0 : i32
        %dma_start3A_285 = tpu.memref_slice %arg3[%add3A_56, %dma_start3A_284] : memref<512x320xi32, #tpu.memory_space<hbm>> -> memref<8x320xi32, #tpu.memory_space<hbm>>
        tpu.enqueue_dma source(%dma_start3A_285 : memref<8x320xi32, #tpu.memory_space<hbm>>) target(%arg6 : memref<8x320xi32, #tpu.memory_space<vmem>>) target_semaphore(%run_scoped3A : memref<!tpu.dma_semaphore, #tpu.memory_space<semaphore_mem>>)
        %dma_wait3A_286 = arith.constant 0 : i32
        %dma_wait3A_287 = tpu.memref_slice %arg3[%add3A_56, %dma_wait3A_286] : memref<512x320xi32, #tpu.memory_space<hbm>> -> memref<8x320xi32, #tpu.memory_space<hbm>>
        %dma_wait3A_288 = arith.constant 0 : i32
        %dma_wait3A_289 = tpu.memref_slice %arg3[%add3A_56, %dma_wait3A_288] : memref<512x320xi32, #tpu.memory_space<hbm>> -> memref<8x320xi32, #tpu.memory_space<hbm>>
        tpu.wait_dma2 semaphore(%run_scoped3A : memref<!tpu.dma_semaphore, #tpu.memory_space<semaphore_mem>>) src(%dma_wait3A_289 : memref<8x320xi32, #tpu.memory_space<hbm>>) dst(%arg6 : memref<8x320xi32, #tpu.memory_space<vmem>>)
        tpu.yield
      }) : () -> ()
      %mul3A_57 = arith.constant 8 : i32
      %mul3A_58 = arith.muli %scan3A_53, %mul3A_57 : i32
      %add3A_59 = arith.addi %mul3A_13, %mul3A_58 : i32
      "tpu.region"() ({
        %run_scoped3A = tpu.sem_alloc : memref<!tpu.dma_semaphore, #tpu.memory_space<semaphore_mem>>
        %dma_start3A_282 = arith.constant 0 : i32
        %dma_start3A_283 = tpu.memref_slice %arg4[%add3A_59, %dma_start3A_282] : memref<512x320xi32, #tpu.memory_space<hbm>> -> memref<8x320xi32, #tpu.memory_space<hbm>>
        %dma_start3A_284 = arith.constant 0 : i32
        %dma_start3A_285 = tpu.memref_slice %arg4[%add3A_59, %dma_start3A_284] : memref<512x320xi32, #tpu.memory_space<hbm>> -> memref<8x320xi32, #tpu.memory_space<hbm>>
        tpu.enqueue_dma source(%dma_start3A_285 : memref<8x320xi32, #tpu.memory_space<hbm>>) target(%arg7 : memref<8x320xi32, #tpu.memory_space<vmem>>) target_semaphore(%run_scoped3A : memref<!tpu.dma_semaphore, #tpu.memory_space<semaphore_mem>>)
        %dma_wait3A_286 = arith.constant 0 : i32
        %dma_wait3A_287 = tpu.memref_slice %arg4[%add3A_59, %dma_wait3A_286] : memref<512x320xi32, #tpu.memory_space<hbm>> -> memref<8x320xi32, #tpu.memory_space<hbm>>
        %dma_wait3A_288 = arith.constant 0 : i32
        %dma_wait3A_289 = tpu.memref_slice %arg4[%add3A_59, %dma_wait3A_288] : memref<512x320xi32, #tpu.memory_space<hbm>> -> memref<8x320xi32, #tpu.memory_space<hbm>>
        tpu.wait_dma2 semaphore(%run_scoped3A : memref<!tpu.dma_semaphore, #tpu.memory_space<semaphore_mem>>) src(%dma_wait3A_289 : memref<8x320xi32, #tpu.memory_space<hbm>>) dst(%arg7 : memref<8x320xi32, #tpu.memory_space<vmem>>)
        tpu.yield
      }) : () -> ()
      %dma_start3A = arith.constant 0 : i32
      %dma_start3A_60 = arith.constant 0 : i32
      %dma_start3A_61 = tpu.memref_slice %arg6[%dma_start3A, %dma_start3A_60] : memref<8x320xi32, #tpu.memory_space<vmem>> -> memref<1x320xi32, #tpu.memory_space<vmem>>
      %dma_start3A_62 = tpu.memref_squeeze %dma_start3A_61 : memref<1x320xi32, #tpu.memory_space<vmem>> -> memref<320xi32, #tpu.memory_space<vmem>>
      %dma_start3A_63 = arith.constant 0 : i32
      %dma_start3A_64 = arith.constant 0 : i32
      %dma_start3A_65 = tpu.memref_slice %arg14[%dma_start3A_63, %dma_start3A_64] : memref<10000x64xf32, #tpu.memory_space<vmem_shared>> -> memref<10000x64xf32, #tpu.memory_space<vmem_shared>>
      tpu.enqueue_indirect_dma source(%dma_start3A_65 : memref<10000x64xf32, #tpu.memory_space<vmem_shared>>) target(%arg8 : memref<320x64xf32, #tpu.memory_space<vmem>>) offsets(%dma_start3A_62 : memref<320xi32, #tpu.memory_space<vmem>>) semaphore(%arg10 : memref<!tpu.dma_semaphore, #tpu.memory_space<semaphore_mem>>)
      %dma_wait3A = arith.constant 0 : i32
      %dma_wait3A_66 = arith.constant 0 : i32
      %dma_wait3A_67 = tpu.memref_slice %arg6[%dma_wait3A, %dma_wait3A_66] : memref<8x320xi32, #tpu.memory_space<vmem>> -> memref<1x320xi32, #tpu.memory_space<vmem>>
      %dma_wait3A_68 = tpu.memref_squeeze %dma_wait3A_67 : memref<1x320xi32, #tpu.memory_space<vmem>> -> memref<320xi32, #tpu.memory_space<vmem>>
      %dma_wait3A_69 = arith.constant 0 : i32
      %dma_wait3A_70 = arith.constant 0 : i32
      %dma_wait3A_71 = tpu.memref_slice %arg14[%dma_wait3A_69, %dma_wait3A_70] : memref<10000x64xf32, #tpu.memory_space<vmem_shared>> -> memref<10000x64xf32, #tpu.memory_space<vmem_shared>>
      tpu.wait_indirect_dma semaphore(%arg10 : memref<!tpu.dma_semaphore, #tpu.memory_space<semaphore_mem>>) src(%dma_wait3A_71 : memref<10000x64xf32, #tpu.memory_space<vmem_shared>>) dst(%arg8 : memref<320x64xf32, #tpu.memory_space<vmem>>)
      %dma_start3A_72 = arith.constant 1 : i32
      %dma_start3A_73 = arith.constant 0 : i32
      %dma_start3A_74 = tpu.memref_slice %arg6[%dma_start3A_72, %dma_start3A_73] : memref<8x320xi32, #tpu.memory_space<vmem>> -> memref<1x320xi32, #tpu.memory_space<vmem>>
      %dma_start3A_75 = tpu.memref_squeeze %dma_start3A_74 : memref<1x320xi32, #tpu.memory_space<vmem>> -> memref<320xi32, #tpu.memory_space<vmem>>
      %dma_start3A_76 = arith.constant 0 : i32
      %dma_start3A_77 = arith.constant 0 : i32
      %dma_start3A_78 = tpu.memref_slice %arg14[%dma_start3A_76, %dma_start3A_77] : memref<10000x64xf32, #tpu.memory_space<vmem_shared>> -> memref<10000x64xf32, #tpu.memory_space<vmem_shared>>
      tpu.enqueue_indirect_dma source(%dma_start3A_78 : memref<10000x64xf32, #tpu.memory_space<vmem_shared>>) target(%arg9 : memref<320x64xf32, #tpu.memory_space<vmem>>) offsets(%dma_start3A_75 : memref<320xi32, #tpu.memory_space<vmem>>) semaphore(%arg11 : memref<!tpu.dma_semaphore, #tpu.memory_space<semaphore_mem>>)
      %dma_start3A_79 = arith.constant 0 : i32
      %dma_start3A_80 = arith.constant 0 : i32
      %dma_start3A_81 = tpu.memref_slice %arg7[%dma_start3A_79, %dma_start3A_80] : memref<8x320xi32, #tpu.memory_space<vmem>> -> memref<1x320xi32, #tpu.memory_space<vmem>>
      %dma_start3A_82 = tpu.memref_squeeze %dma_start3A_81 : memref<1x320xi32, #tpu.memory_space<vmem>> -> memref<320xi32, #tpu.memory_space<vmem>>
      %dma_start3A_83 = arith.constant 0 : i32
      %dma_start3A_84 = arith.constant 0 : i32
      %dma_start3A_85 = tpu.memref_slice %arg15[%dma_start3A_83, %dma_start3A_84] : memref<10008x64xf32, #tpu.memory_space<vmem_shared>> -> memref<10008x64xf32, #tpu.memory_space<vmem_shared>>
      tpu.enqueue_indirect_dma source(%arg8 : memref<320x64xf32, #tpu.memory_space<vmem>>) target(%dma_start3A_85 : memref<10008x64xf32, #tpu.memory_space<vmem_shared>>) offsets(%dma_start3A_82 : memref<320xi32, #tpu.memory_space<vmem>>) semaphore(%arg12 : memref<!tpu.dma_semaphore, #tpu.memory_space<semaphore_mem>>) {add = true}
      %dma_wait3A_86 = arith.constant 1 : i32
      %dma_wait3A_87 = arith.constant 0 : i32
      %dma_wait3A_88 = tpu.memref_slice %arg6[%dma_wait3A_86, %dma_wait3A_87] : memref<8x320xi32, #tpu.memory_space<vmem>> -> memref<1x320xi32, #tpu.memory_space<vmem>>
      %dma_wait3A_89 = tpu.memref_squeeze %dma_wait3A_88 : memref<1x320xi32, #tpu.memory_space<vmem>> -> memref<320xi32, #tpu.memory_space<vmem>>
      %dma_wait3A_90 = arith.constant 0 : i32
      %dma_wait3A_91 = arith.constant 0 : i32
      %dma_wait3A_92 = tpu.memref_slice %arg14[%dma_wait3A_90, %dma_wait3A_91] : memref<10000x64xf32, #tpu.memory_space<vmem_shared>> -> memref<10000x64xf32, #tpu.memory_space<vmem_shared>>
      tpu.wait_indirect_dma semaphore(%arg11 : memref<!tpu.dma_semaphore, #tpu.memory_space<semaphore_mem>>) src(%dma_wait3A_92 : memref<10000x64xf32, #tpu.memory_space<vmem_shared>>) dst(%arg9 : memref<320x64xf32, #tpu.memory_space<vmem>>)
      %dma_wait3A_93 = arith.constant 0 : i32
      %dma_wait3A_94 = arith.constant 0 : i32
      %dma_wait3A_95 = tpu.memref_slice %arg7[%dma_wait3A_93, %dma_wait3A_94] : memref<8x320xi32, #tpu.memory_space<vmem>> -> memref<1x320xi32, #tpu.memory_space<vmem>>
      %dma_wait3A_96 = tpu.memref_squeeze %dma_wait3A_95 : memref<1x320xi32, #tpu.memory_space<vmem>> -> memref<320xi32, #tpu.memory_space<vmem>>
      %dma_wait3A_97 = arith.constant 0 : i32
      %dma_wait3A_98 = arith.constant 0 : i32
      %dma_wait3A_99 = tpu.memref_slice %arg15[%dma_wait3A_97, %dma_wait3A_98] : memref<10008x64xf32, #tpu.memory_space<vmem_shared>> -> memref<10008x64xf32, #tpu.memory_space<vmem_shared>>
      tpu.wait_indirect_dma semaphore(%arg12 : memref<!tpu.dma_semaphore, #tpu.memory_space<semaphore_mem>>) src(%arg8 : memref<320x64xf32, #tpu.memory_space<vmem>>) dst(%dma_wait3A_99 : memref<10008x64xf32, #tpu.memory_space<vmem_shared>>)
      %dma_start3A_100 = arith.constant 2 : i32
      %dma_start3A_101 = arith.constant 0 : i32
      %dma_start3A_102 = tpu.memref_slice %arg6[%dma_start3A_100, %dma_start3A_101] : memref<8x320xi32, #tpu.memory_space<vmem>> -> memref<1x320xi32, #tpu.memory_space<vmem>>
      %dma_start3A_103 = tpu.memref_squeeze %dma_start3A_102 : memref<1x320xi32, #tpu.memory_space<vmem>> -> memref<320xi32, #tpu.memory_space<vmem>>
      %dma_start3A_104 = arith.constant 0 : i32
      %dma_start3A_105 = arith.constant 0 : i32
      %dma_start3A_106 = tpu.memref_slice %arg14[%dma_start3A_104, %dma_start3A_105] : memref<10000x64xf32, #tpu.memory_space<vmem_shared>> -> memref<10000x64xf32, #tpu.memory_space<vmem_shared>>
      tpu.enqueue_indirect_dma source(%dma_start3A_106 : memref<10000x64xf32, #tpu.memory_space<vmem_shared>>) target(%arg8 : memref<320x64xf32, #tpu.memory_space<vmem>>) offsets(%dma_start3A_103 : memref<320xi32, #tpu.memory_space<vmem>>) semaphore(%arg10 : memref<!tpu.dma_semaphore, #tpu.memory_space<semaphore_mem>>)
      %dma_start3A_107 = arith.constant 1 : i32
      %dma_start3A_108 = arith.constant 0 : i32
      %dma_start3A_109 = tpu.memref_slice %arg7[%dma_start3A_107, %dma_start3A_108] : memref<8x320xi32, #tpu.memory_space<vmem>> -> memref<1x320xi32, #tpu.memory_space<vmem>>
      %dma_start3A_110 = tpu.memref_squeeze %dma_start3A_109 : memref<1x320xi32, #tpu.memory_space<vmem>> -> memref<320xi32, #tpu.memory_space<vmem>>
      %dma_start3A_111 = arith.constant 0 : i32
      %dma_start3A_112 = arith.constant 0 : i32
      %dma_start3A_113 = tpu.memref_slice %arg15[%dma_start3A_111, %dma_start3A_112] : memref<10008x64xf32, #tpu.memory_space<vmem_shared>> -> memref<10008x64xf32, #tpu.memory_space<vmem_shared>>
      tpu.enqueue_indirect_dma source(%arg9 : memref<320x64xf32, #tpu.memory_space<vmem>>) target(%dma_start3A_113 : memref<10008x64xf32, #tpu.memory_space<vmem_shared>>) offsets(%dma_start3A_110 : memref<320xi32, #tpu.memory_space<vmem>>) semaphore(%arg13 : memref<!tpu.dma_semaphore, #tpu.memory_space<semaphore_mem>>) {add = true}
      %dma_wait3A_114 = arith.constant 2 : i32
      %dma_wait3A_115 = arith.constant 0 : i32
      %dma_wait3A_116 = tpu.memref_slice %arg6[%dma_wait3A_114, %dma_wait3A_115] : memref<8x320xi32, #tpu.memory_space<vmem>> -> memref<1x320xi32, #tpu.memory_space<vmem>>
      %dma_wait3A_117 = tpu.memref_squeeze %dma_wait3A_116 : memref<1x320xi32, #tpu.memory_space<vmem>> -> memref<320xi32, #tpu.memory_space<vmem>>
      %dma_wait3A_118 = arith.constant 0 : i32
      %dma_wait3A_119 = arith.constant 0 : i32
      %dma_wait3A_120 = tpu.memref_slice %arg14[%dma_wait3A_118, %dma_wait3A_119] : memref<10000x64xf32, #tpu.memory_space<vmem_shared>> -> memref<10000x64xf32, #tpu.memory_space<vmem_shared>>
      tpu.wait_indirect_dma semaphore(%arg10 : memref<!tpu.dma_semaphore, #tpu.memory_space<semaphore_mem>>) src(%dma_wait3A_120 : memref<10000x64xf32, #tpu.memory_space<vmem_shared>>) dst(%arg8 : memref<320x64xf32, #tpu.memory_space<vmem>>)
      %dma_wait3A_121 = arith.constant 1 : i32
      %dma_wait3A_122 = arith.constant 0 : i32
      %dma_wait3A_123 = tpu.memref_slice %arg7[%dma_wait3A_121, %dma_wait3A_122] : memref<8x320xi32, #tpu.memory_space<vmem>> -> memref<1x320xi32, #tpu.memory_space<vmem>>
      %dma_wait3A_124 = tpu.memref_squeeze %dma_wait3A_123 : memref<1x320xi32, #tpu.memory_space<vmem>> -> memref<320xi32, #tpu.memory_space<vmem>>
      %dma_wait3A_125 = arith.constant 0 : i32
      %dma_wait3A_126 = arith.constant 0 : i32
      %dma_wait3A_127 = tpu.memref_slice %arg15[%dma_wait3A_125, %dma_wait3A_126] : memref<10008x64xf32, #tpu.memory_space<vmem_shared>> -> memref<10008x64xf32, #tpu.memory_space<vmem_shared>>
      tpu.wait_indirect_dma semaphore(%arg13 : memref<!tpu.dma_semaphore, #tpu.memory_space<semaphore_mem>>) src(%arg9 : memref<320x64xf32, #tpu.memory_space<vmem>>) dst(%dma_wait3A_127 : memref<10008x64xf32, #tpu.memory_space<vmem_shared>>)
      %dma_start3A_128 = arith.constant 3 : i32
      %dma_start3A_129 = arith.constant 0 : i32
      %dma_start3A_130 = tpu.memref_slice %arg6[%dma_start3A_128, %dma_start3A_129] : memref<8x320xi32, #tpu.memory_space<vmem>> -> memref<1x320xi32, #tpu.memory_space<vmem>>
      %dma_start3A_131 = tpu.memref_squeeze %dma_start3A_130 : memref<1x320xi32, #tpu.memory_space<vmem>> -> memref<320xi32, #tpu.memory_space<vmem>>
      %dma_start3A_132 = arith.constant 0 : i32
      %dma_start3A_133 = arith.constant 0 : i32
      %dma_start3A_134 = tpu.memref_slice %arg14[%dma_start3A_132, %dma_start3A_133] : memref<10000x64xf32, #tpu.memory_space<vmem_shared>> -> memref<10000x64xf32, #tpu.memory_space<vmem_shared>>
      tpu.enqueue_indirect_dma source(%dma_start3A_134 : memref<10000x64xf32, #tpu.memory_space<vmem_shared>>) target(%arg9 : memref<320x64xf32, #tpu.memory_space<vmem>>) offsets(%dma_start3A_131 : memref<320xi32, #tpu.memory_space<vmem>>) semaphore(%arg11 : memref<!tpu.dma_semaphore, #tpu.memory_space<semaphore_mem>>)
      %dma_start3A_135 = arith.constant 2 : i32
      %dma_start3A_136 = arith.constant 0 : i32
      %dma_start3A_137 = tpu.memref_slice %arg7[%dma_start3A_135, %dma_start3A_136] : memref<8x320xi32, #tpu.memory_space<vmem>> -> memref<1x320xi32, #tpu.memory_space<vmem>>
      %dma_start3A_138 = tpu.memref_squeeze %dma_start3A_137 : memref<1x320xi32, #tpu.memory_space<vmem>> -> memref<320xi32, #tpu.memory_space<vmem>>
      %dma_start3A_139 = arith.constant 0 : i32
      %dma_start3A_140 = arith.constant 0 : i32
      %dma_start3A_141 = tpu.memref_slice %arg15[%dma_start3A_139, %dma_start3A_140] : memref<10008x64xf32, #tpu.memory_space<vmem_shared>> -> memref<10008x64xf32, #tpu.memory_space<vmem_shared>>
      tpu.enqueue_indirect_dma source(%arg8 : memref<320x64xf32, #tpu.memory_space<vmem>>) target(%dma_start3A_141 : memref<10008x64xf32, #tpu.memory_space<vmem_shared>>) offsets(%dma_start3A_138 : memref<320xi32, #tpu.memory_space<vmem>>) semaphore(%arg12 : memref<!tpu.dma_semaphore, #tpu.memory_space<semaphore_mem>>) {add = true}
      %dma_wait3A_142 = arith.constant 3 : i32
      %dma_wait3A_143 = arith.constant 0 : i32
      %dma_wait3A_144 = tpu.memref_slice %arg6[%dma_wait3A_142, %dma_wait3A_143] : memref<8x320xi32, #tpu.memory_space<vmem>> -> memref<1x320xi32, #tpu.memory_space<vmem>>
      %dma_wait3A_145 = tpu.memref_squeeze %dma_wait3A_144 : memref<1x320xi32, #tpu.memory_space<vmem>> -> memref<320xi32, #tpu.memory_space<vmem>>
      %dma_wait3A_146 = arith.constant 0 : i32
      %dma_wait3A_147 = arith.constant 0 : i32
      %dma_wait3A_148 = tpu.memref_slice %arg14[%dma_wait3A_146, %dma_wait3A_147] : memref<10000x64xf32, #tpu.memory_space<vmem_shared>> -> memref<10000x64xf32, #tpu.memory_space<vmem_shared>>
      tpu.wait_indirect_dma semaphore(%arg11 : memref<!tpu.dma_semaphore, #tpu.memory_space<semaphore_mem>>) src(%dma_wait3A_148 : memref<10000x64xf32, #tpu.memory_space<vmem_shared>>) dst(%arg9 : memref<320x64xf32, #tpu.memory_space<vmem>>)
      %dma_wait3A_149 = arith.constant 2 : i32
      %dma_wait3A_150 = arith.constant 0 : i32
      %dma_wait3A_151 = tpu.memref_slice %arg7[%dma_wait3A_149, %dma_wait3A_150] : memref<8x320xi32, #tpu.memory_space<vmem>> -> memref<1x320xi32, #tpu.memory_space<vmem>>
      %dma_wait3A_152 = tpu.memref_squeeze %dma_wait3A_151 : memref<1x320xi32, #tpu.memory_space<vmem>> -> memref<320xi32, #tpu.memory_space<vmem>>
      %dma_wait3A_153 = arith.constant 0 : i32
      %dma_wait3A_154 = arith.constant 0 : i32
      %dma_wait3A_155 = tpu.memref_slice %arg15[%dma_wait3A_153, %dma_wait3A_154] : memref<10008x64xf32, #tpu.memory_space<vmem_shared>> -> memref<10008x64xf32, #tpu.memory_space<vmem_shared>>
      tpu.wait_indirect_dma semaphore(%arg12 : memref<!tpu.dma_semaphore, #tpu.memory_space<semaphore_mem>>) src(%arg8 : memref<320x64xf32, #tpu.memory_space<vmem>>) dst(%dma_wait3A_155 : memref<10008x64xf32, #tpu.memory_space<vmem_shared>>)
      %dma_start3A_156 = arith.constant 4 : i32
      %dma_start3A_157 = arith.constant 0 : i32
      %dma_start3A_158 = tpu.memref_slice %arg6[%dma_start3A_156, %dma_start3A_157] : memref<8x320xi32, #tpu.memory_space<vmem>> -> memref<1x320xi32, #tpu.memory_space<vmem>>
      %dma_start3A_159 = tpu.memref_squeeze %dma_start3A_158 : memref<1x320xi32, #tpu.memory_space<vmem>> -> memref<320xi32, #tpu.memory_space<vmem>>
      %dma_start3A_160 = arith.constant 0 : i32
      %dma_start3A_161 = arith.constant 0 : i32
      %dma_start3A_162 = tpu.memref_slice %arg14[%dma_start3A_160, %dma_start3A_161] : memref<10000x64xf32, #tpu.memory_space<vmem_shared>> -> memref<10000x64xf32, #tpu.memory_space<vmem_shared>>
      tpu.enqueue_indirect_dma source(%dma_start3A_162 : memref<10000x64xf32, #tpu.memory_space<vmem_shared>>) target(%arg8 : memref<320x64xf32, #tpu.memory_space<vmem>>) offsets(%dma_start3A_159 : memref<320xi32, #tpu.memory_space<vmem>>) semaphore(%arg10 : memref<!tpu.dma_semaphore, #tpu.memory_space<semaphore_mem>>)
      %dma_start3A_163 = arith.constant 3 : i32
      %dma_start3A_164 = arith.constant 0 : i32
      %dma_start3A_165 = tpu.memref_slice %arg7[%dma_start3A_163, %dma_start3A_164] : memref<8x320xi32, #tpu.memory_space<vmem>> -> memref<1x320xi32, #tpu.memory_space<vmem>>
      %dma_start3A_166 = tpu.memref_squeeze %dma_start3A_165 : memref<1x320xi32, #tpu.memory_space<vmem>> -> memref<320xi32, #tpu.memory_space<vmem>>
      %dma_start3A_167 = arith.constant 0 : i32
      %dma_start3A_168 = arith.constant 0 : i32
      %dma_start3A_169 = tpu.memref_slice %arg15[%dma_start3A_167, %dma_start3A_168] : memref<10008x64xf32, #tpu.memory_space<vmem_shared>> -> memref<10008x64xf32, #tpu.memory_space<vmem_shared>>
      tpu.enqueue_indirect_dma source(%arg9 : memref<320x64xf32, #tpu.memory_space<vmem>>) target(%dma_start3A_169 : memref<10008x64xf32, #tpu.memory_space<vmem_shared>>) offsets(%dma_start3A_166 : memref<320xi32, #tpu.memory_space<vmem>>) semaphore(%arg13 : memref<!tpu.dma_semaphore, #tpu.memory_space<semaphore_mem>>) {add = true}
      %dma_wait3A_170 = arith.constant 4 : i32
      %dma_wait3A_171 = arith.constant 0 : i32
      %dma_wait3A_172 = tpu.memref_slice %arg6[%dma_wait3A_170, %dma_wait3A_171] : memref<8x320xi32, #tpu.memory_space<vmem>> -> memref<1x320xi32, #tpu.memory_space<vmem>>
      %dma_wait3A_173 = tpu.memref_squeeze %dma_wait3A_172 : memref<1x320xi32, #tpu.memory_space<vmem>> -> memref<320xi32, #tpu.memory_space<vmem>>
      %dma_wait3A_174 = arith.constant 0 : i32
      %dma_wait3A_175 = arith.constant 0 : i32
      %dma_wait3A_176 = tpu.memref_slice %arg14[%dma_wait3A_174, %dma_wait3A_175] : memref<10000x64xf32, #tpu.memory_space<vmem_shared>> -> memref<10000x64xf32, #tpu.memory_space<vmem_shared>>
      tpu.wait_indirect_dma semaphore(%arg10 : memref<!tpu.dma_semaphore, #tpu.memory_space<semaphore_mem>>) src(%dma_wait3A_176 : memref<10000x64xf32, #tpu.memory_space<vmem_shared>>) dst(%arg8 : memref<320x64xf32, #tpu.memory_space<vmem>>)
      %dma_wait3A_177 = arith.constant 3 : i32
      %dma_wait3A_178 = arith.constant 0 : i32
      %dma_wait3A_179 = tpu.memref_slice %arg7[%dma_wait3A_177, %dma_wait3A_178] : memref<8x320xi32, #tpu.memory_space<vmem>> -> memref<1x320xi32, #tpu.memory_space<vmem>>
      %dma_wait3A_180 = tpu.memref_squeeze %dma_wait3A_179 : memref<1x320xi32, #tpu.memory_space<vmem>> -> memref<320xi32, #tpu.memory_space<vmem>>
      %dma_wait3A_181 = arith.constant 0 : i32
      %dma_wait3A_182 = arith.constant 0 : i32
      %dma_wait3A_183 = tpu.memref_slice %arg15[%dma_wait3A_181, %dma_wait3A_182] : memref<10008x64xf32, #tpu.memory_space<vmem_shared>> -> memref<10008x64xf32, #tpu.memory_space<vmem_shared>>
      tpu.wait_indirect_dma semaphore(%arg13 : memref<!tpu.dma_semaphore, #tpu.memory_space<semaphore_mem>>) src(%arg9 : memref<320x64xf32, #tpu.memory_space<vmem>>) dst(%dma_wait3A_183 : memref<10008x64xf32, #tpu.memory_space<vmem_shared>>)
      %dma_start3A_184 = arith.constant 5 : i32
      %dma_start3A_185 = arith.constant 0 : i32
      %dma_start3A_186 = tpu.memref_slice %arg6[%dma_start3A_184, %dma_start3A_185] : memref<8x320xi32, #tpu.memory_space<vmem>> -> memref<1x320xi32, #tpu.memory_space<vmem>>
      %dma_start3A_187 = tpu.memref_squeeze %dma_start3A_186 : memref<1x320xi32, #tpu.memory_space<vmem>> -> memref<320xi32, #tpu.memory_space<vmem>>
      %dma_start3A_188 = arith.constant 0 : i32
      %dma_start3A_189 = arith.constant 0 : i32
      %dma_start3A_190 = tpu.memref_slice %arg14[%dma_start3A_188, %dma_start3A_189] : memref<10000x64xf32, #tpu.memory_space<vmem_shared>> -> memref<10000x64xf32, #tpu.memory_space<vmem_shared>>
      tpu.enqueue_indirect_dma source(%dma_start3A_190 : memref<10000x64xf32, #tpu.memory_space<vmem_shared>>) target(%arg9 : memref<320x64xf32, #tpu.memory_space<vmem>>) offsets(%dma_start3A_187 : memref<320xi32, #tpu.memory_space<vmem>>) semaphore(%arg11 : memref<!tpu.dma_semaphore, #tpu.memory_space<semaphore_mem>>)
      %dma_start3A_191 = arith.constant 4 : i32
      %dma_start3A_192 = arith.constant 0 : i32
      %dma_start3A_193 = tpu.memref_slice %arg7[%dma_start3A_191, %dma_start3A_192] : memref<8x320xi32, #tpu.memory_space<vmem>> -> memref<1x320xi32, #tpu.memory_space<vmem>>
      %dma_start3A_194 = tpu.memref_squeeze %dma_start3A_193 : memref<1x320xi32, #tpu.memory_space<vmem>> -> memref<320xi32, #tpu.memory_space<vmem>>
      %dma_start3A_195 = arith.constant 0 : i32
      %dma_start3A_196 = arith.constant 0 : i32
      %dma_start3A_197 = tpu.memref_slice %arg15[%dma_start3A_195, %dma_start3A_196] : memref<10008x64xf32, #tpu.memory_space<vmem_shared>> -> memref<10008x64xf32, #tpu.memory_space<vmem_shared>>
      tpu.enqueue_indirect_dma source(%arg8 : memref<320x64xf32, #tpu.memory_space<vmem>>) target(%dma_start3A_197 : memref<10008x64xf32, #tpu.memory_space<vmem_shared>>) offsets(%dma_start3A_194 : memref<320xi32, #tpu.memory_space<vmem>>) semaphore(%arg12 : memref<!tpu.dma_semaphore, #tpu.memory_space<semaphore_mem>>) {add = true}
      %dma_wait3A_198 = arith.constant 5 : i32
      %dma_wait3A_199 = arith.constant 0 : i32
      %dma_wait3A_200 = tpu.memref_slice %arg6[%dma_wait3A_198, %dma_wait3A_199] : memref<8x320xi32, #tpu.memory_space<vmem>> -> memref<1x320xi32, #tpu.memory_space<vmem>>
      %dma_wait3A_201 = tpu.memref_squeeze %dma_wait3A_200 : memref<1x320xi32, #tpu.memory_space<vmem>> -> memref<320xi32, #tpu.memory_space<vmem>>
      %dma_wait3A_202 = arith.constant 0 : i32
      %dma_wait3A_203 = arith.constant 0 : i32
      %dma_wait3A_204 = tpu.memref_slice %arg14[%dma_wait3A_202, %dma_wait3A_203] : memref<10000x64xf32, #tpu.memory_space<vmem_shared>> -> memref<10000x64xf32, #tpu.memory_space<vmem_shared>>
      tpu.wait_indirect_dma semaphore(%arg11 : memref<!tpu.dma_semaphore, #tpu.memory_space<semaphore_mem>>) src(%dma_wait3A_204 : memref<10000x64xf32, #tpu.memory_space<vmem_shared>>) dst(%arg9 : memref<320x64xf32, #tpu.memory_space<vmem>>)
      %dma_wait3A_205 = arith.constant 4 : i32
      %dma_wait3A_206 = arith.constant 0 : i32
      %dma_wait3A_207 = tpu.memref_slice %arg7[%dma_wait3A_205, %dma_wait3A_206] : memref<8x320xi32, #tpu.memory_space<vmem>> -> memref<1x320xi32, #tpu.memory_space<vmem>>
      %dma_wait3A_208 = tpu.memref_squeeze %dma_wait3A_207 : memref<1x320xi32, #tpu.memory_space<vmem>> -> memref<320xi32, #tpu.memory_space<vmem>>
      %dma_wait3A_209 = arith.constant 0 : i32
      %dma_wait3A_210 = arith.constant 0 : i32
      %dma_wait3A_211 = tpu.memref_slice %arg15[%dma_wait3A_209, %dma_wait3A_210] : memref<10008x64xf32, #tpu.memory_space<vmem_shared>> -> memref<10008x64xf32, #tpu.memory_space<vmem_shared>>
      tpu.wait_indirect_dma semaphore(%arg12 : memref<!tpu.dma_semaphore, #tpu.memory_space<semaphore_mem>>) src(%arg8 : memref<320x64xf32, #tpu.memory_space<vmem>>) dst(%dma_wait3A_211 : memref<10008x64xf32, #tpu.memory_space<vmem_shared>>)
      %dma_start3A_212 = arith.constant 6 : i32
      %dma_start3A_213 = arith.constant 0 : i32
      %dma_start3A_214 = tpu.memref_slice %arg6[%dma_start3A_212, %dma_start3A_213] : memref<8x320xi32, #tpu.memory_space<vmem>> -> memref<1x320xi32, #tpu.memory_space<vmem>>
      %dma_start3A_215 = tpu.memref_squeeze %dma_start3A_214 : memref<1x320xi32, #tpu.memory_space<vmem>> -> memref<320xi32, #tpu.memory_space<vmem>>
      %dma_start3A_216 = arith.constant 0 : i32
      %dma_start3A_217 = arith.constant 0 : i32
      %dma_start3A_218 = tpu.memref_slice %arg14[%dma_start3A_216, %dma_start3A_217] : memref<10000x64xf32, #tpu.memory_space<vmem_shared>> -> memref<10000x64xf32, #tpu.memory_space<vmem_shared>>
      tpu.enqueue_indirect_dma source(%dma_start3A_218 : memref<10000x64xf32, #tpu.memory_space<vmem_shared>>) target(%arg8 : memref<320x64xf32, #tpu.memory_space<vmem>>) offsets(%dma_start3A_215 : memref<320xi32, #tpu.memory_space<vmem>>) semaphore(%arg10 : memref<!tpu.dma_semaphore, #tpu.memory_space<semaphore_mem>>)
      %dma_start3A_219 = arith.constant 5 : i32
      %dma_start3A_220 = arith.constant 0 : i32
      %dma_start3A_221 = tpu.memref_slice %arg7[%dma_start3A_219, %dma_start3A_220] : memref<8x320xi32, #tpu.memory_space<vmem>> -> memref<1x320xi32, #tpu.memory_space<vmem>>
      %dma_start3A_222 = tpu.memref_squeeze %dma_start3A_221 : memref<1x320xi32, #tpu.memory_space<vmem>> -> memref<320xi32, #tpu.memory_space<vmem>>
      %dma_start3A_223 = arith.constant 0 : i32
      %dma_start3A_224 = arith.constant 0 : i32
      %dma_start3A_225 = tpu.memref_slice %arg15[%dma_start3A_223, %dma_start3A_224] : memref<10008x64xf32, #tpu.memory_space<vmem_shared>> -> memref<10008x64xf32, #tpu.memory_space<vmem_shared>>
      tpu.enqueue_indirect_dma source(%arg9 : memref<320x64xf32, #tpu.memory_space<vmem>>) target(%dma_start3A_225 : memref<10008x64xf32, #tpu.memory_space<vmem_shared>>) offsets(%dma_start3A_222 : memref<320xi32, #tpu.memory_space<vmem>>) semaphore(%arg13 : memref<!tpu.dma_semaphore, #tpu.memory_space<semaphore_mem>>) {add = true}
      %dma_wait3A_226 = arith.constant 6 : i32
      %dma_wait3A_227 = arith.constant 0 : i32
      %dma_wait3A_228 = tpu.memref_slice %arg6[%dma_wait3A_226, %dma_wait3A_227] : memref<8x320xi32, #tpu.memory_space<vmem>> -> memref<1x320xi32, #tpu.memory_space<vmem>>
      %dma_wait3A_229 = tpu.memref_squeeze %dma_wait3A_228 : memref<1x320xi32, #tpu.memory_space<vmem>> -> memref<320xi32, #tpu.memory_space<vmem>>
      %dma_wait3A_230 = arith.constant 0 : i32
      %dma_wait3A_231 = arith.constant 0 : i32
      %dma_wait3A_232 = tpu.memref_slice %arg14[%dma_wait3A_230, %dma_wait3A_231] : memref<10000x64xf32, #tpu.memory_space<vmem_shared>> -> memref<10000x64xf32, #tpu.memory_space<vmem_shared>>
      tpu.wait_indirect_dma semaphore(%arg10 : memref<!tpu.dma_semaphore, #tpu.memory_space<semaphore_mem>>) src(%dma_wait3A_232 : memref<10000x64xf32, #tpu.memory_space<vmem_shared>>) dst(%arg8 : memref<320x64xf32, #tpu.memory_space<vmem>>)
      %dma_wait3A_233 = arith.constant 5 : i32
      %dma_wait3A_234 = arith.constant 0 : i32
      %dma_wait3A_235 = tpu.memref_slice %arg7[%dma_wait3A_233, %dma_wait3A_234] : memref<8x320xi32, #tpu.memory_space<vmem>> -> memref<1x320xi32, #tpu.memory_space<vmem>>
      %dma_wait3A_236 = tpu.memref_squeeze %dma_wait3A_235 : memref<1x320xi32, #tpu.memory_space<vmem>> -> memref<320xi32, #tpu.memory_space<vmem>>
      %dma_wait3A_237 = arith.constant 0 : i32
      %dma_wait3A_238 = arith.constant 0 : i32
      %dma_wait3A_239 = tpu.memref_slice %arg15[%dma_wait3A_237, %dma_wait3A_238] : memref<10008x64xf32, #tpu.memory_space<vmem_shared>> -> memref<10008x64xf32, #tpu.memory_space<vmem_shared>>
      tpu.wait_indirect_dma semaphore(%arg13 : memref<!tpu.dma_semaphore, #tpu.memory_space<semaphore_mem>>) src(%arg9 : memref<320x64xf32, #tpu.memory_space<vmem>>) dst(%dma_wait3A_239 : memref<10008x64xf32, #tpu.memory_space<vmem_shared>>)
      %dma_start3A_240 = arith.constant 7 : i32
      %dma_start3A_241 = arith.constant 0 : i32
      %dma_start3A_242 = tpu.memref_slice %arg6[%dma_start3A_240, %dma_start3A_241] : memref<8x320xi32, #tpu.memory_space<vmem>> -> memref<1x320xi32, #tpu.memory_space<vmem>>
      %dma_start3A_243 = tpu.memref_squeeze %dma_start3A_242 : memref<1x320xi32, #tpu.memory_space<vmem>> -> memref<320xi32, #tpu.memory_space<vmem>>
      %dma_start3A_244 = arith.constant 0 : i32
      %dma_start3A_245 = arith.constant 0 : i32
      %dma_start3A_246 = tpu.memref_slice %arg14[%dma_start3A_244, %dma_start3A_245] : memref<10000x64xf32, #tpu.memory_space<vmem_shared>> -> memref<10000x64xf32, #tpu.memory_space<vmem_shared>>
      tpu.enqueue_indirect_dma source(%dma_start3A_246 : memref<10000x64xf32, #tpu.memory_space<vmem_shared>>) target(%arg9 : memref<320x64xf32, #tpu.memory_space<vmem>>) offsets(%dma_start3A_243 : memref<320xi32, #tpu.memory_space<vmem>>) semaphore(%arg11 : memref<!tpu.dma_semaphore, #tpu.memory_space<semaphore_mem>>)
      %dma_start3A_247 = arith.constant 6 : i32
      %dma_start3A_248 = arith.constant 0 : i32
      %dma_start3A_249 = tpu.memref_slice %arg7[%dma_start3A_247, %dma_start3A_248] : memref<8x320xi32, #tpu.memory_space<vmem>> -> memref<1x320xi32, #tpu.memory_space<vmem>>
      %dma_start3A_250 = tpu.memref_squeeze %dma_start3A_249 : memref<1x320xi32, #tpu.memory_space<vmem>> -> memref<320xi32, #tpu.memory_space<vmem>>
      %dma_start3A_251 = arith.constant 0 : i32
      %dma_start3A_252 = arith.constant 0 : i32
      %dma_start3A_253 = tpu.memref_slice %arg15[%dma_start3A_251, %dma_start3A_252] : memref<10008x64xf32, #tpu.memory_space<vmem_shared>> -> memref<10008x64xf32, #tpu.memory_space<vmem_shared>>
      tpu.enqueue_indirect_dma source(%arg8 : memref<320x64xf32, #tpu.memory_space<vmem>>) target(%dma_start3A_253 : memref<10008x64xf32, #tpu.memory_space<vmem_shared>>) offsets(%dma_start3A_250 : memref<320xi32, #tpu.memory_space<vmem>>) semaphore(%arg12 : memref<!tpu.dma_semaphore, #tpu.memory_space<semaphore_mem>>) {add = true}
      %dma_wait3A_254 = arith.constant 7 : i32
      %dma_wait3A_255 = arith.constant 0 : i32
      %dma_wait3A_256 = tpu.memref_slice %arg6[%dma_wait3A_254, %dma_wait3A_255] : memref<8x320xi32, #tpu.memory_space<vmem>> -> memref<1x320xi32, #tpu.memory_space<vmem>>
      %dma_wait3A_257 = tpu.memref_squeeze %dma_wait3A_256 : memref<1x320xi32, #tpu.memory_space<vmem>> -> memref<320xi32, #tpu.memory_space<vmem>>
      %dma_wait3A_258 = arith.constant 0 : i32
      %dma_wait3A_259 = arith.constant 0 : i32
      %dma_wait3A_260 = tpu.memref_slice %arg14[%dma_wait3A_258, %dma_wait3A_259] : memref<10000x64xf32, #tpu.memory_space<vmem_shared>> -> memref<10000x64xf32, #tpu.memory_space<vmem_shared>>
      tpu.wait_indirect_dma semaphore(%arg11 : memref<!tpu.dma_semaphore, #tpu.memory_space<semaphore_mem>>) src(%dma_wait3A_260 : memref<10000x64xf32, #tpu.memory_space<vmem_shared>>) dst(%arg9 : memref<320x64xf32, #tpu.memory_space<vmem>>)
      %dma_start3A_261 = arith.constant 7 : i32
      %dma_start3A_262 = arith.constant 0 : i32
      %dma_start3A_263 = tpu.memref_slice %arg7[%dma_start3A_261, %dma_start3A_262] : memref<8x320xi32, #tpu.memory_space<vmem>> -> memref<1x320xi32, #tpu.memory_space<vmem>>
      %dma_start3A_264 = tpu.memref_squeeze %dma_start3A_263 : memref<1x320xi32, #tpu.memory_space<vmem>> -> memref<320xi32, #tpu.memory_space<vmem>>
      %dma_start3A_265 = arith.constant 0 : i32
      %dma_start3A_266 = arith.constant 0 : i32
      %dma_start3A_267 = tpu.memref_slice %arg15[%dma_start3A_265, %dma_start3A_266] : memref<10008x64xf32, #tpu.memory_space<vmem_shared>> -> memref<10008x64xf32, #tpu.memory_space<vmem_shared>>
      tpu.enqueue_indirect_dma source(%arg9 : memref<320x64xf32, #tpu.memory_space<vmem>>) target(%dma_start3A_267 : memref<10008x64xf32, #tpu.memory_space<vmem_shared>>) offsets(%dma_start3A_264 : memref<320xi32, #tpu.memory_space<vmem>>) semaphore(%arg13 : memref<!tpu.dma_semaphore, #tpu.memory_space<semaphore_mem>>) {add = true}
      %dma_wait3A_268 = arith.constant 6 : i32
      %dma_wait3A_269 = arith.constant 0 : i32
      %dma_wait3A_270 = tpu.memref_slice %arg7[%dma_wait3A_268, %dma_wait3A_269] : memref<8x320xi32, #tpu.memory_space<vmem>> -> memref<1x320xi32, #tpu.memory_space<vmem>>
      %dma_wait3A_271 = tpu.memref_squeeze %dma_wait3A_270 : memref<1x320xi32, #tpu.memory_space<vmem>> -> memref<320xi32, #tpu.memory_space<vmem>>
      %dma_wait3A_272 = arith.constant 0 : i32
      %dma_wait3A_273 = arith.constant 0 : i32
      %dma_wait3A_274 = tpu.memref_slice %arg15[%dma_wait3A_272, %dma_wait3A_273] : memref<10008x64xf32, #tpu.memory_space<vmem_shared>> -> memref<10008x64xf32, #tpu.memory_space<vmem_shared>>
      tpu.wait_indirect_dma semaphore(%arg12 : memref<!tpu.dma_semaphore, #tpu.memory_space<semaphore_mem>>) src(%arg8 : memref<320x64xf32, #tpu.memory_space<vmem>>) dst(%dma_wait3A_274 : memref<10008x64xf32, #tpu.memory_space<vmem_shared>>)
      %dma_wait3A_275 = arith.constant 7 : i32
      %dma_wait3A_276 = arith.constant 0 : i32
      %dma_wait3A_277 = tpu.memref_slice %arg7[%dma_wait3A_275, %dma_wait3A_276] : memref<8x320xi32, #tpu.memory_space<vmem>> -> memref<1x320xi32, #tpu.memory_space<vmem>>
      %dma_wait3A_278 = tpu.memref_squeeze %dma_wait3A_277 : memref<1x320xi32, #tpu.memory_space<vmem>> -> memref<320xi32, #tpu.memory_space<vmem>>
      %dma_wait3A_279 = arith.constant 0 : i32
      %dma_wait3A_280 = arith.constant 0 : i32
      %dma_wait3A_281 = tpu.memref_slice %arg15[%dma_wait3A_279, %dma_wait3A_280] : memref<10008x64xf32, #tpu.memory_space<vmem_shared>> -> memref<10008x64xf32, #tpu.memory_space<vmem_shared>>
      tpu.wait_indirect_dma semaphore(%arg13 : memref<!tpu.dma_semaphore, #tpu.memory_space<semaphore_mem>>) src(%arg9 : memref<320x64xf32, #tpu.memory_space<vmem>>) dst(%dma_wait3A_281 : memref<10008x64xf32, #tpu.memory_space<vmem_shared>>)
    }
    %scan3A_18 = arith.constant 4 : i32
    %barrier3A_19 = arith.constant 0 : index
    tpu.barrier barrier_id(%barrier3A_19)
    %mul3A_20 = arith.constant 625 : i32
    %mul3A_21 = arith.muli %arg1, %mul3A_20 : i32
    %mul3A_22 = arith.constant 625 : i32
    %mul3A_23 = arith.muli %arg1, %mul3A_22 : i32
    "tpu.region"() ({
      %run_scoped3A = tpu.sem_alloc : memref<!tpu.dma_semaphore, #tpu.memory_space<semaphore_mem>>
      %dma_start3A = arith.constant 0 : i32
      %dma_start3A_53 = tpu.memref_slice %arg5[%add3A_1, %mul3A_23, %dma_start3A] : memref<4x10000x64xf32, #tpu.memory_space<hbm>> -> memref<1x625x64xf32, #tpu.memory_space<hbm>>
      %dma_start3A_54 = tpu.memref_squeeze %dma_start3A_53 : memref<1x625x64xf32, #tpu.memory_space<hbm>> -> memref<625x64xf32, #tpu.memory_space<hbm>>
      %dma_start3A_55 = arith.constant 0 : i32
      %dma_start3A_56 = tpu.memref_slice %arg15[%mul3A_21, %dma_start3A_55] : memref<10008x64xf32, #tpu.memory_space<vmem_shared>> -> memref<625x64xf32, #tpu.memory_space<vmem_shared>>
      tpu.enqueue_dma source(%dma_start3A_56 : memref<625x64xf32, #tpu.memory_space<vmem_shared>>) target(%dma_start3A_54 : memref<625x64xf32, #tpu.memory_space<hbm>>) target_semaphore(%run_scoped3A : memref<!tpu.dma_semaphore, #tpu.memory_space<semaphore_mem>>)
      %dma_wait3A = arith.constant 0 : i32
      %dma_wait3A_57 = tpu.memref_slice %arg5[%add3A_1, %mul3A_23, %dma_wait3A] : memref<4x10000x64xf32, #tpu.memory_space<hbm>> -> memref<1x625x64xf32, #tpu.memory_space<hbm>>
      %dma_wait3A_58 = tpu.memref_squeeze %dma_wait3A_57 : memref<1x625x64xf32, #tpu.memory_space<hbm>> -> memref<625x64xf32, #tpu.memory_space<hbm>>
      %dma_wait3A_59 = arith.constant 0 : i32
      %dma_wait3A_60 = tpu.memref_slice %arg15[%mul3A_21, %dma_wait3A_59] : memref<10008x64xf32, #tpu.memory_space<vmem_shared>> -> memref<625x64xf32, #tpu.memory_space<vmem_shared>>
      tpu.wait_dma2 semaphore(%run_scoped3A : memref<!tpu.dma_semaphore, #tpu.memory_space<semaphore_mem>>) src(%dma_wait3A_60 : memref<625x64xf32, #tpu.memory_space<vmem_shared>>) dst(%dma_wait3A_58 : memref<625x64xf32, #tpu.memory_space<hbm>>)
      tpu.yield
    }) : () -> ()
    %barrier3A_24 = arith.constant 0 : index
    tpu.barrier barrier_id(%barrier3A_24)
    %mul3A_25 = arith.constant 2 : i32
    %mul3A_26 = arith.muli %arg0, %mul3A_25 : i32
    %add3A_27 = arith.constant 1 : i32
    %add3A_28 = arith.addi %mul3A_26, %add3A_27 : i32
    %mul3A_29 = arith.constant 625 : i32
    %mul3A_30 = arith.muli %arg1, %mul3A_29 : i32
    %mul3A_31 = arith.constant 625 : i32
    %mul3A_32 = arith.muli %arg1, %mul3A_31 : i32
    "tpu.region"() ({
      %run_scoped3A = tpu.sem_alloc : memref<!tpu.dma_semaphore, #tpu.memory_space<semaphore_mem>>
      %dma_start3A = arith.constant 0 : i32
      %dma_start3A_53 = tpu.memref_slice %arg14[%mul3A_32, %dma_start3A] : memref<10000x64xf32, #tpu.memory_space<vmem_shared>> -> memref<625x64xf32, #tpu.memory_space<vmem_shared>>
      %dma_start3A_54 = arith.constant 0 : i32
      %dma_start3A_55 = tpu.memref_slice %arg2[%add3A_28, %mul3A_30, %dma_start3A_54] : memref<4x10000x64xf32, #tpu.memory_space<hbm>> -> memref<1x625x64xf32, #tpu.memory_space<hbm>>
      %dma_start3A_56 = tpu.memref_squeeze %dma_start3A_55 : memref<1x625x64xf32, #tpu.memory_space<hbm>> -> memref<625x64xf32, #tpu.memory_space<hbm>>
      tpu.enqueue_dma source(%dma_start3A_56 : memref<625x64xf32, #tpu.memory_space<hbm>>) target(%dma_start3A_53 : memref<625x64xf32, #tpu.memory_space<vmem_shared>>) target_semaphore(%run_scoped3A : memref<!tpu.dma_semaphore, #tpu.memory_space<semaphore_mem>>)
      %dma_wait3A = arith.constant 0 : i32
      %dma_wait3A_57 = tpu.memref_slice %arg14[%mul3A_32, %dma_wait3A] : memref<10000x64xf32, #tpu.memory_space<vmem_shared>> -> memref<625x64xf32, #tpu.memory_space<vmem_shared>>
      %dma_wait3A_58 = arith.constant 0 : i32
      %dma_wait3A_59 = tpu.memref_slice %arg2[%add3A_28, %mul3A_30, %dma_wait3A_58] : memref<4x10000x64xf32, #tpu.memory_space<hbm>> -> memref<1x625x64xf32, #tpu.memory_space<hbm>>
      %dma_wait3A_60 = tpu.memref_squeeze %dma_wait3A_59 : memref<1x625x64xf32, #tpu.memory_space<hbm>> -> memref<625x64xf32, #tpu.memory_space<hbm>>
      tpu.wait_dma2 semaphore(%run_scoped3A : memref<!tpu.dma_semaphore, #tpu.memory_space<semaphore_mem>>) src(%dma_wait3A_60 : memref<625x64xf32, #tpu.memory_space<hbm>>) dst(%dma_wait3A_57 : memref<625x64xf32, #tpu.memory_space<vmem_shared>>)
      tpu.yield
    }) : () -> ()
    %mul3A_33 = arith.constant 625 : i32
    %mul3A_34 = arith.muli %arg1, %mul3A_33 : i32
    %mul3A_35 = arith.constant 625 : i32
    %mul3A_36 = arith.muli %arg1, %mul3A_35 : i32
    "tpu.region"() ({
      %run_scoped3A = tpu.sem_alloc : memref<!tpu.dma_semaphore, #tpu.memory_space<semaphore_mem>>
      %dma_start3A = arith.constant 0 : i32
      %dma_start3A_53 = tpu.memref_slice %arg15[%mul3A_36, %dma_start3A] : memref<10008x64xf32, #tpu.memory_space<vmem_shared>> -> memref<625x64xf32, #tpu.memory_space<vmem_shared>>
      %dma_start3A_54 = arith.constant 0 : i32
      %dma_start3A_55 = tpu.memref_slice %arg2[%add3A_28, %mul3A_34, %dma_start3A_54] : memref<4x10000x64xf32, #tpu.memory_space<hbm>> -> memref<1x625x64xf32, #tpu.memory_space<hbm>>
      %dma_start3A_56 = tpu.memref_squeeze %dma_start3A_55 : memref<1x625x64xf32, #tpu.memory_space<hbm>> -> memref<625x64xf32, #tpu.memory_space<hbm>>
      tpu.enqueue_dma source(%dma_start3A_56 : memref<625x64xf32, #tpu.memory_space<hbm>>) target(%dma_start3A_53 : memref<625x64xf32, #tpu.memory_space<vmem_shared>>) target_semaphore(%run_scoped3A : memref<!tpu.dma_semaphore, #tpu.memory_space<semaphore_mem>>)
      %dma_wait3A = arith.constant 0 : i32
      %dma_wait3A_57 = tpu.memref_slice %arg15[%mul3A_36, %dma_wait3A] : memref<10008x64xf32, #tpu.memory_space<vmem_shared>> -> memref<625x64xf32, #tpu.memory_space<vmem_shared>>
      %dma_wait3A_58 = arith.constant 0 : i32
      %dma_wait3A_59 = tpu.memref_slice %arg2[%add3A_28, %mul3A_34, %dma_wait3A_58] : memref<4x10000x64xf32, #tpu.memory_space<hbm>> -> memref<1x625x64xf32, #tpu.memory_space<hbm>>
      %dma_wait3A_60 = tpu.memref_squeeze %dma_wait3A_59 : memref<1x625x64xf32, #tpu.memory_space<hbm>> -> memref<625x64xf32, #tpu.memory_space<hbm>>
      tpu.wait_dma2 semaphore(%run_scoped3A : memref<!tpu.dma_semaphore, #tpu.memory_space<semaphore_mem>>) src(%dma_wait3A_60 : memref<625x64xf32, #tpu.memory_space<hbm>>) dst(%dma_wait3A_57 : memref<625x64xf32, #tpu.memory_space<vmem_shared>>)
      tpu.yield
    }) : () -> ()
    %barrier3A_37 = arith.constant 0 : index
    tpu.barrier barrier_id(%barrier3A_37)
    %mul3A_38 = arith.constant 32 : i32
    %mul3A_39 = arith.muli %arg1, %mul3A_38 : i32
    %mul3A_40 = arith.constant 32 : i32
    %mul3A_41 = arith.muli %arg1, %mul3A_40 : i32
    %scan3A_42 = arith.constant 0 : i32
    %scan3A_43 = arith.constant 0 : i32
    %scan3A_44 = arith.constant 4 : i32
    %scan3A_45 = arith.addi %scan3A_43, %scan3A_44 : i32
    %scan3A_46 = arith.constant 1 : i32
    scf.for %scan3A_53 = %scan3A_43 to %scan3A_45 step %scan3A_46  : i32 {
      %mul3A_54 = arith.constant 8 : i32
      %mul3A_55 = arith.muli %scan3A_53, %mul3A_54 : i32
      %add3A_56 = arith.addi %mul3A_39, %mul3A_55 : i32
      "tpu.region"() ({
        %run_scoped3A = tpu.sem_alloc : memref<!tpu.dma_semaphore, #tpu.memory_space<semaphore_mem>>
        %dma_start3A_282 = arith.constant 0 : i32
        %dma_start3A_283 = tpu.memref_slice %arg3[%add3A_56, %dma_start3A_282] : memref<512x320xi32, #tpu.memory_space<hbm>> -> memref<8x320xi32, #tpu.memory_space<hbm>>
        %dma_start3A_284 = arith.constant 0 : i32
        %dma_start3A_285 = tpu.memref_slice %arg3[%add3A_56, %dma_start3A_284] : memref<512x320xi32, #tpu.memory_space<hbm>> -> memref<8x320xi32, #tpu.memory_space<hbm>>
        tpu.enqueue_dma source(%dma_start3A_285 : memref<8x320xi32, #tpu.memory_space<hbm>>) target(%arg6 : memref<8x320xi32, #tpu.memory_space<vmem>>) target_semaphore(%run_scoped3A : memref<!tpu.dma_semaphore, #tpu.memory_space<semaphore_mem>>)
        %dma_wait3A_286 = arith.constant 0 : i32
        %dma_wait3A_287 = tpu.memref_slice %arg3[%add3A_56, %dma_wait3A_286] : memref<512x320xi32, #tpu.memory_space<hbm>> -> memref<8x320xi32, #tpu.memory_space<hbm>>
        %dma_wait3A_288 = arith.constant 0 : i32
        %dma_wait3A_289 = tpu.memref_slice %arg3[%add3A_56, %dma_wait3A_288] : memref<512x320xi32, #tpu.memory_space<hbm>> -> memref<8x320xi32, #tpu.memory_space<hbm>>
        tpu.wait_dma2 semaphore(%run_scoped3A : memref<!tpu.dma_semaphore, #tpu.memory_space<semaphore_mem>>) src(%dma_wait3A_289 : memref<8x320xi32, #tpu.memory_space<hbm>>) dst(%arg6 : memref<8x320xi32, #tpu.memory_space<vmem>>)
        tpu.yield
      }) : () -> ()
      %mul3A_57 = arith.constant 8 : i32
      %mul3A_58 = arith.muli %scan3A_53, %mul3A_57 : i32
      %add3A_59 = arith.addi %mul3A_41, %mul3A_58 : i32
      "tpu.region"() ({
        %run_scoped3A = tpu.sem_alloc : memref<!tpu.dma_semaphore, #tpu.memory_space<semaphore_mem>>
        %dma_start3A_282 = arith.constant 0 : i32
        %dma_start3A_283 = tpu.memref_slice %arg4[%add3A_59, %dma_start3A_282] : memref<512x320xi32, #tpu.memory_space<hbm>> -> memref<8x320xi32, #tpu.memory_space<hbm>>
        %dma_start3A_284 = arith.constant 0 : i32
        %dma_start3A_285 = tpu.memref_slice %arg4[%add3A_59, %dma_start3A_284] : memref<512x320xi32, #tpu.memory_space<hbm>> -> memref<8x320xi32, #tpu.memory_space<hbm>>
        tpu.enqueue_dma source(%dma_start3A_285 : memref<8x320xi32, #tpu.memory_space<hbm>>) target(%arg7 : memref<8x320xi32, #tpu.memory_space<vmem>>) target_semaphore(%run_scoped3A : memref<!tpu.dma_semaphore, #tpu.memory_space<semaphore_mem>>)
        %dma_wait3A_286 = arith.constant 0 : i32
        %dma_wait3A_287 = tpu.memref_slice %arg4[%add3A_59, %dma_wait3A_286] : memref<512x320xi32, #tpu.memory_space<hbm>> -> memref<8x320xi32, #tpu.memory_space<hbm>>
        %dma_wait3A_288 = arith.constant 0 : i32
        %dma_wait3A_289 = tpu.memref_slice %arg4[%add3A_59, %dma_wait3A_288] : memref<512x320xi32, #tpu.memory_space<hbm>> -> memref<8x320xi32, #tpu.memory_space<hbm>>
        tpu.wait_dma2 semaphore(%run_scoped3A : memref<!tpu.dma_semaphore, #tpu.memory_space<semaphore_mem>>) src(%dma_wait3A_289 : memref<8x320xi32, #tpu.memory_space<hbm>>) dst(%arg7 : memref<8x320xi32, #tpu.memory_space<vmem>>)
        tpu.yield
      }) : () -> ()
      %dma_start3A = arith.constant 0 : i32
      %dma_start3A_60 = arith.constant 0 : i32
      %dma_start3A_61 = tpu.memref_slice %arg6[%dma_start3A, %dma_start3A_60] : memref<8x320xi32, #tpu.memory_space<vmem>> -> memref<1x320xi32, #tpu.memory_space<vmem>>
      %dma_start3A_62 = tpu.memref_squeeze %dma_start3A_61 : memref<1x320xi32, #tpu.memory_space<vmem>> -> memref<320xi32, #tpu.memory_space<vmem>>
      %dma_start3A_63 = arith.constant 0 : i32
      %dma_start3A_64 = arith.constant 0 : i32
      %dma_start3A_65 = tpu.memref_slice %arg14[%dma_start3A_63, %dma_start3A_64] : memref<10000x64xf32, #tpu.memory_space<vmem_shared>> -> memref<10000x64xf32, #tpu.memory_space<vmem_shared>>
      tpu.enqueue_indirect_dma source(%dma_start3A_65 : memref<10000x64xf32, #tpu.memory_space<vmem_shared>>) target(%arg8 : memref<320x64xf32, #tpu.memory_space<vmem>>) offsets(%dma_start3A_62 : memref<320xi32, #tpu.memory_space<vmem>>) semaphore(%arg10 : memref<!tpu.dma_semaphore, #tpu.memory_space<semaphore_mem>>)
      %dma_wait3A = arith.constant 0 : i32
      %dma_wait3A_66 = arith.constant 0 : i32
      %dma_wait3A_67 = tpu.memref_slice %arg6[%dma_wait3A, %dma_wait3A_66] : memref<8x320xi32, #tpu.memory_space<vmem>> -> memref<1x320xi32, #tpu.memory_space<vmem>>
      %dma_wait3A_68 = tpu.memref_squeeze %dma_wait3A_67 : memref<1x320xi32, #tpu.memory_space<vmem>> -> memref<320xi32, #tpu.memory_space<vmem>>
      %dma_wait3A_69 = arith.constant 0 : i32
      %dma_wait3A_70 = arith.constant 0 : i32
      %dma_wait3A_71 = tpu.memref_slice %arg14[%dma_wait3A_69, %dma_wait3A_70] : memref<10000x64xf32, #tpu.memory_space<vmem_shared>> -> memref<10000x64xf32, #tpu.memory_space<vmem_shared>>
      tpu.wait_indirect_dma semaphore(%arg10 : memref<!tpu.dma_semaphore, #tpu.memory_space<semaphore_mem>>) src(%dma_wait3A_71 : memref<10000x64xf32, #tpu.memory_space<vmem_shared>>) dst(%arg8 : memref<320x64xf32, #tpu.memory_space<vmem>>)
      %dma_start3A_72 = arith.constant 1 : i32
      %dma_start3A_73 = arith.constant 0 : i32
      %dma_start3A_74 = tpu.memref_slice %arg6[%dma_start3A_72, %dma_start3A_73] : memref<8x320xi32, #tpu.memory_space<vmem>> -> memref<1x320xi32, #tpu.memory_space<vmem>>
      %dma_start3A_75 = tpu.memref_squeeze %dma_start3A_74 : memref<1x320xi32, #tpu.memory_space<vmem>> -> memref<320xi32, #tpu.memory_space<vmem>>
      %dma_start3A_76 = arith.constant 0 : i32
      %dma_start3A_77 = arith.constant 0 : i32
      %dma_start3A_78 = tpu.memref_slice %arg14[%dma_start3A_76, %dma_start3A_77] : memref<10000x64xf32, #tpu.memory_space<vmem_shared>> -> memref<10000x64xf32, #tpu.memory_space<vmem_shared>>
      tpu.enqueue_indirect_dma source(%dma_start3A_78 : memref<10000x64xf32, #tpu.memory_space<vmem_shared>>) target(%arg9 : memref<320x64xf32, #tpu.memory_space<vmem>>) offsets(%dma_start3A_75 : memref<320xi32, #tpu.memory_space<vmem>>) semaphore(%arg11 : memref<!tpu.dma_semaphore, #tpu.memory_space<semaphore_mem>>)
      %dma_start3A_79 = arith.constant 0 : i32
      %dma_start3A_80 = arith.constant 0 : i32
      %dma_start3A_81 = tpu.memref_slice %arg7[%dma_start3A_79, %dma_start3A_80] : memref<8x320xi32, #tpu.memory_space<vmem>> -> memref<1x320xi32, #tpu.memory_space<vmem>>
      %dma_start3A_82 = tpu.memref_squeeze %dma_start3A_81 : memref<1x320xi32, #tpu.memory_space<vmem>> -> memref<320xi32, #tpu.memory_space<vmem>>
      %dma_start3A_83 = arith.constant 0 : i32
      %dma_start3A_84 = arith.constant 0 : i32
      %dma_start3A_85 = tpu.memref_slice %arg15[%dma_start3A_83, %dma_start3A_84] : memref<10008x64xf32, #tpu.memory_space<vmem_shared>> -> memref<10008x64xf32, #tpu.memory_space<vmem_shared>>
      tpu.enqueue_indirect_dma source(%arg8 : memref<320x64xf32, #tpu.memory_space<vmem>>) target(%dma_start3A_85 : memref<10008x64xf32, #tpu.memory_space<vmem_shared>>) offsets(%dma_start3A_82 : memref<320xi32, #tpu.memory_space<vmem>>) semaphore(%arg12 : memref<!tpu.dma_semaphore, #tpu.memory_space<semaphore_mem>>) {add = true}
      %dma_wait3A_86 = arith.constant 1 : i32
      %dma_wait3A_87 = arith.constant 0 : i32
      %dma_wait3A_88 = tpu.memref_slice %arg6[%dma_wait3A_86, %dma_wait3A_87] : memref<8x320xi32, #tpu.memory_space<vmem>> -> memref<1x320xi32, #tpu.memory_space<vmem>>
      %dma_wait3A_89 = tpu.memref_squeeze %dma_wait3A_88 : memref<1x320xi32, #tpu.memory_space<vmem>> -> memref<320xi32, #tpu.memory_space<vmem>>
      %dma_wait3A_90 = arith.constant 0 : i32
      %dma_wait3A_91 = arith.constant 0 : i32
      %dma_wait3A_92 = tpu.memref_slice %arg14[%dma_wait3A_90, %dma_wait3A_91] : memref<10000x64xf32, #tpu.memory_space<vmem_shared>> -> memref<10000x64xf32, #tpu.memory_space<vmem_shared>>
      tpu.wait_indirect_dma semaphore(%arg11 : memref<!tpu.dma_semaphore, #tpu.memory_space<semaphore_mem>>) src(%dma_wait3A_92 : memref<10000x64xf32, #tpu.memory_space<vmem_shared>>) dst(%arg9 : memref<320x64xf32, #tpu.memory_space<vmem>>)
      %dma_wait3A_93 = arith.constant 0 : i32
      %dma_wait3A_94 = arith.constant 0 : i32
      %dma_wait3A_95 = tpu.memref_slice %arg7[%dma_wait3A_93, %dma_wait3A_94] : memref<8x320xi32, #tpu.memory_space<vmem>> -> memref<1x320xi32, #tpu.memory_space<vmem>>
      %dma_wait3A_96 = tpu.memref_squeeze %dma_wait3A_95 : memref<1x320xi32, #tpu.memory_space<vmem>> -> memref<320xi32, #tpu.memory_space<vmem>>
      %dma_wait3A_97 = arith.constant 0 : i32
      %dma_wait3A_98 = arith.constant 0 : i32
      %dma_wait3A_99 = tpu.memref_slice %arg15[%dma_wait3A_97, %dma_wait3A_98] : memref<10008x64xf32, #tpu.memory_space<vmem_shared>> -> memref<10008x64xf32, #tpu.memory_space<vmem_shared>>
      tpu.wait_indirect_dma semaphore(%arg12 : memref<!tpu.dma_semaphore, #tpu.memory_space<semaphore_mem>>) src(%arg8 : memref<320x64xf32, #tpu.memory_space<vmem>>) dst(%dma_wait3A_99 : memref<10008x64xf32, #tpu.memory_space<vmem_shared>>)
      %dma_start3A_100 = arith.constant 2 : i32
      %dma_start3A_101 = arith.constant 0 : i32
      %dma_start3A_102 = tpu.memref_slice %arg6[%dma_start3A_100, %dma_start3A_101] : memref<8x320xi32, #tpu.memory_space<vmem>> -> memref<1x320xi32, #tpu.memory_space<vmem>>
      %dma_start3A_103 = tpu.memref_squeeze %dma_start3A_102 : memref<1x320xi32, #tpu.memory_space<vmem>> -> memref<320xi32, #tpu.memory_space<vmem>>
      %dma_start3A_104 = arith.constant 0 : i32
      %dma_start3A_105 = arith.constant 0 : i32
      %dma_start3A_106 = tpu.memref_slice %arg14[%dma_start3A_104, %dma_start3A_105] : memref<10000x64xf32, #tpu.memory_space<vmem_shared>> -> memref<10000x64xf32, #tpu.memory_space<vmem_shared>>
      tpu.enqueue_indirect_dma source(%dma_start3A_106 : memref<10000x64xf32, #tpu.memory_space<vmem_shared>>) target(%arg8 : memref<320x64xf32, #tpu.memory_space<vmem>>) offsets(%dma_start3A_103 : memref<320xi32, #tpu.memory_space<vmem>>) semaphore(%arg10 : memref<!tpu.dma_semaphore, #tpu.memory_space<semaphore_mem>>)
      %dma_start3A_107 = arith.constant 1 : i32
      %dma_start3A_108 = arith.constant 0 : i32
      %dma_start3A_109 = tpu.memref_slice %arg7[%dma_start3A_107, %dma_start3A_108] : memref<8x320xi32, #tpu.memory_space<vmem>> -> memref<1x320xi32, #tpu.memory_space<vmem>>
      %dma_start3A_110 = tpu.memref_squeeze %dma_start3A_109 : memref<1x320xi32, #tpu.memory_space<vmem>> -> memref<320xi32, #tpu.memory_space<vmem>>
      %dma_start3A_111 = arith.constant 0 : i32
      %dma_start3A_112 = arith.constant 0 : i32
      %dma_start3A_113 = tpu.memref_slice %arg15[%dma_start3A_111, %dma_start3A_112] : memref<10008x64xf32, #tpu.memory_space<vmem_shared>> -> memref<10008x64xf32, #tpu.memory_space<vmem_shared>>
      tpu.enqueue_indirect_dma source(%arg9 : memref<320x64xf32, #tpu.memory_space<vmem>>) target(%dma_start3A_113 : memref<10008x64xf32, #tpu.memory_space<vmem_shared>>) offsets(%dma_start3A_110 : memref<320xi32, #tpu.memory_space<vmem>>) semaphore(%arg13 : memref<!tpu.dma_semaphore, #tpu.memory_space<semaphore_mem>>) {add = true}
      %dma_wait3A_114 = arith.constant 2 : i32
      %dma_wait3A_115 = arith.constant 0 : i32
      %dma_wait3A_116 = tpu.memref_slice %arg6[%dma_wait3A_114, %dma_wait3A_115] : memref<8x320xi32, #tpu.memory_space<vmem>> -> memref<1x320xi32, #tpu.memory_space<vmem>>
      %dma_wait3A_117 = tpu.memref_squeeze %dma_wait3A_116 : memref<1x320xi32, #tpu.memory_space<vmem>> -> memref<320xi32, #tpu.memory_space<vmem>>
      %dma_wait3A_118 = arith.constant 0 : i32
      %dma_wait3A_119 = arith.constant 0 : i32
      %dma_wait3A_120 = tpu.memref_slice %arg14[%dma_wait3A_118, %dma_wait3A_119] : memref<10000x64xf32, #tpu.memory_space<vmem_shared>> -> memref<10000x64xf32, #tpu.memory_space<vmem_shared>>
      tpu.wait_indirect_dma semaphore(%arg10 : memref<!tpu.dma_semaphore, #tpu.memory_space<semaphore_mem>>) src(%dma_wait3A_120 : memref<10000x64xf32, #tpu.memory_space<vmem_shared>>) dst(%arg8 : memref<320x64xf32, #tpu.memory_space<vmem>>)
      %dma_wait3A_121 = arith.constant 1 : i32
      %dma_wait3A_122 = arith.constant 0 : i32
      %dma_wait3A_123 = tpu.memref_slice %arg7[%dma_wait3A_121, %dma_wait3A_122] : memref<8x320xi32, #tpu.memory_space<vmem>> -> memref<1x320xi32, #tpu.memory_space<vmem>>
      %dma_wait3A_124 = tpu.memref_squeeze %dma_wait3A_123 : memref<1x320xi32, #tpu.memory_space<vmem>> -> memref<320xi32, #tpu.memory_space<vmem>>
      %dma_wait3A_125 = arith.constant 0 : i32
      %dma_wait3A_126 = arith.constant 0 : i32
      %dma_wait3A_127 = tpu.memref_slice %arg15[%dma_wait3A_125, %dma_wait3A_126] : memref<10008x64xf32, #tpu.memory_space<vmem_shared>> -> memref<10008x64xf32, #tpu.memory_space<vmem_shared>>
      tpu.wait_indirect_dma semaphore(%arg13 : memref<!tpu.dma_semaphore, #tpu.memory_space<semaphore_mem>>) src(%arg9 : memref<320x64xf32, #tpu.memory_space<vmem>>) dst(%dma_wait3A_127 : memref<10008x64xf32, #tpu.memory_space<vmem_shared>>)
      %dma_start3A_128 = arith.constant 3 : i32
      %dma_start3A_129 = arith.constant 0 : i32
      %dma_start3A_130 = tpu.memref_slice %arg6[%dma_start3A_128, %dma_start3A_129] : memref<8x320xi32, #tpu.memory_space<vmem>> -> memref<1x320xi32, #tpu.memory_space<vmem>>
      %dma_start3A_131 = tpu.memref_squeeze %dma_start3A_130 : memref<1x320xi32, #tpu.memory_space<vmem>> -> memref<320xi32, #tpu.memory_space<vmem>>
      %dma_start3A_132 = arith.constant 0 : i32
      %dma_start3A_133 = arith.constant 0 : i32
      %dma_start3A_134 = tpu.memref_slice %arg14[%dma_start3A_132, %dma_start3A_133] : memref<10000x64xf32, #tpu.memory_space<vmem_shared>> -> memref<10000x64xf32, #tpu.memory_space<vmem_shared>>
      tpu.enqueue_indirect_dma source(%dma_start3A_134 : memref<10000x64xf32, #tpu.memory_space<vmem_shared>>) target(%arg9 : memref<320x64xf32, #tpu.memory_space<vmem>>) offsets(%dma_start3A_131 : memref<320xi32, #tpu.memory_space<vmem>>) semaphore(%arg11 : memref<!tpu.dma_semaphore, #tpu.memory_space<semaphore_mem>>)
      %dma_start3A_135 = arith.constant 2 : i32
      %dma_start3A_136 = arith.constant 0 : i32
      %dma_start3A_137 = tpu.memref_slice %arg7[%dma_start3A_135, %dma_start3A_136] : memref<8x320xi32, #tpu.memory_space<vmem>> -> memref<1x320xi32, #tpu.memory_space<vmem>>
      %dma_start3A_138 = tpu.memref_squeeze %dma_start3A_137 : memref<1x320xi32, #tpu.memory_space<vmem>> -> memref<320xi32, #tpu.memory_space<vmem>>
      %dma_start3A_139 = arith.constant 0 : i32
      %dma_start3A_140 = arith.constant 0 : i32
      %dma_start3A_141 = tpu.memref_slice %arg15[%dma_start3A_139, %dma_start3A_140] : memref<10008x64xf32, #tpu.memory_space<vmem_shared>> -> memref<10008x64xf32, #tpu.memory_space<vmem_shared>>
      tpu.enqueue_indirect_dma source(%arg8 : memref<320x64xf32, #tpu.memory_space<vmem>>) target(%dma_start3A_141 : memref<10008x64xf32, #tpu.memory_space<vmem_shared>>) offsets(%dma_start3A_138 : memref<320xi32, #tpu.memory_space<vmem>>) semaphore(%arg12 : memref<!tpu.dma_semaphore, #tpu.memory_space<semaphore_mem>>) {add = true}
      %dma_wait3A_142 = arith.constant 3 : i32
      %dma_wait3A_143 = arith.constant 0 : i32
      %dma_wait3A_144 = tpu.memref_slice %arg6[%dma_wait3A_142, %dma_wait3A_143] : memref<8x320xi32, #tpu.memory_space<vmem>> -> memref<1x320xi32, #tpu.memory_space<vmem>>
      %dma_wait3A_145 = tpu.memref_squeeze %dma_wait3A_144 : memref<1x320xi32, #tpu.memory_space<vmem>> -> memref<320xi32, #tpu.memory_space<vmem>>
      %dma_wait3A_146 = arith.constant 0 : i32
      %dma_wait3A_147 = arith.constant 0 : i32
      %dma_wait3A_148 = tpu.memref_slice %arg14[%dma_wait3A_146, %dma_wait3A_147] : memref<10000x64xf32, #tpu.memory_space<vmem_shared>> -> memref<10000x64xf32, #tpu.memory_space<vmem_shared>>
      tpu.wait_indirect_dma semaphore(%arg11 : memref<!tpu.dma_semaphore, #tpu.memory_space<semaphore_mem>>) src(%dma_wait3A_148 : memref<10000x64xf32, #tpu.memory_space<vmem_shared>>) dst(%arg9 : memref<320x64xf32, #tpu.memory_space<vmem>>)
      %dma_wait3A_149 = arith.constant 2 : i32
      %dma_wait3A_150 = arith.constant 0 : i32
      %dma_wait3A_151 = tpu.memref_slice %arg7[%dma_wait3A_149, %dma_wait3A_150] : memref<8x320xi32, #tpu.memory_space<vmem>> -> memref<1x320xi32, #tpu.memory_space<vmem>>
      %dma_wait3A_152 = tpu.memref_squeeze %dma_wait3A_151 : memref<1x320xi32, #tpu.memory_space<vmem>> -> memref<320xi32, #tpu.memory_space<vmem>>
      %dma_wait3A_153 = arith.constant 0 : i32
      %dma_wait3A_154 = arith.constant 0 : i32
      %dma_wait3A_155 = tpu.memref_slice %arg15[%dma_wait3A_153, %dma_wait3A_154] : memref<10008x64xf32, #tpu.memory_space<vmem_shared>> -> memref<10008x64xf32, #tpu.memory_space<vmem_shared>>
      tpu.wait_indirect_dma semaphore(%arg12 : memref<!tpu.dma_semaphore, #tpu.memory_space<semaphore_mem>>) src(%arg8 : memref<320x64xf32, #tpu.memory_space<vmem>>) dst(%dma_wait3A_155 : memref<10008x64xf32, #tpu.memory_space<vmem_shared>>)
      %dma_start3A_156 = arith.constant 4 : i32
      %dma_start3A_157 = arith.constant 0 : i32
      %dma_start3A_158 = tpu.memref_slice %arg6[%dma_start3A_156, %dma_start3A_157] : memref<8x320xi32, #tpu.memory_space<vmem>> -> memref<1x320xi32, #tpu.memory_space<vmem>>
      %dma_start3A_159 = tpu.memref_squeeze %dma_start3A_158 : memref<1x320xi32, #tpu.memory_space<vmem>> -> memref<320xi32, #tpu.memory_space<vmem>>
      %dma_start3A_160 = arith.constant 0 : i32
      %dma_start3A_161 = arith.constant 0 : i32
      %dma_start3A_162 = tpu.memref_slice %arg14[%dma_start3A_160, %dma_start3A_161] : memref<10000x64xf32, #tpu.memory_space<vmem_shared>> -> memref<10000x64xf32, #tpu.memory_space<vmem_shared>>
      tpu.enqueue_indirect_dma source(%dma_start3A_162 : memref<10000x64xf32, #tpu.memory_space<vmem_shared>>) target(%arg8 : memref<320x64xf32, #tpu.memory_space<vmem>>) offsets(%dma_start3A_159 : memref<320xi32, #tpu.memory_space<vmem>>) semaphore(%arg10 : memref<!tpu.dma_semaphore, #tpu.memory_space<semaphore_mem>>)
      %dma_start3A_163 = arith.constant 3 : i32
      %dma_start3A_164 = arith.constant 0 : i32
      %dma_start3A_165 = tpu.memref_slice %arg7[%dma_start3A_163, %dma_start3A_164] : memref<8x320xi32, #tpu.memory_space<vmem>> -> memref<1x320xi32, #tpu.memory_space<vmem>>
      %dma_start3A_166 = tpu.memref_squeeze %dma_start3A_165 : memref<1x320xi32, #tpu.memory_space<vmem>> -> memref<320xi32, #tpu.memory_space<vmem>>
      %dma_start3A_167 = arith.constant 0 : i32
      %dma_start3A_168 = arith.constant 0 : i32
      %dma_start3A_169 = tpu.memref_slice %arg15[%dma_start3A_167, %dma_start3A_168] : memref<10008x64xf32, #tpu.memory_space<vmem_shared>> -> memref<10008x64xf32, #tpu.memory_space<vmem_shared>>
      tpu.enqueue_indirect_dma source(%arg9 : memref<320x64xf32, #tpu.memory_space<vmem>>) target(%dma_start3A_169 : memref<10008x64xf32, #tpu.memory_space<vmem_shared>>) offsets(%dma_start3A_166 : memref<320xi32, #tpu.memory_space<vmem>>) semaphore(%arg13 : memref<!tpu.dma_semaphore, #tpu.memory_space<semaphore_mem>>) {add = true}
      %dma_wait3A_170 = arith.constant 4 : i32
      %dma_wait3A_171 = arith.constant 0 : i32
      %dma_wait3A_172 = tpu.memref_slice %arg6[%dma_wait3A_170, %dma_wait3A_171] : memref<8x320xi32, #tpu.memory_space<vmem>> -> memref<1x320xi32, #tpu.memory_space<vmem>>
      %dma_wait3A_173 = tpu.memref_squeeze %dma_wait3A_172 : memref<1x320xi32, #tpu.memory_space<vmem>> -> memref<320xi32, #tpu.memory_space<vmem>>
      %dma_wait3A_174 = arith.constant 0 : i32
      %dma_wait3A_175 = arith.constant 0 : i32
      %dma_wait3A_176 = tpu.memref_slice %arg14[%dma_wait3A_174, %dma_wait3A_175] : memref<10000x64xf32, #tpu.memory_space<vmem_shared>> -> memref<10000x64xf32, #tpu.memory_space<vmem_shared>>
      tpu.wait_indirect_dma semaphore(%arg10 : memref<!tpu.dma_semaphore, #tpu.memory_space<semaphore_mem>>) src(%dma_wait3A_176 : memref<10000x64xf32, #tpu.memory_space<vmem_shared>>) dst(%arg8 : memref<320x64xf32, #tpu.memory_space<vmem>>)
      %dma_wait3A_177 = arith.constant 3 : i32
      %dma_wait3A_178 = arith.constant 0 : i32
      %dma_wait3A_179 = tpu.memref_slice %arg7[%dma_wait3A_177, %dma_wait3A_178] : memref<8x320xi32, #tpu.memory_space<vmem>> -> memref<1x320xi32, #tpu.memory_space<vmem>>
      %dma_wait3A_180 = tpu.memref_squeeze %dma_wait3A_179 : memref<1x320xi32, #tpu.memory_space<vmem>> -> memref<320xi32, #tpu.memory_space<vmem>>
      %dma_wait3A_181 = arith.constant 0 : i32
      %dma_wait3A_182 = arith.constant 0 : i32
      %dma_wait3A_183 = tpu.memref_slice %arg15[%dma_wait3A_181, %dma_wait3A_182] : memref<10008x64xf32, #tpu.memory_space<vmem_shared>> -> memref<10008x64xf32, #tpu.memory_space<vmem_shared>>
      tpu.wait_indirect_dma semaphore(%arg13 : memref<!tpu.dma_semaphore, #tpu.memory_space<semaphore_mem>>) src(%arg9 : memref<320x64xf32, #tpu.memory_space<vmem>>) dst(%dma_wait3A_183 : memref<10008x64xf32, #tpu.memory_space<vmem_shared>>)
      %dma_start3A_184 = arith.constant 5 : i32
      %dma_start3A_185 = arith.constant 0 : i32
      %dma_start3A_186 = tpu.memref_slice %arg6[%dma_start3A_184, %dma_start3A_185] : memref<8x320xi32, #tpu.memory_space<vmem>> -> memref<1x320xi32, #tpu.memory_space<vmem>>
      %dma_start3A_187 = tpu.memref_squeeze %dma_start3A_186 : memref<1x320xi32, #tpu.memory_space<vmem>> -> memref<320xi32, #tpu.memory_space<vmem>>
      %dma_start3A_188 = arith.constant 0 : i32
      %dma_start3A_189 = arith.constant 0 : i32
      %dma_start3A_190 = tpu.memref_slice %arg14[%dma_start3A_188, %dma_start3A_189] : memref<10000x64xf32, #tpu.memory_space<vmem_shared>> -> memref<10000x64xf32, #tpu.memory_space<vmem_shared>>
      tpu.enqueue_indirect_dma source(%dma_start3A_190 : memref<10000x64xf32, #tpu.memory_space<vmem_shared>>) target(%arg9 : memref<320x64xf32, #tpu.memory_space<vmem>>) offsets(%dma_start3A_187 : memref<320xi32, #tpu.memory_space<vmem>>) semaphore(%arg11 : memref<!tpu.dma_semaphore, #tpu.memory_space<semaphore_mem>>)
      %dma_start3A_191 = arith.constant 4 : i32
      %dma_start3A_192 = arith.constant 0 : i32
      %dma_start3A_193 = tpu.memref_slice %arg7[%dma_start3A_191, %dma_start3A_192] : memref<8x320xi32, #tpu.memory_space<vmem>> -> memref<1x320xi32, #tpu.memory_space<vmem>>
      %dma_start3A_194 = tpu.memref_squeeze %dma_start3A_193 : memref<1x320xi32, #tpu.memory_space<vmem>> -> memref<320xi32, #tpu.memory_space<vmem>>
      %dma_start3A_195 = arith.constant 0 : i32
      %dma_start3A_196 = arith.constant 0 : i32
      %dma_start3A_197 = tpu.memref_slice %arg15[%dma_start3A_195, %dma_start3A_196] : memref<10008x64xf32, #tpu.memory_space<vmem_shared>> -> memref<10008x64xf32, #tpu.memory_space<vmem_shared>>
      tpu.enqueue_indirect_dma source(%arg8 : memref<320x64xf32, #tpu.memory_space<vmem>>) target(%dma_start3A_197 : memref<10008x64xf32, #tpu.memory_space<vmem_shared>>) offsets(%dma_start3A_194 : memref<320xi32, #tpu.memory_space<vmem>>) semaphore(%arg12 : memref<!tpu.dma_semaphore, #tpu.memory_space<semaphore_mem>>) {add = true}
      %dma_wait3A_198 = arith.constant 5 : i32
      %dma_wait3A_199 = arith.constant 0 : i32
      %dma_wait3A_200 = tpu.memref_slice %arg6[%dma_wait3A_198, %dma_wait3A_199] : memref<8x320xi32, #tpu.memory_space<vmem>> -> memref<1x320xi32, #tpu.memory_space<vmem>>
      %dma_wait3A_201 = tpu.memref_squeeze %dma_wait3A_200 : memref<1x320xi32, #tpu.memory_space<vmem>> -> memref<320xi32, #tpu.memory_space<vmem>>
      %dma_wait3A_202 = arith.constant 0 : i32
      %dma_wait3A_203 = arith.constant 0 : i32
      %dma_wait3A_204 = tpu.memref_slice %arg14[%dma_wait3A_202, %dma_wait3A_203] : memref<10000x64xf32, #tpu.memory_space<vmem_shared>> -> memref<10000x64xf32, #tpu.memory_space<vmem_shared>>
      tpu.wait_indirect_dma semaphore(%arg11 : memref<!tpu.dma_semaphore, #tpu.memory_space<semaphore_mem>>) src(%dma_wait3A_204 : memref<10000x64xf32, #tpu.memory_space<vmem_shared>>) dst(%arg9 : memref<320x64xf32, #tpu.memory_space<vmem>>)
      %dma_wait3A_205 = arith.constant 4 : i32
      %dma_wait3A_206 = arith.constant 0 : i32
      %dma_wait3A_207 = tpu.memref_slice %arg7[%dma_wait3A_205, %dma_wait3A_206] : memref<8x320xi32, #tpu.memory_space<vmem>> -> memref<1x320xi32, #tpu.memory_space<vmem>>
      %dma_wait3A_208 = tpu.memref_squeeze %dma_wait3A_207 : memref<1x320xi32, #tpu.memory_space<vmem>> -> memref<320xi32, #tpu.memory_space<vmem>>
      %dma_wait3A_209 = arith.constant 0 : i32
      %dma_wait3A_210 = arith.constant 0 : i32
      %dma_wait3A_211 = tpu.memref_slice %arg15[%dma_wait3A_209, %dma_wait3A_210] : memref<10008x64xf32, #tpu.memory_space<vmem_shared>> -> memref<10008x64xf32, #tpu.memory_space<vmem_shared>>
      tpu.wait_indirect_dma semaphore(%arg12 : memref<!tpu.dma_semaphore, #tpu.memory_space<semaphore_mem>>) src(%arg8 : memref<320x64xf32, #tpu.memory_space<vmem>>) dst(%dma_wait3A_211 : memref<10008x64xf32, #tpu.memory_space<vmem_shared>>)
      %dma_start3A_212 = arith.constant 6 : i32
      %dma_start3A_213 = arith.constant 0 : i32
      %dma_start3A_214 = tpu.memref_slice %arg6[%dma_start3A_212, %dma_start3A_213] : memref<8x320xi32, #tpu.memory_space<vmem>> -> memref<1x320xi32, #tpu.memory_space<vmem>>
      %dma_start3A_215 = tpu.memref_squeeze %dma_start3A_214 : memref<1x320xi32, #tpu.memory_space<vmem>> -> memref<320xi32, #tpu.memory_space<vmem>>
      %dma_start3A_216 = arith.constant 0 : i32
      %dma_start3A_217 = arith.constant 0 : i32
      %dma_start3A_218 = tpu.memref_slice %arg14[%dma_start3A_216, %dma_start3A_217] : memref<10000x64xf32, #tpu.memory_space<vmem_shared>> -> memref<10000x64xf32, #tpu.memory_space<vmem_shared>>
      tpu.enqueue_indirect_dma source(%dma_start3A_218 : memref<10000x64xf32, #tpu.memory_space<vmem_shared>>) target(%arg8 : memref<320x64xf32, #tpu.memory_space<vmem>>) offsets(%dma_start3A_215 : memref<320xi32, #tpu.memory_space<vmem>>) semaphore(%arg10 : memref<!tpu.dma_semaphore, #tpu.memory_space<semaphore_mem>>)
      %dma_start3A_219 = arith.constant 5 : i32
      %dma_start3A_220 = arith.constant 0 : i32
      %dma_start3A_221 = tpu.memref_slice %arg7[%dma_start3A_219, %dma_start3A_220] : memref<8x320xi32, #tpu.memory_space<vmem>> -> memref<1x320xi32, #tpu.memory_space<vmem>>
      %dma_start3A_222 = tpu.memref_squeeze %dma_start3A_221 : memref<1x320xi32, #tpu.memory_space<vmem>> -> memref<320xi32, #tpu.memory_space<vmem>>
      %dma_start3A_223 = arith.constant 0 : i32
      %dma_start3A_224 = arith.constant 0 : i32
      %dma_start3A_225 = tpu.memref_slice %arg15[%dma_start3A_223, %dma_start3A_224] : memref<10008x64xf32, #tpu.memory_space<vmem_shared>> -> memref<10008x64xf32, #tpu.memory_space<vmem_shared>>
      tpu.enqueue_indirect_dma source(%arg9 : memref<320x64xf32, #tpu.memory_space<vmem>>) target(%dma_start3A_225 : memref<10008x64xf32, #tpu.memory_space<vmem_shared>>) offsets(%dma_start3A_222 : memref<320xi32, #tpu.memory_space<vmem>>) semaphore(%arg13 : memref<!tpu.dma_semaphore, #tpu.memory_space<semaphore_mem>>) {add = true}
      %dma_wait3A_226 = arith.constant 6 : i32
      %dma_wait3A_227 = arith.constant 0 : i32
      %dma_wait3A_228 = tpu.memref_slice %arg6[%dma_wait3A_226, %dma_wait3A_227] : memref<8x320xi32, #tpu.memory_space<vmem>> -> memref<1x320xi32, #tpu.memory_space<vmem>>
      %dma_wait3A_229 = tpu.memref_squeeze %dma_wait3A_228 : memref<1x320xi32, #tpu.memory_space<vmem>> -> memref<320xi32, #tpu.memory_space<vmem>>
      %dma_wait3A_230 = arith.constant 0 : i32
      %dma_wait3A_231 = arith.constant 0 : i32
      %dma_wait3A_232 = tpu.memref_slice %arg14[%dma_wait3A_230, %dma_wait3A_231] : memref<10000x64xf32, #tpu.memory_space<vmem_shared>> -> memref<10000x64xf32, #tpu.memory_space<vmem_shared>>
      tpu.wait_indirect_dma semaphore(%arg10 : memref<!tpu.dma_semaphore, #tpu.memory_space<semaphore_mem>>) src(%dma_wait3A_232 : memref<10000x64xf32, #tpu.memory_space<vmem_shared>>) dst(%arg8 : memref<320x64xf32, #tpu.memory_space<vmem>>)
      %dma_wait3A_233 = arith.constant 5 : i32
      %dma_wait3A_234 = arith.constant 0 : i32
      %dma_wait3A_235 = tpu.memref_slice %arg7[%dma_wait3A_233, %dma_wait3A_234] : memref<8x320xi32, #tpu.memory_space<vmem>> -> memref<1x320xi32, #tpu.memory_space<vmem>>
      %dma_wait3A_236 = tpu.memref_squeeze %dma_wait3A_235 : memref<1x320xi32, #tpu.memory_space<vmem>> -> memref<320xi32, #tpu.memory_space<vmem>>
      %dma_wait3A_237 = arith.constant 0 : i32
      %dma_wait3A_238 = arith.constant 0 : i32
      %dma_wait3A_239 = tpu.memref_slice %arg15[%dma_wait3A_237, %dma_wait3A_238] : memref<10008x64xf32, #tpu.memory_space<vmem_shared>> -> memref<10008x64xf32, #tpu.memory_space<vmem_shared>>
      tpu.wait_indirect_dma semaphore(%arg13 : memref<!tpu.dma_semaphore, #tpu.memory_space<semaphore_mem>>) src(%arg9 : memref<320x64xf32, #tpu.memory_space<vmem>>) dst(%dma_wait3A_239 : memref<10008x64xf32, #tpu.memory_space<vmem_shared>>)
      %dma_start3A_240 = arith.constant 7 : i32
      %dma_start3A_241 = arith.constant 0 : i32
      %dma_start3A_242 = tpu.memref_slice %arg6[%dma_start3A_240, %dma_start3A_241] : memref<8x320xi32, #tpu.memory_space<vmem>> -> memref<1x320xi32, #tpu.memory_space<vmem>>
      %dma_start3A_243 = tpu.memref_squeeze %dma_start3A_242 : memref<1x320xi32, #tpu.memory_space<vmem>> -> memref<320xi32, #tpu.memory_space<vmem>>
      %dma_start3A_244 = arith.constant 0 : i32
      %dma_start3A_245 = arith.constant 0 : i32
      %dma_start3A_246 = tpu.memref_slice %arg14[%dma_start3A_244, %dma_start3A_245] : memref<10000x64xf32, #tpu.memory_space<vmem_shared>> -> memref<10000x64xf32, #tpu.memory_space<vmem_shared>>
      tpu.enqueue_indirect_dma source(%dma_start3A_246 : memref<10000x64xf32, #tpu.memory_space<vmem_shared>>) target(%arg9 : memref<320x64xf32, #tpu.memory_space<vmem>>) offsets(%dma_start3A_243 : memref<320xi32, #tpu.memory_space<vmem>>) semaphore(%arg11 : memref<!tpu.dma_semaphore, #tpu.memory_space<semaphore_mem>>)
      %dma_start3A_247 = arith.constant 6 : i32
      %dma_start3A_248 = arith.constant 0 : i32
      %dma_start3A_249 = tpu.memref_slice %arg7[%dma_start3A_247, %dma_start3A_248] : memref<8x320xi32, #tpu.memory_space<vmem>> -> memref<1x320xi32, #tpu.memory_space<vmem>>
      %dma_start3A_250 = tpu.memref_squeeze %dma_start3A_249 : memref<1x320xi32, #tpu.memory_space<vmem>> -> memref<320xi32, #tpu.memory_space<vmem>>
      %dma_start3A_251 = arith.constant 0 : i32
      %dma_start3A_252 = arith.constant 0 : i32
      %dma_start3A_253 = tpu.memref_slice %arg15[%dma_start3A_251, %dma_start3A_252] : memref<10008x64xf32, #tpu.memory_space<vmem_shared>> -> memref<10008x64xf32, #tpu.memory_space<vmem_shared>>
      tpu.enqueue_indirect_dma source(%arg8 : memref<320x64xf32, #tpu.memory_space<vmem>>) target(%dma_start3A_253 : memref<10008x64xf32, #tpu.memory_space<vmem_shared>>) offsets(%dma_start3A_250 : memref<320xi32, #tpu.memory_space<vmem>>) semaphore(%arg12 : memref<!tpu.dma_semaphore, #tpu.memory_space<semaphore_mem>>) {add = true}
      %dma_wait3A_254 = arith.constant 7 : i32
      %dma_wait3A_255 = arith.constant 0 : i32
      %dma_wait3A_256 = tpu.memref_slice %arg6[%dma_wait3A_254, %dma_wait3A_255] : memref<8x320xi32, #tpu.memory_space<vmem>> -> memref<1x320xi32, #tpu.memory_space<vmem>>
      %dma_wait3A_257 = tpu.memref_squeeze %dma_wait3A_256 : memref<1x320xi32, #tpu.memory_space<vmem>> -> memref<320xi32, #tpu.memory_space<vmem>>
      %dma_wait3A_258 = arith.constant 0 : i32
      %dma_wait3A_259 = arith.constant 0 : i32
      %dma_wait3A_260 = tpu.memref_slice %arg14[%dma_wait3A_258, %dma_wait3A_259] : memref<10000x64xf32, #tpu.memory_space<vmem_shared>> -> memref<10000x64xf32, #tpu.memory_space<vmem_shared>>
      tpu.wait_indirect_dma semaphore(%arg11 : memref<!tpu.dma_semaphore, #tpu.memory_space<semaphore_mem>>) src(%dma_wait3A_260 : memref<10000x64xf32, #tpu.memory_space<vmem_shared>>) dst(%arg9 : memref<320x64xf32, #tpu.memory_space<vmem>>)
      %dma_start3A_261 = arith.constant 7 : i32
      %dma_start3A_262 = arith.constant 0 : i32
      %dma_start3A_263 = tpu.memref_slice %arg7[%dma_start3A_261, %dma_start3A_262] : memref<8x320xi32, #tpu.memory_space<vmem>> -> memref<1x320xi32, #tpu.memory_space<vmem>>
      %dma_start3A_264 = tpu.memref_squeeze %dma_start3A_263 : memref<1x320xi32, #tpu.memory_space<vmem>> -> memref<320xi32, #tpu.memory_space<vmem>>
      %dma_start3A_265 = arith.constant 0 : i32
      %dma_start3A_266 = arith.constant 0 : i32
      %dma_start3A_267 = tpu.memref_slice %arg15[%dma_start3A_265, %dma_start3A_266] : memref<10008x64xf32, #tpu.memory_space<vmem_shared>> -> memref<10008x64xf32, #tpu.memory_space<vmem_shared>>
      tpu.enqueue_indirect_dma source(%arg9 : memref<320x64xf32, #tpu.memory_space<vmem>>) target(%dma_start3A_267 : memref<10008x64xf32, #tpu.memory_space<vmem_shared>>) offsets(%dma_start3A_264 : memref<320xi32, #tpu.memory_space<vmem>>) semaphore(%arg13 : memref<!tpu.dma_semaphore, #tpu.memory_space<semaphore_mem>>) {add = true}
      %dma_wait3A_268 = arith.constant 6 : i32
      %dma_wait3A_269 = arith.constant 0 : i32
      %dma_wait3A_270 = tpu.memref_slice %arg7[%dma_wait3A_268, %dma_wait3A_269] : memref<8x320xi32, #tpu.memory_space<vmem>> -> memref<1x320xi32, #tpu.memory_space<vmem>>
      %dma_wait3A_271 = tpu.memref_squeeze %dma_wait3A_270 : memref<1x320xi32, #tpu.memory_space<vmem>> -> memref<320xi32, #tpu.memory_space<vmem>>
      %dma_wait3A_272 = arith.constant 0 : i32
      %dma_wait3A_273 = arith.constant 0 : i32
      %dma_wait3A_274 = tpu.memref_slice %arg15[%dma_wait3A_272, %dma_wait3A_273] : memref<10008x64xf32, #tpu.memory_space<vmem_shared>> -> memref<10008x64xf32, #tpu.memory_space<vmem_shared>>
      tpu.wait_indirect_dma semaphore(%arg12 : memref<!tpu.dma_semaphore, #tpu.memory_space<semaphore_mem>>) src(%arg8 : memref<320x64xf32, #tpu.memory_space<vmem>>) dst(%dma_wait3A_274 : memref<10008x64xf32, #tpu.memory_space<vmem_shared>>)
      %dma_wait3A_275 = arith.constant 7 : i32
      %dma_wait3A_276 = arith.constant 0 : i32
      %dma_wait3A_277 = tpu.memref_slice %arg7[%dma_wait3A_275, %dma_wait3A_276] : memref<8x320xi32, #tpu.memory_space<vmem>> -> memref<1x320xi32, #tpu.memory_space<vmem>>
      %dma_wait3A_278 = tpu.memref_squeeze %dma_wait3A_277 : memref<1x320xi32, #tpu.memory_space<vmem>> -> memref<320xi32, #tpu.memory_space<vmem>>
      %dma_wait3A_279 = arith.constant 0 : i32
      %dma_wait3A_280 = arith.constant 0 : i32
      %dma_wait3A_281 = tpu.memref_slice %arg15[%dma_wait3A_279, %dma_wait3A_280] : memref<10008x64xf32, #tpu.memory_space<vmem_shared>> -> memref<10008x64xf32, #tpu.memory_space<vmem_shared>>
      tpu.wait_indirect_dma semaphore(%arg13 : memref<!tpu.dma_semaphore, #tpu.memory_space<semaphore_mem>>) src(%arg9 : memref<320x64xf32, #tpu.memory_space<vmem>>) dst(%dma_wait3A_281 : memref<10008x64xf32, #tpu.memory_space<vmem_shared>>)
    }
    %scan3A_47 = arith.constant 4 : i32
    %barrier3A_48 = arith.constant 0 : index
    tpu.barrier barrier_id(%barrier3A_48)
    %mul3A_49 = arith.constant 625 : i32
    %mul3A_50 = arith.muli %arg1, %mul3A_49 : i32
    %mul3A_51 = arith.constant 625 : i32
    %mul3A_52 = arith.muli %arg1, %mul3A_51 : i32
    "tpu.region"() ({
      %run_scoped3A = tpu.sem_alloc : memref<!tpu.dma_semaphore, #tpu.memory_space<semaphore_mem>>
      %dma_start3A = arith.constant 0 : i32
      %dma_start3A_53 = tpu.memref_slice %arg5[%add3A_28, %mul3A_52, %dma_start3A] : memref<4x10000x64xf32, #tpu.memory_space<hbm>> -> memref<1x625x64xf32, #tpu.memory_space<hbm>>
      %dma_start3A_54 = tpu.memref_squeeze %dma_start3A_53 : memref<1x625x64xf32, #tpu.memory_space<hbm>> -> memref<625x64xf32, #tpu.memory_space<hbm>>
      %dma_start3A_55 = arith.constant 0 : i32
      %dma_start3A_56 = tpu.memref_slice %arg15[%mul3A_50, %dma_start3A_55] : memref<10008x64xf32, #tpu.memory_space<vmem_shared>> -> memref<625x64xf32, #tpu.memory_space<vmem_shared>>
      tpu.enqueue_dma source(%dma_start3A_56 : memref<625x64xf32, #tpu.memory_space<vmem_shared>>) target(%dma_start3A_54 : memref<625x64xf32, #tpu.memory_space<hbm>>) target_semaphore(%run_scoped3A : memref<!tpu.dma_semaphore, #tpu.memory_space<semaphore_mem>>)
      %dma_wait3A = arith.constant 0 : i32
      %dma_wait3A_57 = tpu.memref_slice %arg5[%add3A_28, %mul3A_52, %dma_wait3A] : memref<4x10000x64xf32, #tpu.memory_space<hbm>> -> memref<1x625x64xf32, #tpu.memory_space<hbm>>
      %dma_wait3A_58 = tpu.memref_squeeze %dma_wait3A_57 : memref<1x625x64xf32, #tpu.memory_space<hbm>> -> memref<625x64xf32, #tpu.memory_space<hbm>>
      %dma_wait3A_59 = arith.constant 0 : i32
      %dma_wait3A_60 = tpu.memref_slice %arg15[%mul3A_50, %dma_wait3A_59] : memref<10008x64xf32, #tpu.memory_space<vmem_shared>> -> memref<625x64xf32, #tpu.memory_space<vmem_shared>>
      tpu.wait_dma2 semaphore(%run_scoped3A : memref<!tpu.dma_semaphore, #tpu.memory_space<semaphore_mem>>) src(%dma_wait3A_60 : memref<625x64xf32, #tpu.memory_space<vmem_shared>>) dst(%dma_wait3A_58 : memref<625x64xf32, #tpu.memory_space<hbm>>)
      tpu.yield
    }) : () -> ()
    return
  }
}

#map = affine_map<(d0, d1) -> (0, 0)>
#map1 = affine_map<(d0, d1) -> (0, 0, 0)>
module attributes {stable_mosaic.version = 14 : i64} {
  func.func @_sc_agg2(%arg0: i32, %arg1: i32, %arg2: memref<10000x48xf32, #tpu.memory_space<hbm>>, %arg3: memref<10000x48xf32, #tpu.memory_space<hbm>>, %arg4: memref<320x512xi32, #tpu.memory_space<hbm>>, %arg5: memref<320x512xi32, #tpu.memory_space<hbm>>, %arg6: memref<2x10000x48xf32, #tpu.memory_space<hbm>>, %arg7: memref<10x512xi32, #tpu.memory_space<vmem>>, %arg8: memref<10x512xi32, #tpu.memory_space<vmem>>, %arg9: memref<512x48xf32, #tpu.memory_space<vmem>>, %arg10: memref<512x48xf32, #tpu.memory_space<vmem>>, %arg11: memref<!tpu.dma_semaphore, #tpu.memory_space<semaphore_mem>>, %arg12: memref<!tpu.dma_semaphore, #tpu.memory_space<semaphore_mem>>, %arg13: memref<!tpu.dma_semaphore, #tpu.memory_space<semaphore_mem>>, %arg14: memref<!tpu.dma_semaphore, #tpu.memory_space<semaphore_mem>>, %arg15: memref<10000x48xf32, #tpu.memory_space<vmem_shared>>, %arg16: memref<10008x48xf32, #tpu.memory_space<vmem_shared>>) attributes {dimension_semantics = [#tpu.dimension_semantics<core_parallel>, #tpu.dimension_semantics<subcore_parallel>], iteration_bounds = array<i64: 2, 16>, scalar_prefetch = 0 : i64, scratch_operands = 10 : i64, tpu.core_type = #tpu.core_type<sc_vector_subcore>, window_params = [{transform_indices = #map}, {transform_indices = #map}, {transform_indices = #map}, {transform_indices = #map}, {transform_indices = #map1}]} {
    %mul3A = arith.constant 625 : i32
    %mul3A_0 = arith.muli %arg1, %mul3A : i32
    %mul3A_1 = arith.constant 625 : i32
    %mul3A_2 = arith.muli %arg1, %mul3A_1 : i32
    "tpu.region"() ({
      %run_scoped3A = tpu.sem_alloc : memref<!tpu.dma_semaphore, #tpu.memory_space<semaphore_mem>>
      %dma_start3A_309 = arith.constant 0 : i32
      %dma_start3A_310 = tpu.memref_slice %arg15[%mul3A_2, %dma_start3A_309] : memref<10000x48xf32, #tpu.memory_space<vmem_shared>> -> memref<625x48xf32, #tpu.memory_space<vmem_shared>>
      %dma_start3A_311 = arith.constant 0 : i32
      %dma_start3A_312 = tpu.memref_slice %arg2[%mul3A_0, %dma_start3A_311] : memref<10000x48xf32, #tpu.memory_space<hbm>> -> memref<625x48xf32, #tpu.memory_space<hbm>>
      tpu.enqueue_dma source(%dma_start3A_312 : memref<625x48xf32, #tpu.memory_space<hbm>>) target(%dma_start3A_310 : memref<625x48xf32, #tpu.memory_space<vmem_shared>>) target_semaphore(%run_scoped3A : memref<!tpu.dma_semaphore, #tpu.memory_space<semaphore_mem>>)
      %dma_wait3A_313 = arith.constant 0 : i32
      %dma_wait3A_314 = tpu.memref_slice %arg15[%mul3A_2, %dma_wait3A_313] : memref<10000x48xf32, #tpu.memory_space<vmem_shared>> -> memref<625x48xf32, #tpu.memory_space<vmem_shared>>
      %dma_wait3A_315 = arith.constant 0 : i32
      %dma_wait3A_316 = tpu.memref_slice %arg2[%mul3A_0, %dma_wait3A_315] : memref<10000x48xf32, #tpu.memory_space<hbm>> -> memref<625x48xf32, #tpu.memory_space<hbm>>
      tpu.wait_dma2 semaphore(%run_scoped3A : memref<!tpu.dma_semaphore, #tpu.memory_space<semaphore_mem>>) src(%dma_wait3A_316 : memref<625x48xf32, #tpu.memory_space<hbm>>) dst(%dma_wait3A_314 : memref<625x48xf32, #tpu.memory_space<vmem_shared>>)
      tpu.yield
    }) : () -> ()
    %eq3A = arith.constant 0 : i32
    %eq3A_3 = arith.cmpi eq, %arg0, %eq3A : i32
    %convert_element_type3A = arith.extui %eq3A_3 : i1 to i32
    %cond3A = arith.constant 0 : i32
    %cond3A_4 = arith.cmpi ne, %convert_element_type3A, %cond3A : i32
    scf.if %cond3A_4 {
      %mul3A_309 = arith.constant 625 : i32
      %mul3A_310 = arith.muli %arg1, %mul3A_309 : i32
      %mul3A_311 = arith.constant 625 : i32
      %mul3A_312 = arith.muli %arg1, %mul3A_311 : i32
      "tpu.region"() ({
        %run_scoped3A = tpu.sem_alloc : memref<!tpu.dma_semaphore, #tpu.memory_space<semaphore_mem>>
        %dma_start3A_313 = arith.constant 0 : i32
        %dma_start3A_314 = tpu.memref_slice %arg16[%mul3A_312, %dma_start3A_313] : memref<10008x48xf32, #tpu.memory_space<vmem_shared>> -> memref<625x48xf32, #tpu.memory_space<vmem_shared>>
        %dma_start3A_315 = arith.constant 0 : i32
        %dma_start3A_316 = tpu.memref_slice %arg2[%mul3A_310, %dma_start3A_315] : memref<10000x48xf32, #tpu.memory_space<hbm>> -> memref<625x48xf32, #tpu.memory_space<hbm>>
        tpu.enqueue_dma source(%dma_start3A_316 : memref<625x48xf32, #tpu.memory_space<hbm>>) target(%dma_start3A_314 : memref<625x48xf32, #tpu.memory_space<vmem_shared>>) target_semaphore(%run_scoped3A : memref<!tpu.dma_semaphore, #tpu.memory_space<semaphore_mem>>)
        %dma_wait3A_317 = arith.constant 0 : i32
        %dma_wait3A_318 = tpu.memref_slice %arg16[%mul3A_312, %dma_wait3A_317] : memref<10008x48xf32, #tpu.memory_space<vmem_shared>> -> memref<625x48xf32, #tpu.memory_space<vmem_shared>>
        %dma_wait3A_319 = arith.constant 0 : i32
        %dma_wait3A_320 = tpu.memref_slice %arg2[%mul3A_310, %dma_wait3A_319] : memref<10000x48xf32, #tpu.memory_space<hbm>> -> memref<625x48xf32, #tpu.memory_space<hbm>>
        tpu.wait_dma2 semaphore(%run_scoped3A : memref<!tpu.dma_semaphore, #tpu.memory_space<semaphore_mem>>) src(%dma_wait3A_320 : memref<625x48xf32, #tpu.memory_space<hbm>>) dst(%dma_wait3A_318 : memref<625x48xf32, #tpu.memory_space<vmem_shared>>)
        tpu.yield
      }) : () -> ()
    } else {
    }
    %ne3A = arith.constant 0 : i32
    %ne3A_5 = arith.cmpi ne, %arg0, %ne3A : i32
    %convert_element_type3A_6 = arith.extui %ne3A_5 : i1 to i32
    %cond3A_7 = arith.constant 0 : i32
    %cond3A_8 = arith.cmpi ne, %convert_element_type3A_6, %cond3A_7 : i32
    scf.if %cond3A_8 {
      %mul3A_309 = arith.constant 625 : i32
      %mul3A_310 = arith.muli %arg1, %mul3A_309 : i32
      %mul3A_311 = arith.constant 625 : i32
      %mul3A_312 = arith.muli %arg1, %mul3A_311 : i32
      "tpu.region"() ({
        %run_scoped3A = tpu.sem_alloc : memref<!tpu.dma_semaphore, #tpu.memory_space<semaphore_mem>>
        %dma_start3A_313 = arith.constant 0 : i32
        %dma_start3A_314 = tpu.memref_slice %arg16[%mul3A_312, %dma_start3A_313] : memref<10008x48xf32, #tpu.memory_space<vmem_shared>> -> memref<625x48xf32, #tpu.memory_space<vmem_shared>>
        %dma_start3A_315 = arith.constant 0 : i32
        %dma_start3A_316 = tpu.memref_slice %arg3[%mul3A_310, %dma_start3A_315] : memref<10000x48xf32, #tpu.memory_space<hbm>> -> memref<625x48xf32, #tpu.memory_space<hbm>>
        tpu.enqueue_dma source(%dma_start3A_316 : memref<625x48xf32, #tpu.memory_space<hbm>>) target(%dma_start3A_314 : memref<625x48xf32, #tpu.memory_space<vmem_shared>>) target_semaphore(%run_scoped3A : memref<!tpu.dma_semaphore, #tpu.memory_space<semaphore_mem>>)
        %dma_wait3A_317 = arith.constant 0 : i32
        %dma_wait3A_318 = tpu.memref_slice %arg16[%mul3A_312, %dma_wait3A_317] : memref<10008x48xf32, #tpu.memory_space<vmem_shared>> -> memref<625x48xf32, #tpu.memory_space<vmem_shared>>
        %dma_wait3A_319 = arith.constant 0 : i32
        %dma_wait3A_320 = tpu.memref_slice %arg3[%mul3A_310, %dma_wait3A_319] : memref<10000x48xf32, #tpu.memory_space<hbm>> -> memref<625x48xf32, #tpu.memory_space<hbm>>
        tpu.wait_dma2 semaphore(%run_scoped3A : memref<!tpu.dma_semaphore, #tpu.memory_space<semaphore_mem>>) src(%dma_wait3A_320 : memref<625x48xf32, #tpu.memory_space<hbm>>) dst(%dma_wait3A_318 : memref<625x48xf32, #tpu.memory_space<vmem_shared>>)
        tpu.yield
      }) : () -> ()
    } else {
    }
    %barrier3A = arith.constant 0 : index
    tpu.barrier barrier_id(%barrier3A)
    %mul3A_9 = arith.constant 16 : i32
    %mul3A_10 = arith.muli %arg0, %mul3A_9 : i32
    %add3A = arith.addi %mul3A_10, %arg1 : i32
    %mul3A_11 = arith.constant 10 : i32
    %mul3A_12 = arith.muli %add3A, %mul3A_11 : i32
    %mul3A_13 = arith.constant 16 : i32
    %mul3A_14 = arith.muli %arg0, %mul3A_13 : i32
    %add3A_15 = arith.addi %mul3A_14, %arg1 : i32
    %mul3A_16 = arith.constant 10 : i32
    %mul3A_17 = arith.muli %add3A_15, %mul3A_16 : i32
    %scan3A = arith.constant 0 : i32
    %scan3A_18 = arith.constant 0 : i32
    %mul3A_19 = arith.constant 10 : i32
    %mul3A_20 = arith.muli %scan3A_18, %mul3A_19 : i32
    %add3A_21 = arith.addi %mul3A_12, %mul3A_20 : i32
    "tpu.region"() ({
      %run_scoped3A = tpu.sem_alloc : memref<!tpu.dma_semaphore, #tpu.memory_space<semaphore_mem>>
      %dma_start3A_309 = arith.constant 0 : i32
      %dma_start3A_310 = tpu.memref_slice %arg4[%add3A_21, %dma_start3A_309] : memref<320x512xi32, #tpu.memory_space<hbm>> -> memref<10x512xi32, #tpu.memory_space<hbm>>
      %dma_start3A_311 = arith.constant 0 : i32
      %dma_start3A_312 = tpu.memref_slice %arg4[%add3A_21, %dma_start3A_311] : memref<320x512xi32, #tpu.memory_space<hbm>> -> memref<10x512xi32, #tpu.memory_space<hbm>>
      tpu.enqueue_dma source(%dma_start3A_312 : memref<10x512xi32, #tpu.memory_space<hbm>>) target(%arg7 : memref<10x512xi32, #tpu.memory_space<vmem>>) target_semaphore(%run_scoped3A : memref<!tpu.dma_semaphore, #tpu.memory_space<semaphore_mem>>)
      %dma_wait3A_313 = arith.constant 0 : i32
      %dma_wait3A_314 = tpu.memref_slice %arg4[%add3A_21, %dma_wait3A_313] : memref<320x512xi32, #tpu.memory_space<hbm>> -> memref<10x512xi32, #tpu.memory_space<hbm>>
      %dma_wait3A_315 = arith.constant 0 : i32
      %dma_wait3A_316 = tpu.memref_slice %arg4[%add3A_21, %dma_wait3A_315] : memref<320x512xi32, #tpu.memory_space<hbm>> -> memref<10x512xi32, #tpu.memory_space<hbm>>
      tpu.wait_dma2 semaphore(%run_scoped3A : memref<!tpu.dma_semaphore, #tpu.memory_space<semaphore_mem>>) src(%dma_wait3A_316 : memref<10x512xi32, #tpu.memory_space<hbm>>) dst(%arg7 : memref<10x512xi32, #tpu.memory_space<vmem>>)
      tpu.yield
    }) : () -> ()
    %mul3A_22 = arith.constant 10 : i32
    %mul3A_23 = arith.muli %scan3A_18, %mul3A_22 : i32
    %add3A_24 = arith.addi %mul3A_17, %mul3A_23 : i32
    "tpu.region"() ({
      %run_scoped3A = tpu.sem_alloc : memref<!tpu.dma_semaphore, #tpu.memory_space<semaphore_mem>>
      %dma_start3A_309 = arith.constant 0 : i32
      %dma_start3A_310 = tpu.memref_slice %arg5[%add3A_24, %dma_start3A_309] : memref<320x512xi32, #tpu.memory_space<hbm>> -> memref<10x512xi32, #tpu.memory_space<hbm>>
      %dma_start3A_311 = arith.constant 0 : i32
      %dma_start3A_312 = tpu.memref_slice %arg5[%add3A_24, %dma_start3A_311] : memref<320x512xi32, #tpu.memory_space<hbm>> -> memref<10x512xi32, #tpu.memory_space<hbm>>
      tpu.enqueue_dma source(%dma_start3A_312 : memref<10x512xi32, #tpu.memory_space<hbm>>) target(%arg8 : memref<10x512xi32, #tpu.memory_space<vmem>>) target_semaphore(%run_scoped3A : memref<!tpu.dma_semaphore, #tpu.memory_space<semaphore_mem>>)
      %dma_wait3A_313 = arith.constant 0 : i32
      %dma_wait3A_314 = tpu.memref_slice %arg5[%add3A_24, %dma_wait3A_313] : memref<320x512xi32, #tpu.memory_space<hbm>> -> memref<10x512xi32, #tpu.memory_space<hbm>>
      %dma_wait3A_315 = arith.constant 0 : i32
      %dma_wait3A_316 = tpu.memref_slice %arg5[%add3A_24, %dma_wait3A_315] : memref<320x512xi32, #tpu.memory_space<hbm>> -> memref<10x512xi32, #tpu.memory_space<hbm>>
      tpu.wait_dma2 semaphore(%run_scoped3A : memref<!tpu.dma_semaphore, #tpu.memory_space<semaphore_mem>>) src(%dma_wait3A_316 : memref<10x512xi32, #tpu.memory_space<hbm>>) dst(%arg8 : memref<10x512xi32, #tpu.memory_space<vmem>>)
      tpu.yield
    }) : () -> ()
    %dma_start3A = arith.constant 0 : i32
    %dma_start3A_25 = arith.constant 0 : i32
    %dma_start3A_26 = tpu.memref_slice %arg7[%dma_start3A, %dma_start3A_25] : memref<10x512xi32, #tpu.memory_space<vmem>> -> memref<1x512xi32, #tpu.memory_space<vmem>>
    %dma_start3A_27 = tpu.memref_squeeze %dma_start3A_26 : memref<1x512xi32, #tpu.memory_space<vmem>> -> memref<512xi32, #tpu.memory_space<vmem>>
    %dma_start3A_28 = arith.constant 0 : i32
    %dma_start3A_29 = arith.constant 0 : i32
    %dma_start3A_30 = tpu.memref_slice %arg15[%dma_start3A_28, %dma_start3A_29] : memref<10000x48xf32, #tpu.memory_space<vmem_shared>> -> memref<10000x48xf32, #tpu.memory_space<vmem_shared>>
    tpu.enqueue_indirect_dma source(%dma_start3A_30 : memref<10000x48xf32, #tpu.memory_space<vmem_shared>>) target(%arg9 : memref<512x48xf32, #tpu.memory_space<vmem>>) offsets(%dma_start3A_27 : memref<512xi32, #tpu.memory_space<vmem>>) semaphore(%arg11 : memref<!tpu.dma_semaphore, #tpu.memory_space<semaphore_mem>>)
    %dma_wait3A = arith.constant 0 : i32
    %dma_wait3A_31 = arith.constant 0 : i32
    %dma_wait3A_32 = tpu.memref_slice %arg7[%dma_wait3A, %dma_wait3A_31] : memref<10x512xi32, #tpu.memory_space<vmem>> -> memref<1x512xi32, #tpu.memory_space<vmem>>
    %dma_wait3A_33 = tpu.memref_squeeze %dma_wait3A_32 : memref<1x512xi32, #tpu.memory_space<vmem>> -> memref<512xi32, #tpu.memory_space<vmem>>
    %dma_wait3A_34 = arith.constant 0 : i32
    %dma_wait3A_35 = arith.constant 0 : i32
    %dma_wait3A_36 = tpu.memref_slice %arg15[%dma_wait3A_34, %dma_wait3A_35] : memref<10000x48xf32, #tpu.memory_space<vmem_shared>> -> memref<10000x48xf32, #tpu.memory_space<vmem_shared>>
    tpu.wait_indirect_dma semaphore(%arg11 : memref<!tpu.dma_semaphore, #tpu.memory_space<semaphore_mem>>) src(%dma_wait3A_36 : memref<10000x48xf32, #tpu.memory_space<vmem_shared>>) dst(%arg9 : memref<512x48xf32, #tpu.memory_space<vmem>>)
    %dma_start3A_37 = arith.constant 1 : i32
    %dma_start3A_38 = arith.constant 0 : i32
    %dma_start3A_39 = tpu.memref_slice %arg7[%dma_start3A_37, %dma_start3A_38] : memref<10x512xi32, #tpu.memory_space<vmem>> -> memref<1x512xi32, #tpu.memory_space<vmem>>
    %dma_start3A_40 = tpu.memref_squeeze %dma_start3A_39 : memref<1x512xi32, #tpu.memory_space<vmem>> -> memref<512xi32, #tpu.memory_space<vmem>>
    %dma_start3A_41 = arith.constant 0 : i32
    %dma_start3A_42 = arith.constant 0 : i32
    %dma_start3A_43 = tpu.memref_slice %arg15[%dma_start3A_41, %dma_start3A_42] : memref<10000x48xf32, #tpu.memory_space<vmem_shared>> -> memref<10000x48xf32, #tpu.memory_space<vmem_shared>>
    tpu.enqueue_indirect_dma source(%dma_start3A_43 : memref<10000x48xf32, #tpu.memory_space<vmem_shared>>) target(%arg10 : memref<512x48xf32, #tpu.memory_space<vmem>>) offsets(%dma_start3A_40 : memref<512xi32, #tpu.memory_space<vmem>>) semaphore(%arg12 : memref<!tpu.dma_semaphore, #tpu.memory_space<semaphore_mem>>)
    %dma_start3A_44 = arith.constant 0 : i32
    %dma_start3A_45 = arith.constant 0 : i32
    %dma_start3A_46 = tpu.memref_slice %arg8[%dma_start3A_44, %dma_start3A_45] : memref<10x512xi32, #tpu.memory_space<vmem>> -> memref<1x512xi32, #tpu.memory_space<vmem>>
    %dma_start3A_47 = tpu.memref_squeeze %dma_start3A_46 : memref<1x512xi32, #tpu.memory_space<vmem>> -> memref<512xi32, #tpu.memory_space<vmem>>
    %dma_start3A_48 = arith.constant 0 : i32
    %dma_start3A_49 = arith.constant 0 : i32
    %dma_start3A_50 = tpu.memref_slice %arg16[%dma_start3A_48, %dma_start3A_49] : memref<10008x48xf32, #tpu.memory_space<vmem_shared>> -> memref<10008x48xf32, #tpu.memory_space<vmem_shared>>
    tpu.enqueue_indirect_dma source(%arg9 : memref<512x48xf32, #tpu.memory_space<vmem>>) target(%dma_start3A_50 : memref<10008x48xf32, #tpu.memory_space<vmem_shared>>) offsets(%dma_start3A_47 : memref<512xi32, #tpu.memory_space<vmem>>) semaphore(%arg13 : memref<!tpu.dma_semaphore, #tpu.memory_space<semaphore_mem>>) {add = true}
    %dma_wait3A_51 = arith.constant 1 : i32
    %dma_wait3A_52 = arith.constant 0 : i32
    %dma_wait3A_53 = tpu.memref_slice %arg7[%dma_wait3A_51, %dma_wait3A_52] : memref<10x512xi32, #tpu.memory_space<vmem>> -> memref<1x512xi32, #tpu.memory_space<vmem>>
    %dma_wait3A_54 = tpu.memref_squeeze %dma_wait3A_53 : memref<1x512xi32, #tpu.memory_space<vmem>> -> memref<512xi32, #tpu.memory_space<vmem>>
    %dma_wait3A_55 = arith.constant 0 : i32
    %dma_wait3A_56 = arith.constant 0 : i32
    %dma_wait3A_57 = tpu.memref_slice %arg15[%dma_wait3A_55, %dma_wait3A_56] : memref<10000x48xf32, #tpu.memory_space<vmem_shared>> -> memref<10000x48xf32, #tpu.memory_space<vmem_shared>>
    tpu.wait_indirect_dma semaphore(%arg12 : memref<!tpu.dma_semaphore, #tpu.memory_space<semaphore_mem>>) src(%dma_wait3A_57 : memref<10000x48xf32, #tpu.memory_space<vmem_shared>>) dst(%arg10 : memref<512x48xf32, #tpu.memory_space<vmem>>)
    %dma_wait3A_58 = arith.constant 0 : i32
    %dma_wait3A_59 = arith.constant 0 : i32
    %dma_wait3A_60 = tpu.memref_slice %arg8[%dma_wait3A_58, %dma_wait3A_59] : memref<10x512xi32, #tpu.memory_space<vmem>> -> memref<1x512xi32, #tpu.memory_space<vmem>>
    %dma_wait3A_61 = tpu.memref_squeeze %dma_wait3A_60 : memref<1x512xi32, #tpu.memory_space<vmem>> -> memref<512xi32, #tpu.memory_space<vmem>>
    %dma_wait3A_62 = arith.constant 0 : i32
    %dma_wait3A_63 = arith.constant 0 : i32
    %dma_wait3A_64 = tpu.memref_slice %arg16[%dma_wait3A_62, %dma_wait3A_63] : memref<10008x48xf32, #tpu.memory_space<vmem_shared>> -> memref<10008x48xf32, #tpu.memory_space<vmem_shared>>
    tpu.wait_indirect_dma semaphore(%arg13 : memref<!tpu.dma_semaphore, #tpu.memory_space<semaphore_mem>>) src(%arg9 : memref<512x48xf32, #tpu.memory_space<vmem>>) dst(%dma_wait3A_64 : memref<10008x48xf32, #tpu.memory_space<vmem_shared>>)
    %dma_start3A_65 = arith.constant 2 : i32
    %dma_start3A_66 = arith.constant 0 : i32
    %dma_start3A_67 = tpu.memref_slice %arg7[%dma_start3A_65, %dma_start3A_66] : memref<10x512xi32, #tpu.memory_space<vmem>> -> memref<1x512xi32, #tpu.memory_space<vmem>>
    %dma_start3A_68 = tpu.memref_squeeze %dma_start3A_67 : memref<1x512xi32, #tpu.memory_space<vmem>> -> memref<512xi32, #tpu.memory_space<vmem>>
    %dma_start3A_69 = arith.constant 0 : i32
    %dma_start3A_70 = arith.constant 0 : i32
    %dma_start3A_71 = tpu.memref_slice %arg15[%dma_start3A_69, %dma_start3A_70] : memref<10000x48xf32, #tpu.memory_space<vmem_shared>> -> memref<10000x48xf32, #tpu.memory_space<vmem_shared>>
    tpu.enqueue_indirect_dma source(%dma_start3A_71 : memref<10000x48xf32, #tpu.memory_space<vmem_shared>>) target(%arg9 : memref<512x48xf32, #tpu.memory_space<vmem>>) offsets(%dma_start3A_68 : memref<512xi32, #tpu.memory_space<vmem>>) semaphore(%arg11 : memref<!tpu.dma_semaphore, #tpu.memory_space<semaphore_mem>>)
    %dma_start3A_72 = arith.constant 1 : i32
    %dma_start3A_73 = arith.constant 0 : i32
    %dma_start3A_74 = tpu.memref_slice %arg8[%dma_start3A_72, %dma_start3A_73] : memref<10x512xi32, #tpu.memory_space<vmem>> -> memref<1x512xi32, #tpu.memory_space<vmem>>
    %dma_start3A_75 = tpu.memref_squeeze %dma_start3A_74 : memref<1x512xi32, #tpu.memory_space<vmem>> -> memref<512xi32, #tpu.memory_space<vmem>>
    %dma_start3A_76 = arith.constant 0 : i32
    %dma_start3A_77 = arith.constant 0 : i32
    %dma_start3A_78 = tpu.memref_slice %arg16[%dma_start3A_76, %dma_start3A_77] : memref<10008x48xf32, #tpu.memory_space<vmem_shared>> -> memref<10008x48xf32, #tpu.memory_space<vmem_shared>>
    tpu.enqueue_indirect_dma source(%arg10 : memref<512x48xf32, #tpu.memory_space<vmem>>) target(%dma_start3A_78 : memref<10008x48xf32, #tpu.memory_space<vmem_shared>>) offsets(%dma_start3A_75 : memref<512xi32, #tpu.memory_space<vmem>>) semaphore(%arg14 : memref<!tpu.dma_semaphore, #tpu.memory_space<semaphore_mem>>) {add = true}
    %dma_wait3A_79 = arith.constant 2 : i32
    %dma_wait3A_80 = arith.constant 0 : i32
    %dma_wait3A_81 = tpu.memref_slice %arg7[%dma_wait3A_79, %dma_wait3A_80] : memref<10x512xi32, #tpu.memory_space<vmem>> -> memref<1x512xi32, #tpu.memory_space<vmem>>
    %dma_wait3A_82 = tpu.memref_squeeze %dma_wait3A_81 : memref<1x512xi32, #tpu.memory_space<vmem>> -> memref<512xi32, #tpu.memory_space<vmem>>
    %dma_wait3A_83 = arith.constant 0 : i32
    %dma_wait3A_84 = arith.constant 0 : i32
    %dma_wait3A_85 = tpu.memref_slice %arg15[%dma_wait3A_83, %dma_wait3A_84] : memref<10000x48xf32, #tpu.memory_space<vmem_shared>> -> memref<10000x48xf32, #tpu.memory_space<vmem_shared>>
    tpu.wait_indirect_dma semaphore(%arg11 : memref<!tpu.dma_semaphore, #tpu.memory_space<semaphore_mem>>) src(%dma_wait3A_85 : memref<10000x48xf32, #tpu.memory_space<vmem_shared>>) dst(%arg9 : memref<512x48xf32, #tpu.memory_space<vmem>>)
    %dma_wait3A_86 = arith.constant 1 : i32
    %dma_wait3A_87 = arith.constant 0 : i32
    %dma_wait3A_88 = tpu.memref_slice %arg8[%dma_wait3A_86, %dma_wait3A_87] : memref<10x512xi32, #tpu.memory_space<vmem>> -> memref<1x512xi32, #tpu.memory_space<vmem>>
    %dma_wait3A_89 = tpu.memref_squeeze %dma_wait3A_88 : memref<1x512xi32, #tpu.memory_space<vmem>> -> memref<512xi32, #tpu.memory_space<vmem>>
    %dma_wait3A_90 = arith.constant 0 : i32
    %dma_wait3A_91 = arith.constant 0 : i32
    %dma_wait3A_92 = tpu.memref_slice %arg16[%dma_wait3A_90, %dma_wait3A_91] : memref<10008x48xf32, #tpu.memory_space<vmem_shared>> -> memref<10008x48xf32, #tpu.memory_space<vmem_shared>>
    tpu.wait_indirect_dma semaphore(%arg14 : memref<!tpu.dma_semaphore, #tpu.memory_space<semaphore_mem>>) src(%arg10 : memref<512x48xf32, #tpu.memory_space<vmem>>) dst(%dma_wait3A_92 : memref<10008x48xf32, #tpu.memory_space<vmem_shared>>)
    %dma_start3A_93 = arith.constant 3 : i32
    %dma_start3A_94 = arith.constant 0 : i32
    %dma_start3A_95 = tpu.memref_slice %arg7[%dma_start3A_93, %dma_start3A_94] : memref<10x512xi32, #tpu.memory_space<vmem>> -> memref<1x512xi32, #tpu.memory_space<vmem>>
    %dma_start3A_96 = tpu.memref_squeeze %dma_start3A_95 : memref<1x512xi32, #tpu.memory_space<vmem>> -> memref<512xi32, #tpu.memory_space<vmem>>
    %dma_start3A_97 = arith.constant 0 : i32
    %dma_start3A_98 = arith.constant 0 : i32
    %dma_start3A_99 = tpu.memref_slice %arg15[%dma_start3A_97, %dma_start3A_98] : memref<10000x48xf32, #tpu.memory_space<vmem_shared>> -> memref<10000x48xf32, #tpu.memory_space<vmem_shared>>
    tpu.enqueue_indirect_dma source(%dma_start3A_99 : memref<10000x48xf32, #tpu.memory_space<vmem_shared>>) target(%arg10 : memref<512x48xf32, #tpu.memory_space<vmem>>) offsets(%dma_start3A_96 : memref<512xi32, #tpu.memory_space<vmem>>) semaphore(%arg12 : memref<!tpu.dma_semaphore, #tpu.memory_space<semaphore_mem>>)
    %dma_start3A_100 = arith.constant 2 : i32
    %dma_start3A_101 = arith.constant 0 : i32
    %dma_start3A_102 = tpu.memref_slice %arg8[%dma_start3A_100, %dma_start3A_101] : memref<10x512xi32, #tpu.memory_space<vmem>> -> memref<1x512xi32, #tpu.memory_space<vmem>>
    %dma_start3A_103 = tpu.memref_squeeze %dma_start3A_102 : memref<1x512xi32, #tpu.memory_space<vmem>> -> memref<512xi32, #tpu.memory_space<vmem>>
    %dma_start3A_104 = arith.constant 0 : i32
    %dma_start3A_105 = arith.constant 0 : i32
    %dma_start3A_106 = tpu.memref_slice %arg16[%dma_start3A_104, %dma_start3A_105] : memref<10008x48xf32, #tpu.memory_space<vmem_shared>> -> memref<10008x48xf32, #tpu.memory_space<vmem_shared>>
    tpu.enqueue_indirect_dma source(%arg9 : memref<512x48xf32, #tpu.memory_space<vmem>>) target(%dma_start3A_106 : memref<10008x48xf32, #tpu.memory_space<vmem_shared>>) offsets(%dma_start3A_103 : memref<512xi32, #tpu.memory_space<vmem>>) semaphore(%arg13 : memref<!tpu.dma_semaphore, #tpu.memory_space<semaphore_mem>>) {add = true}
    %dma_wait3A_107 = arith.constant 3 : i32
    %dma_wait3A_108 = arith.constant 0 : i32
    %dma_wait3A_109 = tpu.memref_slice %arg7[%dma_wait3A_107, %dma_wait3A_108] : memref<10x512xi32, #tpu.memory_space<vmem>> -> memref<1x512xi32, #tpu.memory_space<vmem>>
    %dma_wait3A_110 = tpu.memref_squeeze %dma_wait3A_109 : memref<1x512xi32, #tpu.memory_space<vmem>> -> memref<512xi32, #tpu.memory_space<vmem>>
    %dma_wait3A_111 = arith.constant 0 : i32
    %dma_wait3A_112 = arith.constant 0 : i32
    %dma_wait3A_113 = tpu.memref_slice %arg15[%dma_wait3A_111, %dma_wait3A_112] : memref<10000x48xf32, #tpu.memory_space<vmem_shared>> -> memref<10000x48xf32, #tpu.memory_space<vmem_shared>>
    tpu.wait_indirect_dma semaphore(%arg12 : memref<!tpu.dma_semaphore, #tpu.memory_space<semaphore_mem>>) src(%dma_wait3A_113 : memref<10000x48xf32, #tpu.memory_space<vmem_shared>>) dst(%arg10 : memref<512x48xf32, #tpu.memory_space<vmem>>)
    %dma_wait3A_114 = arith.constant 2 : i32
    %dma_wait3A_115 = arith.constant 0 : i32
    %dma_wait3A_116 = tpu.memref_slice %arg8[%dma_wait3A_114, %dma_wait3A_115] : memref<10x512xi32, #tpu.memory_space<vmem>> -> memref<1x512xi32, #tpu.memory_space<vmem>>
    %dma_wait3A_117 = tpu.memref_squeeze %dma_wait3A_116 : memref<1x512xi32, #tpu.memory_space<vmem>> -> memref<512xi32, #tpu.memory_space<vmem>>
    %dma_wait3A_118 = arith.constant 0 : i32
    %dma_wait3A_119 = arith.constant 0 : i32
    %dma_wait3A_120 = tpu.memref_slice %arg16[%dma_wait3A_118, %dma_wait3A_119] : memref<10008x48xf32, #tpu.memory_space<vmem_shared>> -> memref<10008x48xf32, #tpu.memory_space<vmem_shared>>
    tpu.wait_indirect_dma semaphore(%arg13 : memref<!tpu.dma_semaphore, #tpu.memory_space<semaphore_mem>>) src(%arg9 : memref<512x48xf32, #tpu.memory_space<vmem>>) dst(%dma_wait3A_120 : memref<10008x48xf32, #tpu.memory_space<vmem_shared>>)
    %dma_start3A_121 = arith.constant 4 : i32
    %dma_start3A_122 = arith.constant 0 : i32
    %dma_start3A_123 = tpu.memref_slice %arg7[%dma_start3A_121, %dma_start3A_122] : memref<10x512xi32, #tpu.memory_space<vmem>> -> memref<1x512xi32, #tpu.memory_space<vmem>>
    %dma_start3A_124 = tpu.memref_squeeze %dma_start3A_123 : memref<1x512xi32, #tpu.memory_space<vmem>> -> memref<512xi32, #tpu.memory_space<vmem>>
    %dma_start3A_125 = arith.constant 0 : i32
    %dma_start3A_126 = arith.constant 0 : i32
    %dma_start3A_127 = tpu.memref_slice %arg15[%dma_start3A_125, %dma_start3A_126] : memref<10000x48xf32, #tpu.memory_space<vmem_shared>> -> memref<10000x48xf32, #tpu.memory_space<vmem_shared>>
    tpu.enqueue_indirect_dma source(%dma_start3A_127 : memref<10000x48xf32, #tpu.memory_space<vmem_shared>>) target(%arg9 : memref<512x48xf32, #tpu.memory_space<vmem>>) offsets(%dma_start3A_124 : memref<512xi32, #tpu.memory_space<vmem>>) semaphore(%arg11 : memref<!tpu.dma_semaphore, #tpu.memory_space<semaphore_mem>>)
    %dma_start3A_128 = arith.constant 3 : i32
    %dma_start3A_129 = arith.constant 0 : i32
    %dma_start3A_130 = tpu.memref_slice %arg8[%dma_start3A_128, %dma_start3A_129] : memref<10x512xi32, #tpu.memory_space<vmem>> -> memref<1x512xi32, #tpu.memory_space<vmem>>
    %dma_start3A_131 = tpu.memref_squeeze %dma_start3A_130 : memref<1x512xi32, #tpu.memory_space<vmem>> -> memref<512xi32, #tpu.memory_space<vmem>>
    %dma_start3A_132 = arith.constant 0 : i32
    %dma_start3A_133 = arith.constant 0 : i32
    %dma_start3A_134 = tpu.memref_slice %arg16[%dma_start3A_132, %dma_start3A_133] : memref<10008x48xf32, #tpu.memory_space<vmem_shared>> -> memref<10008x48xf32, #tpu.memory_space<vmem_shared>>
    tpu.enqueue_indirect_dma source(%arg10 : memref<512x48xf32, #tpu.memory_space<vmem>>) target(%dma_start3A_134 : memref<10008x48xf32, #tpu.memory_space<vmem_shared>>) offsets(%dma_start3A_131 : memref<512xi32, #tpu.memory_space<vmem>>) semaphore(%arg14 : memref<!tpu.dma_semaphore, #tpu.memory_space<semaphore_mem>>) {add = true}
    %dma_wait3A_135 = arith.constant 4 : i32
    %dma_wait3A_136 = arith.constant 0 : i32
    %dma_wait3A_137 = tpu.memref_slice %arg7[%dma_wait3A_135, %dma_wait3A_136] : memref<10x512xi32, #tpu.memory_space<vmem>> -> memref<1x512xi32, #tpu.memory_space<vmem>>
    %dma_wait3A_138 = tpu.memref_squeeze %dma_wait3A_137 : memref<1x512xi32, #tpu.memory_space<vmem>> -> memref<512xi32, #tpu.memory_space<vmem>>
    %dma_wait3A_139 = arith.constant 0 : i32
    %dma_wait3A_140 = arith.constant 0 : i32
    %dma_wait3A_141 = tpu.memref_slice %arg15[%dma_wait3A_139, %dma_wait3A_140] : memref<10000x48xf32, #tpu.memory_space<vmem_shared>> -> memref<10000x48xf32, #tpu.memory_space<vmem_shared>>
    tpu.wait_indirect_dma semaphore(%arg11 : memref<!tpu.dma_semaphore, #tpu.memory_space<semaphore_mem>>) src(%dma_wait3A_141 : memref<10000x48xf32, #tpu.memory_space<vmem_shared>>) dst(%arg9 : memref<512x48xf32, #tpu.memory_space<vmem>>)
    %dma_wait3A_142 = arith.constant 3 : i32
    %dma_wait3A_143 = arith.constant 0 : i32
    %dma_wait3A_144 = tpu.memref_slice %arg8[%dma_wait3A_142, %dma_wait3A_143] : memref<10x512xi32, #tpu.memory_space<vmem>> -> memref<1x512xi32, #tpu.memory_space<vmem>>
    %dma_wait3A_145 = tpu.memref_squeeze %dma_wait3A_144 : memref<1x512xi32, #tpu.memory_space<vmem>> -> memref<512xi32, #tpu.memory_space<vmem>>
    %dma_wait3A_146 = arith.constant 0 : i32
    %dma_wait3A_147 = arith.constant 0 : i32
    %dma_wait3A_148 = tpu.memref_slice %arg16[%dma_wait3A_146, %dma_wait3A_147] : memref<10008x48xf32, #tpu.memory_space<vmem_shared>> -> memref<10008x48xf32, #tpu.memory_space<vmem_shared>>
    tpu.wait_indirect_dma semaphore(%arg14 : memref<!tpu.dma_semaphore, #tpu.memory_space<semaphore_mem>>) src(%arg10 : memref<512x48xf32, #tpu.memory_space<vmem>>) dst(%dma_wait3A_148 : memref<10008x48xf32, #tpu.memory_space<vmem_shared>>)
    %dma_start3A_149 = arith.constant 5 : i32
    %dma_start3A_150 = arith.constant 0 : i32
    %dma_start3A_151 = tpu.memref_slice %arg7[%dma_start3A_149, %dma_start3A_150] : memref<10x512xi32, #tpu.memory_space<vmem>> -> memref<1x512xi32, #tpu.memory_space<vmem>>
    %dma_start3A_152 = tpu.memref_squeeze %dma_start3A_151 : memref<1x512xi32, #tpu.memory_space<vmem>> -> memref<512xi32, #tpu.memory_space<vmem>>
    %dma_start3A_153 = arith.constant 0 : i32
    %dma_start3A_154 = arith.constant 0 : i32
    %dma_start3A_155 = tpu.memref_slice %arg15[%dma_start3A_153, %dma_start3A_154] : memref<10000x48xf32, #tpu.memory_space<vmem_shared>> -> memref<10000x48xf32, #tpu.memory_space<vmem_shared>>
    tpu.enqueue_indirect_dma source(%dma_start3A_155 : memref<10000x48xf32, #tpu.memory_space<vmem_shared>>) target(%arg10 : memref<512x48xf32, #tpu.memory_space<vmem>>) offsets(%dma_start3A_152 : memref<512xi32, #tpu.memory_space<vmem>>) semaphore(%arg12 : memref<!tpu.dma_semaphore, #tpu.memory_space<semaphore_mem>>)
    %dma_start3A_156 = arith.constant 4 : i32
    %dma_start3A_157 = arith.constant 0 : i32
    %dma_start3A_158 = tpu.memref_slice %arg8[%dma_start3A_156, %dma_start3A_157] : memref<10x512xi32, #tpu.memory_space<vmem>> -> memref<1x512xi32, #tpu.memory_space<vmem>>
    %dma_start3A_159 = tpu.memref_squeeze %dma_start3A_158 : memref<1x512xi32, #tpu.memory_space<vmem>> -> memref<512xi32, #tpu.memory_space<vmem>>
    %dma_start3A_160 = arith.constant 0 : i32
    %dma_start3A_161 = arith.constant 0 : i32
    %dma_start3A_162 = tpu.memref_slice %arg16[%dma_start3A_160, %dma_start3A_161] : memref<10008x48xf32, #tpu.memory_space<vmem_shared>> -> memref<10008x48xf32, #tpu.memory_space<vmem_shared>>
    tpu.enqueue_indirect_dma source(%arg9 : memref<512x48xf32, #tpu.memory_space<vmem>>) target(%dma_start3A_162 : memref<10008x48xf32, #tpu.memory_space<vmem_shared>>) offsets(%dma_start3A_159 : memref<512xi32, #tpu.memory_space<vmem>>) semaphore(%arg13 : memref<!tpu.dma_semaphore, #tpu.memory_space<semaphore_mem>>) {add = true}
    %dma_wait3A_163 = arith.constant 5 : i32
    %dma_wait3A_164 = arith.constant 0 : i32
    %dma_wait3A_165 = tpu.memref_slice %arg7[%dma_wait3A_163, %dma_wait3A_164] : memref<10x512xi32, #tpu.memory_space<vmem>> -> memref<1x512xi32, #tpu.memory_space<vmem>>
    %dma_wait3A_166 = tpu.memref_squeeze %dma_wait3A_165 : memref<1x512xi32, #tpu.memory_space<vmem>> -> memref<512xi32, #tpu.memory_space<vmem>>
    %dma_wait3A_167 = arith.constant 0 : i32
    %dma_wait3A_168 = arith.constant 0 : i32
    %dma_wait3A_169 = tpu.memref_slice %arg15[%dma_wait3A_167, %dma_wait3A_168] : memref<10000x48xf32, #tpu.memory_space<vmem_shared>> -> memref<10000x48xf32, #tpu.memory_space<vmem_shared>>
    tpu.wait_indirect_dma semaphore(%arg12 : memref<!tpu.dma_semaphore, #tpu.memory_space<semaphore_mem>>) src(%dma_wait3A_169 : memref<10000x48xf32, #tpu.memory_space<vmem_shared>>) dst(%arg10 : memref<512x48xf32, #tpu.memory_space<vmem>>)
    %dma_wait3A_170 = arith.constant 4 : i32
    %dma_wait3A_171 = arith.constant 0 : i32
    %dma_wait3A_172 = tpu.memref_slice %arg8[%dma_wait3A_170, %dma_wait3A_171] : memref<10x512xi32, #tpu.memory_space<vmem>> -> memref<1x512xi32, #tpu.memory_space<vmem>>
    %dma_wait3A_173 = tpu.memref_squeeze %dma_wait3A_172 : memref<1x512xi32, #tpu.memory_space<vmem>> -> memref<512xi32, #tpu.memory_space<vmem>>
    %dma_wait3A_174 = arith.constant 0 : i32
    %dma_wait3A_175 = arith.constant 0 : i32
    %dma_wait3A_176 = tpu.memref_slice %arg16[%dma_wait3A_174, %dma_wait3A_175] : memref<10008x48xf32, #tpu.memory_space<vmem_shared>> -> memref<10008x48xf32, #tpu.memory_space<vmem_shared>>
    tpu.wait_indirect_dma semaphore(%arg13 : memref<!tpu.dma_semaphore, #tpu.memory_space<semaphore_mem>>) src(%arg9 : memref<512x48xf32, #tpu.memory_space<vmem>>) dst(%dma_wait3A_176 : memref<10008x48xf32, #tpu.memory_space<vmem_shared>>)
    %dma_start3A_177 = arith.constant 6 : i32
    %dma_start3A_178 = arith.constant 0 : i32
    %dma_start3A_179 = tpu.memref_slice %arg7[%dma_start3A_177, %dma_start3A_178] : memref<10x512xi32, #tpu.memory_space<vmem>> -> memref<1x512xi32, #tpu.memory_space<vmem>>
    %dma_start3A_180 = tpu.memref_squeeze %dma_start3A_179 : memref<1x512xi32, #tpu.memory_space<vmem>> -> memref<512xi32, #tpu.memory_space<vmem>>
    %dma_start3A_181 = arith.constant 0 : i32
    %dma_start3A_182 = arith.constant 0 : i32
    %dma_start3A_183 = tpu.memref_slice %arg15[%dma_start3A_181, %dma_start3A_182] : memref<10000x48xf32, #tpu.memory_space<vmem_shared>> -> memref<10000x48xf32, #tpu.memory_space<vmem_shared>>
    tpu.enqueue_indirect_dma source(%dma_start3A_183 : memref<10000x48xf32, #tpu.memory_space<vmem_shared>>) target(%arg9 : memref<512x48xf32, #tpu.memory_space<vmem>>) offsets(%dma_start3A_180 : memref<512xi32, #tpu.memory_space<vmem>>) semaphore(%arg11 : memref<!tpu.dma_semaphore, #tpu.memory_space<semaphore_mem>>)
    %dma_start3A_184 = arith.constant 5 : i32
    %dma_start3A_185 = arith.constant 0 : i32
    %dma_start3A_186 = tpu.memref_slice %arg8[%dma_start3A_184, %dma_start3A_185] : memref<10x512xi32, #tpu.memory_space<vmem>> -> memref<1x512xi32, #tpu.memory_space<vmem>>
    %dma_start3A_187 = tpu.memref_squeeze %dma_start3A_186 : memref<1x512xi32, #tpu.memory_space<vmem>> -> memref<512xi32, #tpu.memory_space<vmem>>
    %dma_start3A_188 = arith.constant 0 : i32
    %dma_start3A_189 = arith.constant 0 : i32
    %dma_start3A_190 = tpu.memref_slice %arg16[%dma_start3A_188, %dma_start3A_189] : memref<10008x48xf32, #tpu.memory_space<vmem_shared>> -> memref<10008x48xf32, #tpu.memory_space<vmem_shared>>
    tpu.enqueue_indirect_dma source(%arg10 : memref<512x48xf32, #tpu.memory_space<vmem>>) target(%dma_start3A_190 : memref<10008x48xf32, #tpu.memory_space<vmem_shared>>) offsets(%dma_start3A_187 : memref<512xi32, #tpu.memory_space<vmem>>) semaphore(%arg14 : memref<!tpu.dma_semaphore, #tpu.memory_space<semaphore_mem>>) {add = true}
    %dma_wait3A_191 = arith.constant 6 : i32
    %dma_wait3A_192 = arith.constant 0 : i32
    %dma_wait3A_193 = tpu.memref_slice %arg7[%dma_wait3A_191, %dma_wait3A_192] : memref<10x512xi32, #tpu.memory_space<vmem>> -> memref<1x512xi32, #tpu.memory_space<vmem>>
    %dma_wait3A_194 = tpu.memref_squeeze %dma_wait3A_193 : memref<1x512xi32, #tpu.memory_space<vmem>> -> memref<512xi32, #tpu.memory_space<vmem>>
    %dma_wait3A_195 = arith.constant 0 : i32
    %dma_wait3A_196 = arith.constant 0 : i32
    %dma_wait3A_197 = tpu.memref_slice %arg15[%dma_wait3A_195, %dma_wait3A_196] : memref<10000x48xf32, #tpu.memory_space<vmem_shared>> -> memref<10000x48xf32, #tpu.memory_space<vmem_shared>>
    tpu.wait_indirect_dma semaphore(%arg11 : memref<!tpu.dma_semaphore, #tpu.memory_space<semaphore_mem>>) src(%dma_wait3A_197 : memref<10000x48xf32, #tpu.memory_space<vmem_shared>>) dst(%arg9 : memref<512x48xf32, #tpu.memory_space<vmem>>)
    %dma_wait3A_198 = arith.constant 5 : i32
    %dma_wait3A_199 = arith.constant 0 : i32
    %dma_wait3A_200 = tpu.memref_slice %arg8[%dma_wait3A_198, %dma_wait3A_199] : memref<10x512xi32, #tpu.memory_space<vmem>> -> memref<1x512xi32, #tpu.memory_space<vmem>>
    %dma_wait3A_201 = tpu.memref_squeeze %dma_wait3A_200 : memref<1x512xi32, #tpu.memory_space<vmem>> -> memref<512xi32, #tpu.memory_space<vmem>>
    %dma_wait3A_202 = arith.constant 0 : i32
    %dma_wait3A_203 = arith.constant 0 : i32
    %dma_wait3A_204 = tpu.memref_slice %arg16[%dma_wait3A_202, %dma_wait3A_203] : memref<10008x48xf32, #tpu.memory_space<vmem_shared>> -> memref<10008x48xf32, #tpu.memory_space<vmem_shared>>
    tpu.wait_indirect_dma semaphore(%arg14 : memref<!tpu.dma_semaphore, #tpu.memory_space<semaphore_mem>>) src(%arg10 : memref<512x48xf32, #tpu.memory_space<vmem>>) dst(%dma_wait3A_204 : memref<10008x48xf32, #tpu.memory_space<vmem_shared>>)
    %dma_start3A_205 = arith.constant 7 : i32
    %dma_start3A_206 = arith.constant 0 : i32
    %dma_start3A_207 = tpu.memref_slice %arg7[%dma_start3A_205, %dma_start3A_206] : memref<10x512xi32, #tpu.memory_space<vmem>> -> memref<1x512xi32, #tpu.memory_space<vmem>>
    %dma_start3A_208 = tpu.memref_squeeze %dma_start3A_207 : memref<1x512xi32, #tpu.memory_space<vmem>> -> memref<512xi32, #tpu.memory_space<vmem>>
    %dma_start3A_209 = arith.constant 0 : i32
    %dma_start3A_210 = arith.constant 0 : i32
    %dma_start3A_211 = tpu.memref_slice %arg15[%dma_start3A_209, %dma_start3A_210] : memref<10000x48xf32, #tpu.memory_space<vmem_shared>> -> memref<10000x48xf32, #tpu.memory_space<vmem_shared>>
    tpu.enqueue_indirect_dma source(%dma_start3A_211 : memref<10000x48xf32, #tpu.memory_space<vmem_shared>>) target(%arg10 : memref<512x48xf32, #tpu.memory_space<vmem>>) offsets(%dma_start3A_208 : memref<512xi32, #tpu.memory_space<vmem>>) semaphore(%arg12 : memref<!tpu.dma_semaphore, #tpu.memory_space<semaphore_mem>>)
    %dma_start3A_212 = arith.constant 6 : i32
    %dma_start3A_213 = arith.constant 0 : i32
    %dma_start3A_214 = tpu.memref_slice %arg8[%dma_start3A_212, %dma_start3A_213] : memref<10x512xi32, #tpu.memory_space<vmem>> -> memref<1x512xi32, #tpu.memory_space<vmem>>
    %dma_start3A_215 = tpu.memref_squeeze %dma_start3A_214 : memref<1x512xi32, #tpu.memory_space<vmem>> -> memref<512xi32, #tpu.memory_space<vmem>>
    %dma_start3A_216 = arith.constant 0 : i32
    %dma_start3A_217 = arith.constant 0 : i32
    %dma_start3A_218 = tpu.memref_slice %arg16[%dma_start3A_216, %dma_start3A_217] : memref<10008x48xf32, #tpu.memory_space<vmem_shared>> -> memref<10008x48xf32, #tpu.memory_space<vmem_shared>>
    tpu.enqueue_indirect_dma source(%arg9 : memref<512x48xf32, #tpu.memory_space<vmem>>) target(%dma_start3A_218 : memref<10008x48xf32, #tpu.memory_space<vmem_shared>>) offsets(%dma_start3A_215 : memref<512xi32, #tpu.memory_space<vmem>>) semaphore(%arg13 : memref<!tpu.dma_semaphore, #tpu.memory_space<semaphore_mem>>) {add = true}
    %dma_wait3A_219 = arith.constant 7 : i32
    %dma_wait3A_220 = arith.constant 0 : i32
    %dma_wait3A_221 = tpu.memref_slice %arg7[%dma_wait3A_219, %dma_wait3A_220] : memref<10x512xi32, #tpu.memory_space<vmem>> -> memref<1x512xi32, #tpu.memory_space<vmem>>
    %dma_wait3A_222 = tpu.memref_squeeze %dma_wait3A_221 : memref<1x512xi32, #tpu.memory_space<vmem>> -> memref<512xi32, #tpu.memory_space<vmem>>
    %dma_wait3A_223 = arith.constant 0 : i32
    %dma_wait3A_224 = arith.constant 0 : i32
    %dma_wait3A_225 = tpu.memref_slice %arg15[%dma_wait3A_223, %dma_wait3A_224] : memref<10000x48xf32, #tpu.memory_space<vmem_shared>> -> memref<10000x48xf32, #tpu.memory_space<vmem_shared>>
    tpu.wait_indirect_dma semaphore(%arg12 : memref<!tpu.dma_semaphore, #tpu.memory_space<semaphore_mem>>) src(%dma_wait3A_225 : memref<10000x48xf32, #tpu.memory_space<vmem_shared>>) dst(%arg10 : memref<512x48xf32, #tpu.memory_space<vmem>>)
    %dma_wait3A_226 = arith.constant 6 : i32
    %dma_wait3A_227 = arith.constant 0 : i32
    %dma_wait3A_228 = tpu.memref_slice %arg8[%dma_wait3A_226, %dma_wait3A_227] : memref<10x512xi32, #tpu.memory_space<vmem>> -> memref<1x512xi32, #tpu.memory_space<vmem>>
    %dma_wait3A_229 = tpu.memref_squeeze %dma_wait3A_228 : memref<1x512xi32, #tpu.memory_space<vmem>> -> memref<512xi32, #tpu.memory_space<vmem>>
    %dma_wait3A_230 = arith.constant 0 : i32
    %dma_wait3A_231 = arith.constant 0 : i32
    %dma_wait3A_232 = tpu.memref_slice %arg16[%dma_wait3A_230, %dma_wait3A_231] : memref<10008x48xf32, #tpu.memory_space<vmem_shared>> -> memref<10008x48xf32, #tpu.memory_space<vmem_shared>>
    tpu.wait_indirect_dma semaphore(%arg13 : memref<!tpu.dma_semaphore, #tpu.memory_space<semaphore_mem>>) src(%arg9 : memref<512x48xf32, #tpu.memory_space<vmem>>) dst(%dma_wait3A_232 : memref<10008x48xf32, #tpu.memory_space<vmem_shared>>)
    %dma_start3A_233 = arith.constant 8 : i32
    %dma_start3A_234 = arith.constant 0 : i32
    %dma_start3A_235 = tpu.memref_slice %arg7[%dma_start3A_233, %dma_start3A_234] : memref<10x512xi32, #tpu.memory_space<vmem>> -> memref<1x512xi32, #tpu.memory_space<vmem>>
    %dma_start3A_236 = tpu.memref_squeeze %dma_start3A_235 : memref<1x512xi32, #tpu.memory_space<vmem>> -> memref<512xi32, #tpu.memory_space<vmem>>
    %dma_start3A_237 = arith.constant 0 : i32
    %dma_start3A_238 = arith.constant 0 : i32
    %dma_start3A_239 = tpu.memref_slice %arg15[%dma_start3A_237, %dma_start3A_238] : memref<10000x48xf32, #tpu.memory_space<vmem_shared>> -> memref<10000x48xf32, #tpu.memory_space<vmem_shared>>
    tpu.enqueue_indirect_dma source(%dma_start3A_239 : memref<10000x48xf32, #tpu.memory_space<vmem_shared>>) target(%arg9 : memref<512x48xf32, #tpu.memory_space<vmem>>) offsets(%dma_start3A_236 : memref<512xi32, #tpu.memory_space<vmem>>) semaphore(%arg11 : memref<!tpu.dma_semaphore, #tpu.memory_space<semaphore_mem>>)
    %dma_start3A_240 = arith.constant 7 : i32
    %dma_start3A_241 = arith.constant 0 : i32
    %dma_start3A_242 = tpu.memref_slice %arg8[%dma_start3A_240, %dma_start3A_241] : memref<10x512xi32, #tpu.memory_space<vmem>> -> memref<1x512xi32, #tpu.memory_space<vmem>>
    %dma_start3A_243 = tpu.memref_squeeze %dma_start3A_242 : memref<1x512xi32, #tpu.memory_space<vmem>> -> memref<512xi32, #tpu.memory_space<vmem>>
    %dma_start3A_244 = arith.constant 0 : i32
    %dma_start3A_245 = arith.constant 0 : i32
    %dma_start3A_246 = tpu.memref_slice %arg16[%dma_start3A_244, %dma_start3A_245] : memref<10008x48xf32, #tpu.memory_space<vmem_shared>> -> memref<10008x48xf32, #tpu.memory_space<vmem_shared>>
    tpu.enqueue_indirect_dma source(%arg10 : memref<512x48xf32, #tpu.memory_space<vmem>>) target(%dma_start3A_246 : memref<10008x48xf32, #tpu.memory_space<vmem_shared>>) offsets(%dma_start3A_243 : memref<512xi32, #tpu.memory_space<vmem>>) semaphore(%arg14 : memref<!tpu.dma_semaphore, #tpu.memory_space<semaphore_mem>>) {add = true}
    %dma_wait3A_247 = arith.constant 8 : i32
    %dma_wait3A_248 = arith.constant 0 : i32
    %dma_wait3A_249 = tpu.memref_slice %arg7[%dma_wait3A_247, %dma_wait3A_248] : memref<10x512xi32, #tpu.memory_space<vmem>> -> memref<1x512xi32, #tpu.memory_space<vmem>>
    %dma_wait3A_250 = tpu.memref_squeeze %dma_wait3A_249 : memref<1x512xi32, #tpu.memory_space<vmem>> -> memref<512xi32, #tpu.memory_space<vmem>>
    %dma_wait3A_251 = arith.constant 0 : i32
    %dma_wait3A_252 = arith.constant 0 : i32
    %dma_wait3A_253 = tpu.memref_slice %arg15[%dma_wait3A_251, %dma_wait3A_252] : memref<10000x48xf32, #tpu.memory_space<vmem_shared>> -> memref<10000x48xf32, #tpu.memory_space<vmem_shared>>
    tpu.wait_indirect_dma semaphore(%arg11 : memref<!tpu.dma_semaphore, #tpu.memory_space<semaphore_mem>>) src(%dma_wait3A_253 : memref<10000x48xf32, #tpu.memory_space<vmem_shared>>) dst(%arg9 : memref<512x48xf32, #tpu.memory_space<vmem>>)
    %dma_wait3A_254 = arith.constant 7 : i32
    %dma_wait3A_255 = arith.constant 0 : i32
    %dma_wait3A_256 = tpu.memref_slice %arg8[%dma_wait3A_254, %dma_wait3A_255] : memref<10x512xi32, #tpu.memory_space<vmem>> -> memref<1x512xi32, #tpu.memory_space<vmem>>
    %dma_wait3A_257 = tpu.memref_squeeze %dma_wait3A_256 : memref<1x512xi32, #tpu.memory_space<vmem>> -> memref<512xi32, #tpu.memory_space<vmem>>
    %dma_wait3A_258 = arith.constant 0 : i32
    %dma_wait3A_259 = arith.constant 0 : i32
    %dma_wait3A_260 = tpu.memref_slice %arg16[%dma_wait3A_258, %dma_wait3A_259] : memref<10008x48xf32, #tpu.memory_space<vmem_shared>> -> memref<10008x48xf32, #tpu.memory_space<vmem_shared>>
    tpu.wait_indirect_dma semaphore(%arg14 : memref<!tpu.dma_semaphore, #tpu.memory_space<semaphore_mem>>) src(%arg10 : memref<512x48xf32, #tpu.memory_space<vmem>>) dst(%dma_wait3A_260 : memref<10008x48xf32, #tpu.memory_space<vmem_shared>>)
    %dma_start3A_261 = arith.constant 9 : i32
    %dma_start3A_262 = arith.constant 0 : i32
    %dma_start3A_263 = tpu.memref_slice %arg7[%dma_start3A_261, %dma_start3A_262] : memref<10x512xi32, #tpu.memory_space<vmem>> -> memref<1x512xi32, #tpu.memory_space<vmem>>
    %dma_start3A_264 = tpu.memref_squeeze %dma_start3A_263 : memref<1x512xi32, #tpu.memory_space<vmem>> -> memref<512xi32, #tpu.memory_space<vmem>>
    %dma_start3A_265 = arith.constant 0 : i32
    %dma_start3A_266 = arith.constant 0 : i32
    %dma_start3A_267 = tpu.memref_slice %arg15[%dma_start3A_265, %dma_start3A_266] : memref<10000x48xf32, #tpu.memory_space<vmem_shared>> -> memref<10000x48xf32, #tpu.memory_space<vmem_shared>>
    tpu.enqueue_indirect_dma source(%dma_start3A_267 : memref<10000x48xf32, #tpu.memory_space<vmem_shared>>) target(%arg10 : memref<512x48xf32, #tpu.memory_space<vmem>>) offsets(%dma_start3A_264 : memref<512xi32, #tpu.memory_space<vmem>>) semaphore(%arg12 : memref<!tpu.dma_semaphore, #tpu.memory_space<semaphore_mem>>)
    %dma_start3A_268 = arith.constant 8 : i32
    %dma_start3A_269 = arith.constant 0 : i32
    %dma_start3A_270 = tpu.memref_slice %arg8[%dma_start3A_268, %dma_start3A_269] : memref<10x512xi32, #tpu.memory_space<vmem>> -> memref<1x512xi32, #tpu.memory_space<vmem>>
    %dma_start3A_271 = tpu.memref_squeeze %dma_start3A_270 : memref<1x512xi32, #tpu.memory_space<vmem>> -> memref<512xi32, #tpu.memory_space<vmem>>
    %dma_start3A_272 = arith.constant 0 : i32
    %dma_start3A_273 = arith.constant 0 : i32
    %dma_start3A_274 = tpu.memref_slice %arg16[%dma_start3A_272, %dma_start3A_273] : memref<10008x48xf32, #tpu.memory_space<vmem_shared>> -> memref<10008x48xf32, #tpu.memory_space<vmem_shared>>
    tpu.enqueue_indirect_dma source(%arg9 : memref<512x48xf32, #tpu.memory_space<vmem>>) target(%dma_start3A_274 : memref<10008x48xf32, #tpu.memory_space<vmem_shared>>) offsets(%dma_start3A_271 : memref<512xi32, #tpu.memory_space<vmem>>) semaphore(%arg13 : memref<!tpu.dma_semaphore, #tpu.memory_space<semaphore_mem>>) {add = true}
    %dma_wait3A_275 = arith.constant 9 : i32
    %dma_wait3A_276 = arith.constant 0 : i32
    %dma_wait3A_277 = tpu.memref_slice %arg7[%dma_wait3A_275, %dma_wait3A_276] : memref<10x512xi32, #tpu.memory_space<vmem>> -> memref<1x512xi32, #tpu.memory_space<vmem>>
    %dma_wait3A_278 = tpu.memref_squeeze %dma_wait3A_277 : memref<1x512xi32, #tpu.memory_space<vmem>> -> memref<512xi32, #tpu.memory_space<vmem>>
    %dma_wait3A_279 = arith.constant 0 : i32
    %dma_wait3A_280 = arith.constant 0 : i32
    %dma_wait3A_281 = tpu.memref_slice %arg15[%dma_wait3A_279, %dma_wait3A_280] : memref<10000x48xf32, #tpu.memory_space<vmem_shared>> -> memref<10000x48xf32, #tpu.memory_space<vmem_shared>>
    tpu.wait_indirect_dma semaphore(%arg12 : memref<!tpu.dma_semaphore, #tpu.memory_space<semaphore_mem>>) src(%dma_wait3A_281 : memref<10000x48xf32, #tpu.memory_space<vmem_shared>>) dst(%arg10 : memref<512x48xf32, #tpu.memory_space<vmem>>)
    %dma_start3A_282 = arith.constant 9 : i32
    %dma_start3A_283 = arith.constant 0 : i32
    %dma_start3A_284 = tpu.memref_slice %arg8[%dma_start3A_282, %dma_start3A_283] : memref<10x512xi32, #tpu.memory_space<vmem>> -> memref<1x512xi32, #tpu.memory_space<vmem>>
    %dma_start3A_285 = tpu.memref_squeeze %dma_start3A_284 : memref<1x512xi32, #tpu.memory_space<vmem>> -> memref<512xi32, #tpu.memory_space<vmem>>
    %dma_start3A_286 = arith.constant 0 : i32
    %dma_start3A_287 = arith.constant 0 : i32
    %dma_start3A_288 = tpu.memref_slice %arg16[%dma_start3A_286, %dma_start3A_287] : memref<10008x48xf32, #tpu.memory_space<vmem_shared>> -> memref<10008x48xf32, #tpu.memory_space<vmem_shared>>
    tpu.enqueue_indirect_dma source(%arg10 : memref<512x48xf32, #tpu.memory_space<vmem>>) target(%dma_start3A_288 : memref<10008x48xf32, #tpu.memory_space<vmem_shared>>) offsets(%dma_start3A_285 : memref<512xi32, #tpu.memory_space<vmem>>) semaphore(%arg14 : memref<!tpu.dma_semaphore, #tpu.memory_space<semaphore_mem>>) {add = true}
    %dma_wait3A_289 = arith.constant 8 : i32
    %dma_wait3A_290 = arith.constant 0 : i32
    %dma_wait3A_291 = tpu.memref_slice %arg8[%dma_wait3A_289, %dma_wait3A_290] : memref<10x512xi32, #tpu.memory_space<vmem>> -> memref<1x512xi32, #tpu.memory_space<vmem>>
    %dma_wait3A_292 = tpu.memref_squeeze %dma_wait3A_291 : memref<1x512xi32, #tpu.memory_space<vmem>> -> memref<512xi32, #tpu.memory_space<vmem>>
    %dma_wait3A_293 = arith.constant 0 : i32
    %dma_wait3A_294 = arith.constant 0 : i32
    %dma_wait3A_295 = tpu.memref_slice %arg16[%dma_wait3A_293, %dma_wait3A_294] : memref<10008x48xf32, #tpu.memory_space<vmem_shared>> -> memref<10008x48xf32, #tpu.memory_space<vmem_shared>>
    tpu.wait_indirect_dma semaphore(%arg13 : memref<!tpu.dma_semaphore, #tpu.memory_space<semaphore_mem>>) src(%arg9 : memref<512x48xf32, #tpu.memory_space<vmem>>) dst(%dma_wait3A_295 : memref<10008x48xf32, #tpu.memory_space<vmem_shared>>)
    %dma_wait3A_296 = arith.constant 9 : i32
    %dma_wait3A_297 = arith.constant 0 : i32
    %dma_wait3A_298 = tpu.memref_slice %arg8[%dma_wait3A_296, %dma_wait3A_297] : memref<10x512xi32, #tpu.memory_space<vmem>> -> memref<1x512xi32, #tpu.memory_space<vmem>>
    %dma_wait3A_299 = tpu.memref_squeeze %dma_wait3A_298 : memref<1x512xi32, #tpu.memory_space<vmem>> -> memref<512xi32, #tpu.memory_space<vmem>>
    %dma_wait3A_300 = arith.constant 0 : i32
    %dma_wait3A_301 = arith.constant 0 : i32
    %dma_wait3A_302 = tpu.memref_slice %arg16[%dma_wait3A_300, %dma_wait3A_301] : memref<10008x48xf32, #tpu.memory_space<vmem_shared>> -> memref<10008x48xf32, #tpu.memory_space<vmem_shared>>
    tpu.wait_indirect_dma semaphore(%arg14 : memref<!tpu.dma_semaphore, #tpu.memory_space<semaphore_mem>>) src(%arg10 : memref<512x48xf32, #tpu.memory_space<vmem>>) dst(%dma_wait3A_302 : memref<10008x48xf32, #tpu.memory_space<vmem_shared>>)
    %scan3A_303 = arith.constant 1 : i32
    %barrier3A_304 = arith.constant 0 : index
    tpu.barrier barrier_id(%barrier3A_304)
    %mul3A_305 = arith.constant 625 : i32
    %mul3A_306 = arith.muli %arg1, %mul3A_305 : i32
    %mul3A_307 = arith.constant 625 : i32
    %mul3A_308 = arith.muli %arg1, %mul3A_307 : i32
    "tpu.region"() ({
      %run_scoped3A = tpu.sem_alloc : memref<!tpu.dma_semaphore, #tpu.memory_space<semaphore_mem>>
      %dma_start3A_309 = arith.constant 0 : i32
      %dma_start3A_310 = tpu.memref_slice %arg6[%arg0, %mul3A_308, %dma_start3A_309] : memref<2x10000x48xf32, #tpu.memory_space<hbm>> -> memref<1x625x48xf32, #tpu.memory_space<hbm>>
      %dma_start3A_311 = tpu.memref_squeeze %dma_start3A_310 : memref<1x625x48xf32, #tpu.memory_space<hbm>> -> memref<625x48xf32, #tpu.memory_space<hbm>>
      %dma_start3A_312 = arith.constant 0 : i32
      %dma_start3A_313 = tpu.memref_slice %arg16[%mul3A_306, %dma_start3A_312] : memref<10008x48xf32, #tpu.memory_space<vmem_shared>> -> memref<625x48xf32, #tpu.memory_space<vmem_shared>>
      tpu.enqueue_dma source(%dma_start3A_313 : memref<625x48xf32, #tpu.memory_space<vmem_shared>>) target(%dma_start3A_311 : memref<625x48xf32, #tpu.memory_space<hbm>>) target_semaphore(%run_scoped3A : memref<!tpu.dma_semaphore, #tpu.memory_space<semaphore_mem>>)
      %dma_wait3A_314 = arith.constant 0 : i32
      %dma_wait3A_315 = tpu.memref_slice %arg6[%arg0, %mul3A_308, %dma_wait3A_314] : memref<2x10000x48xf32, #tpu.memory_space<hbm>> -> memref<1x625x48xf32, #tpu.memory_space<hbm>>
      %dma_wait3A_316 = tpu.memref_squeeze %dma_wait3A_315 : memref<1x625x48xf32, #tpu.memory_space<hbm>> -> memref<625x48xf32, #tpu.memory_space<hbm>>
      %dma_wait3A_317 = arith.constant 0 : i32
      %dma_wait3A_318 = tpu.memref_slice %arg16[%mul3A_306, %dma_wait3A_317] : memref<10008x48xf32, #tpu.memory_space<vmem_shared>> -> memref<625x48xf32, #tpu.memory_space<vmem_shared>>
      tpu.wait_dma2 semaphore(%run_scoped3A : memref<!tpu.dma_semaphore, #tpu.memory_space<semaphore_mem>>) src(%dma_wait3A_318 : memref<625x48xf32, #tpu.memory_space<vmem_shared>>) dst(%dma_wait3A_316 : memref<625x48xf32, #tpu.memory_space<hbm>>)
      tpu.yield
    }) : () -> ()
    return
  }
}

#map = affine_map<(d0, d1) -> (0, 0)>
#map1 = affine_map<(d0, d1) -> (0, 0, 0)>
module attributes {stable_mosaic.version = 14 : i64} {
  func.func @_sc_deg(%arg0: i32, %arg1: i32, %arg2: memref<160x1024xi32, #tpu.memory_space<hbm>>, %arg3: memref<10000x8xf32, #tpu.memory_space<hbm>>, %arg4: memref<1024x8xf32, #tpu.memory_space<hbm>>, %arg5: memref<2x10000x8xf32, #tpu.memory_space<hbm>>, %arg6: memref<5x1024xi32, #tpu.memory_space<vmem>>, %arg7: memref<1024x8xf32, #tpu.memory_space<vmem>>, %arg8: memref<10008x8xf32, #tpu.memory_space<vmem_shared>>) attributes {dimension_semantics = [#tpu.dimension_semantics<core_parallel>, #tpu.dimension_semantics<subcore_parallel>], iteration_bounds = array<i64: 2, 16>, scalar_prefetch = 0 : i64, scratch_operands = 3 : i64, tpu.core_type = #tpu.core_type<sc_vector_subcore>, window_params = [{transform_indices = #map}, {transform_indices = #map}, {transform_indices = #map}, {transform_indices = #map1}]} {
    %mul3A = arith.constant 16 : i32
    %mul3A_0 = arith.muli %arg0, %mul3A : i32
    %add3A = arith.addi %mul3A_0, %arg1 : i32
    "tpu.region"() ({
      %run_scoped3A_16 = tpu.sem_alloc : memref<!tpu.dma_semaphore, #tpu.memory_space<semaphore_mem>>
      tpu.enqueue_dma source(%arg4 : memref<1024x8xf32, #tpu.memory_space<hbm>>) target(%arg7 : memref<1024x8xf32, #tpu.memory_space<vmem>>) target_semaphore(%run_scoped3A_16 : memref<!tpu.dma_semaphore, #tpu.memory_space<semaphore_mem>>)
      tpu.wait_dma2 semaphore(%run_scoped3A_16 : memref<!tpu.dma_semaphore, #tpu.memory_space<semaphore_mem>>) src(%arg4 : memref<1024x8xf32, #tpu.memory_space<hbm>>) dst(%arg7 : memref<1024x8xf32, #tpu.memory_space<vmem>>)
      tpu.yield
    }) : () -> ()
    %mul3A_1 = arith.constant 625 : i32
    %mul3A_2 = arith.muli %arg1, %mul3A_1 : i32
    %mul3A_3 = arith.constant 625 : i32
    %mul3A_4 = arith.muli %arg1, %mul3A_3 : i32
    "tpu.region"() ({
      %run_scoped3A_16 = tpu.sem_alloc : memref<!tpu.dma_semaphore, #tpu.memory_space<semaphore_mem>>
      %dma_start3A = arith.constant 0 : i32
      %dma_start3A_17 = tpu.memref_slice %arg8[%mul3A_4, %dma_start3A] : memref<10008x8xf32, #tpu.memory_space<vmem_shared>> -> memref<625x8xf32, #tpu.memory_space<vmem_shared>>
      %dma_start3A_18 = arith.constant 0 : i32
      %dma_start3A_19 = tpu.memref_slice %arg3[%mul3A_2, %dma_start3A_18] : memref<10000x8xf32, #tpu.memory_space<hbm>> -> memref<625x8xf32, #tpu.memory_space<hbm>>
      tpu.enqueue_dma source(%dma_start3A_19 : memref<625x8xf32, #tpu.memory_space<hbm>>) target(%dma_start3A_17 : memref<625x8xf32, #tpu.memory_space<vmem_shared>>) target_semaphore(%run_scoped3A_16 : memref<!tpu.dma_semaphore, #tpu.memory_space<semaphore_mem>>)
      %dma_wait3A = arith.constant 0 : i32
      %dma_wait3A_20 = tpu.memref_slice %arg8[%mul3A_4, %dma_wait3A] : memref<10008x8xf32, #tpu.memory_space<vmem_shared>> -> memref<625x8xf32, #tpu.memory_space<vmem_shared>>
      %dma_wait3A_21 = arith.constant 0 : i32
      %dma_wait3A_22 = tpu.memref_slice %arg3[%mul3A_2, %dma_wait3A_21] : memref<10000x8xf32, #tpu.memory_space<hbm>> -> memref<625x8xf32, #tpu.memory_space<hbm>>
      tpu.wait_dma2 semaphore(%run_scoped3A_16 : memref<!tpu.dma_semaphore, #tpu.memory_space<semaphore_mem>>) src(%dma_wait3A_22 : memref<625x8xf32, #tpu.memory_space<hbm>>) dst(%dma_wait3A_20 : memref<625x8xf32, #tpu.memory_space<vmem_shared>>)
      tpu.yield
    }) : () -> ()
    %mul3A_5 = arith.constant 5 : i32
    %mul3A_6 = arith.muli %add3A, %mul3A_5 : i32
    "tpu.region"() ({
      %run_scoped3A_16 = tpu.sem_alloc : memref<!tpu.dma_semaphore, #tpu.memory_space<semaphore_mem>>
      %dma_start3A = arith.constant 0 : i32
      %dma_start3A_17 = tpu.memref_slice %arg2[%mul3A_6, %dma_start3A] : memref<160x1024xi32, #tpu.memory_space<hbm>> -> memref<5x1024xi32, #tpu.memory_space<hbm>>
      %dma_start3A_18 = arith.constant 0 : i32
      %dma_start3A_19 = tpu.memref_slice %arg2[%mul3A_6, %dma_start3A_18] : memref<160x1024xi32, #tpu.memory_space<hbm>> -> memref<5x1024xi32, #tpu.memory_space<hbm>>
      tpu.enqueue_dma source(%dma_start3A_19 : memref<5x1024xi32, #tpu.memory_space<hbm>>) target(%arg6 : memref<5x1024xi32, #tpu.memory_space<vmem>>) target_semaphore(%run_scoped3A_16 : memref<!tpu.dma_semaphore, #tpu.memory_space<semaphore_mem>>)
      %dma_wait3A = arith.constant 0 : i32
      %dma_wait3A_20 = tpu.memref_slice %arg2[%mul3A_6, %dma_wait3A] : memref<160x1024xi32, #tpu.memory_space<hbm>> -> memref<5x1024xi32, #tpu.memory_space<hbm>>
      %dma_wait3A_21 = arith.constant 0 : i32
      %dma_wait3A_22 = tpu.memref_slice %arg2[%mul3A_6, %dma_wait3A_21] : memref<160x1024xi32, #tpu.memory_space<hbm>> -> memref<5x1024xi32, #tpu.memory_space<hbm>>
      tpu.wait_dma2 semaphore(%run_scoped3A_16 : memref<!tpu.dma_semaphore, #tpu.memory_space<semaphore_mem>>) src(%dma_wait3A_22 : memref<5x1024xi32, #tpu.memory_space<hbm>>) dst(%arg6 : memref<5x1024xi32, #tpu.memory_space<vmem>>)
      tpu.yield
    }) : () -> ()
    %barrier3A = arith.constant 0 : index
    tpu.barrier barrier_id(%barrier3A)
    %run_scoped3A = arith.constant 0 : i32
    "tpu.region"() ({
      %run_scoped3A_16 = tpu.sem_alloc : memref<!tpu.dma_semaphore, #tpu.memory_space<semaphore_mem>>
      %dma_start3A = arith.constant 0 : i32
      %dma_start3A_17 = tpu.memref_slice %arg6[%run_scoped3A, %dma_start3A] : memref<5x1024xi32, #tpu.memory_space<vmem>> -> memref<1x1024xi32, #tpu.memory_space<vmem>>
      %dma_start3A_18 = tpu.memref_squeeze %dma_start3A_17 : memref<1x1024xi32, #tpu.memory_space<vmem>> -> memref<1024xi32, #tpu.memory_space<vmem>>
      %dma_start3A_19 = arith.constant 0 : i32
      %dma_start3A_20 = arith.constant 0 : i32
      %dma_start3A_21 = tpu.memref_slice %arg8[%dma_start3A_19, %dma_start3A_20] : memref<10008x8xf32, #tpu.memory_space<vmem_shared>> -> memref<10008x8xf32, #tpu.memory_space<vmem_shared>>
      tpu.enqueue_indirect_dma source(%arg7 : memref<1024x8xf32, #tpu.memory_space<vmem>>) target(%dma_start3A_21 : memref<10008x8xf32, #tpu.memory_space<vmem_shared>>) offsets(%dma_start3A_18 : memref<1024xi32, #tpu.memory_space<vmem>>) semaphore(%run_scoped3A_16 : memref<!tpu.dma_semaphore, #tpu.memory_space<semaphore_mem>>) {add = true}
      %dma_wait3A = arith.constant 0 : i32
      %dma_wait3A_22 = tpu.memref_slice %arg6[%run_scoped3A, %dma_wait3A] : memref<5x1024xi32, #tpu.memory_space<vmem>> -> memref<1x1024xi32, #tpu.memory_space<vmem>>
      %dma_wait3A_23 = tpu.memref_squeeze %dma_wait3A_22 : memref<1x1024xi32, #tpu.memory_space<vmem>> -> memref<1024xi32, #tpu.memory_space<vmem>>
      %dma_wait3A_24 = arith.constant 0 : i32
      %dma_wait3A_25 = arith.constant 0 : i32
      %dma_wait3A_26 = tpu.memref_slice %arg8[%dma_wait3A_24, %dma_wait3A_25] : memref<10008x8xf32, #tpu.memory_space<vmem_shared>> -> memref<10008x8xf32, #tpu.memory_space<vmem_shared>>
      tpu.wait_indirect_dma semaphore(%run_scoped3A_16 : memref<!tpu.dma_semaphore, #tpu.memory_space<semaphore_mem>>) src(%arg7 : memref<1024x8xf32, #tpu.memory_space<vmem>>) dst(%dma_wait3A_26 : memref<10008x8xf32, #tpu.memory_space<vmem_shared>>)
      tpu.yield
    }) : () -> ()
    %run_scoped3A_7 = arith.constant 1 : i32
    "tpu.region"() ({
      %run_scoped3A_16 = tpu.sem_alloc : memref<!tpu.dma_semaphore, #tpu.memory_space<semaphore_mem>>
      %dma_start3A = arith.constant 0 : i32
      %dma_start3A_17 = tpu.memref_slice %arg6[%run_scoped3A_7, %dma_start3A] : memref<5x1024xi32, #tpu.memory_space<vmem>> -> memref<1x1024xi32, #tpu.memory_space<vmem>>
      %dma_start3A_18 = tpu.memref_squeeze %dma_start3A_17 : memref<1x1024xi32, #tpu.memory_space<vmem>> -> memref<1024xi32, #tpu.memory_space<vmem>>
      %dma_start3A_19 = arith.constant 0 : i32
      %dma_start3A_20 = arith.constant 0 : i32
      %dma_start3A_21 = tpu.memref_slice %arg8[%dma_start3A_19, %dma_start3A_20] : memref<10008x8xf32, #tpu.memory_space<vmem_shared>> -> memref<10008x8xf32, #tpu.memory_space<vmem_shared>>
      tpu.enqueue_indirect_dma source(%arg7 : memref<1024x8xf32, #tpu.memory_space<vmem>>) target(%dma_start3A_21 : memref<10008x8xf32, #tpu.memory_space<vmem_shared>>) offsets(%dma_start3A_18 : memref<1024xi32, #tpu.memory_space<vmem>>) semaphore(%run_scoped3A_16 : memref<!tpu.dma_semaphore, #tpu.memory_space<semaphore_mem>>) {add = true}
      %dma_wait3A = arith.constant 0 : i32
      %dma_wait3A_22 = tpu.memref_slice %arg6[%run_scoped3A_7, %dma_wait3A] : memref<5x1024xi32, #tpu.memory_space<vmem>> -> memref<1x1024xi32, #tpu.memory_space<vmem>>
      %dma_wait3A_23 = tpu.memref_squeeze %dma_wait3A_22 : memref<1x1024xi32, #tpu.memory_space<vmem>> -> memref<1024xi32, #tpu.memory_space<vmem>>
      %dma_wait3A_24 = arith.constant 0 : i32
      %dma_wait3A_25 = arith.constant 0 : i32
      %dma_wait3A_26 = tpu.memref_slice %arg8[%dma_wait3A_24, %dma_wait3A_25] : memref<10008x8xf32, #tpu.memory_space<vmem_shared>> -> memref<10008x8xf32, #tpu.memory_space<vmem_shared>>
      tpu.wait_indirect_dma semaphore(%run_scoped3A_16 : memref<!tpu.dma_semaphore, #tpu.memory_space<semaphore_mem>>) src(%arg7 : memref<1024x8xf32, #tpu.memory_space<vmem>>) dst(%dma_wait3A_26 : memref<10008x8xf32, #tpu.memory_space<vmem_shared>>)
      tpu.yield
    }) : () -> ()
    %run_scoped3A_8 = arith.constant 2 : i32
    "tpu.region"() ({
      %run_scoped3A_16 = tpu.sem_alloc : memref<!tpu.dma_semaphore, #tpu.memory_space<semaphore_mem>>
      %dma_start3A = arith.constant 0 : i32
      %dma_start3A_17 = tpu.memref_slice %arg6[%run_scoped3A_8, %dma_start3A] : memref<5x1024xi32, #tpu.memory_space<vmem>> -> memref<1x1024xi32, #tpu.memory_space<vmem>>
      %dma_start3A_18 = tpu.memref_squeeze %dma_start3A_17 : memref<1x1024xi32, #tpu.memory_space<vmem>> -> memref<1024xi32, #tpu.memory_space<vmem>>
      %dma_start3A_19 = arith.constant 0 : i32
      %dma_start3A_20 = arith.constant 0 : i32
      %dma_start3A_21 = tpu.memref_slice %arg8[%dma_start3A_19, %dma_start3A_20] : memref<10008x8xf32, #tpu.memory_space<vmem_shared>> -> memref<10008x8xf32, #tpu.memory_space<vmem_shared>>
      tpu.enqueue_indirect_dma source(%arg7 : memref<1024x8xf32, #tpu.memory_space<vmem>>) target(%dma_start3A_21 : memref<10008x8xf32, #tpu.memory_space<vmem_shared>>) offsets(%dma_start3A_18 : memref<1024xi32, #tpu.memory_space<vmem>>) semaphore(%run_scoped3A_16 : memref<!tpu.dma_semaphore, #tpu.memory_space<semaphore_mem>>) {add = true}
      %dma_wait3A = arith.constant 0 : i32
      %dma_wait3A_22 = tpu.memref_slice %arg6[%run_scoped3A_8, %dma_wait3A] : memref<5x1024xi32, #tpu.memory_space<vmem>> -> memref<1x1024xi32, #tpu.memory_space<vmem>>
      %dma_wait3A_23 = tpu.memref_squeeze %dma_wait3A_22 : memref<1x1024xi32, #tpu.memory_space<vmem>> -> memref<1024xi32, #tpu.memory_space<vmem>>
      %dma_wait3A_24 = arith.constant 0 : i32
      %dma_wait3A_25 = arith.constant 0 : i32
      %dma_wait3A_26 = tpu.memref_slice %arg8[%dma_wait3A_24, %dma_wait3A_25] : memref<10008x8xf32, #tpu.memory_space<vmem_shared>> -> memref<10008x8xf32, #tpu.memory_space<vmem_shared>>
      tpu.wait_indirect_dma semaphore(%run_scoped3A_16 : memref<!tpu.dma_semaphore, #tpu.memory_space<semaphore_mem>>) src(%arg7 : memref<1024x8xf32, #tpu.memory_space<vmem>>) dst(%dma_wait3A_26 : memref<10008x8xf32, #tpu.memory_space<vmem_shared>>)
      tpu.yield
    }) : () -> ()
    %run_scoped3A_9 = arith.constant 3 : i32
    "tpu.region"() ({
      %run_scoped3A_16 = tpu.sem_alloc : memref<!tpu.dma_semaphore, #tpu.memory_space<semaphore_mem>>
      %dma_start3A = arith.constant 0 : i32
      %dma_start3A_17 = tpu.memref_slice %arg6[%run_scoped3A_9, %dma_start3A] : memref<5x1024xi32, #tpu.memory_space<vmem>> -> memref<1x1024xi32, #tpu.memory_space<vmem>>
      %dma_start3A_18 = tpu.memref_squeeze %dma_start3A_17 : memref<1x1024xi32, #tpu.memory_space<vmem>> -> memref<1024xi32, #tpu.memory_space<vmem>>
      %dma_start3A_19 = arith.constant 0 : i32
      %dma_start3A_20 = arith.constant 0 : i32
      %dma_start3A_21 = tpu.memref_slice %arg8[%dma_start3A_19, %dma_start3A_20] : memref<10008x8xf32, #tpu.memory_space<vmem_shared>> -> memref<10008x8xf32, #tpu.memory_space<vmem_shared>>
      tpu.enqueue_indirect_dma source(%arg7 : memref<1024x8xf32, #tpu.memory_space<vmem>>) target(%dma_start3A_21 : memref<10008x8xf32, #tpu.memory_space<vmem_shared>>) offsets(%dma_start3A_18 : memref<1024xi32, #tpu.memory_space<vmem>>) semaphore(%run_scoped3A_16 : memref<!tpu.dma_semaphore, #tpu.memory_space<semaphore_mem>>) {add = true}
      %dma_wait3A = arith.constant 0 : i32
      %dma_wait3A_22 = tpu.memref_slice %arg6[%run_scoped3A_9, %dma_wait3A] : memref<5x1024xi32, #tpu.memory_space<vmem>> -> memref<1x1024xi32, #tpu.memory_space<vmem>>
      %dma_wait3A_23 = tpu.memref_squeeze %dma_wait3A_22 : memref<1x1024xi32, #tpu.memory_space<vmem>> -> memref<1024xi32, #tpu.memory_space<vmem>>
      %dma_wait3A_24 = arith.constant 0 : i32
      %dma_wait3A_25 = arith.constant 0 : i32
      %dma_wait3A_26 = tpu.memref_slice %arg8[%dma_wait3A_24, %dma_wait3A_25] : memref<10008x8xf32, #tpu.memory_space<vmem_shared>> -> memref<10008x8xf32, #tpu.memory_space<vmem_shared>>
      tpu.wait_indirect_dma semaphore(%run_scoped3A_16 : memref<!tpu.dma_semaphore, #tpu.memory_space<semaphore_mem>>) src(%arg7 : memref<1024x8xf32, #tpu.memory_space<vmem>>) dst(%dma_wait3A_26 : memref<10008x8xf32, #tpu.memory_space<vmem_shared>>)
      tpu.yield
    }) : () -> ()
    %run_scoped3A_10 = arith.constant 4 : i32
    "tpu.region"() ({
      %run_scoped3A_16 = tpu.sem_alloc : memref<!tpu.dma_semaphore, #tpu.memory_space<semaphore_mem>>
      %dma_start3A = arith.constant 0 : i32
      %dma_start3A_17 = tpu.memref_slice %arg6[%run_scoped3A_10, %dma_start3A] : memref<5x1024xi32, #tpu.memory_space<vmem>> -> memref<1x1024xi32, #tpu.memory_space<vmem>>
      %dma_start3A_18 = tpu.memref_squeeze %dma_start3A_17 : memref<1x1024xi32, #tpu.memory_space<vmem>> -> memref<1024xi32, #tpu.memory_space<vmem>>
      %dma_start3A_19 = arith.constant 0 : i32
      %dma_start3A_20 = arith.constant 0 : i32
      %dma_start3A_21 = tpu.memref_slice %arg8[%dma_start3A_19, %dma_start3A_20] : memref<10008x8xf32, #tpu.memory_space<vmem_shared>> -> memref<10008x8xf32, #tpu.memory_space<vmem_shared>>
      tpu.enqueue_indirect_dma source(%arg7 : memref<1024x8xf32, #tpu.memory_space<vmem>>) target(%dma_start3A_21 : memref<10008x8xf32, #tpu.memory_space<vmem_shared>>) offsets(%dma_start3A_18 : memref<1024xi32, #tpu.memory_space<vmem>>) semaphore(%run_scoped3A_16 : memref<!tpu.dma_semaphore, #tpu.memory_space<semaphore_mem>>) {add = true}
      %dma_wait3A = arith.constant 0 : i32
      %dma_wait3A_22 = tpu.memref_slice %arg6[%run_scoped3A_10, %dma_wait3A] : memref<5x1024xi32, #tpu.memory_space<vmem>> -> memref<1x1024xi32, #tpu.memory_space<vmem>>
      %dma_wait3A_23 = tpu.memref_squeeze %dma_wait3A_22 : memref<1x1024xi32, #tpu.memory_space<vmem>> -> memref<1024xi32, #tpu.memory_space<vmem>>
      %dma_wait3A_24 = arith.constant 0 : i32
      %dma_wait3A_25 = arith.constant 0 : i32
      %dma_wait3A_26 = tpu.memref_slice %arg8[%dma_wait3A_24, %dma_wait3A_25] : memref<10008x8xf32, #tpu.memory_space<vmem_shared>> -> memref<10008x8xf32, #tpu.memory_space<vmem_shared>>
      tpu.wait_indirect_dma semaphore(%run_scoped3A_16 : memref<!tpu.dma_semaphore, #tpu.memory_space<semaphore_mem>>) src(%arg7 : memref<1024x8xf32, #tpu.memory_space<vmem>>) dst(%dma_wait3A_26 : memref<10008x8xf32, #tpu.memory_space<vmem_shared>>)
      tpu.yield
    }) : () -> ()
    %barrier3A_11 = arith.constant 0 : index
    tpu.barrier barrier_id(%barrier3A_11)
    %mul3A_12 = arith.constant 625 : i32
    %mul3A_13 = arith.muli %arg1, %mul3A_12 : i32
    %mul3A_14 = arith.constant 625 : i32
    %mul3A_15 = arith.muli %arg1, %mul3A_14 : i32
    "tpu.region"() ({
      %run_scoped3A_16 = tpu.sem_alloc : memref<!tpu.dma_semaphore, #tpu.memory_space<semaphore_mem>>
      %dma_start3A = arith.constant 0 : i32
      %dma_start3A_17 = tpu.memref_slice %arg5[%arg0, %mul3A_15, %dma_start3A] : memref<2x10000x8xf32, #tpu.memory_space<hbm>> -> memref<1x625x8xf32, #tpu.memory_space<hbm>>
      %dma_start3A_18 = tpu.memref_squeeze %dma_start3A_17 : memref<1x625x8xf32, #tpu.memory_space<hbm>> -> memref<625x8xf32, #tpu.memory_space<hbm>>
      %dma_start3A_19 = arith.constant 0 : i32
      %dma_start3A_20 = tpu.memref_slice %arg8[%mul3A_13, %dma_start3A_19] : memref<10008x8xf32, #tpu.memory_space<vmem_shared>> -> memref<625x8xf32, #tpu.memory_space<vmem_shared>>
      tpu.enqueue_dma source(%dma_start3A_20 : memref<625x8xf32, #tpu.memory_space<vmem_shared>>) target(%dma_start3A_18 : memref<625x8xf32, #tpu.memory_space<hbm>>) target_semaphore(%run_scoped3A_16 : memref<!tpu.dma_semaphore, #tpu.memory_space<semaphore_mem>>)
      %dma_wait3A = arith.constant 0 : i32
      %dma_wait3A_21 = tpu.memref_slice %arg5[%arg0, %mul3A_15, %dma_wait3A] : memref<2x10000x8xf32, #tpu.memory_space<hbm>> -> memref<1x625x8xf32, #tpu.memory_space<hbm>>
      %dma_wait3A_22 = tpu.memref_squeeze %dma_wait3A_21 : memref<1x625x8xf32, #tpu.memory_space<hbm>> -> memref<625x8xf32, #tpu.memory_space<hbm>>
      %dma_wait3A_23 = arith.constant 0 : i32
      %dma_wait3A_24 = tpu.memref_slice %arg8[%mul3A_13, %dma_wait3A_23] : memref<10008x8xf32, #tpu.memory_space<vmem_shared>> -> memref<625x8xf32, #tpu.memory_space<vmem_shared>>
      tpu.wait_dma2 semaphore(%run_scoped3A_16 : memref<!tpu.dma_semaphore, #tpu.memory_space<semaphore_mem>>) src(%dma_wait3A_24 : memref<625x8xf32, #tpu.memory_space<vmem_shared>>) dst(%dma_wait3A_22 : memref<625x8xf32, #tpu.memory_space<hbm>>)
      tpu.yield
    }) : () -> ()
    return
  }
}

module attributes {stable_mosaic.version = 14 : i64} {
  func.func @_tc_scale_body(%arg0: i32, %arg1: i32, %arg2: i32, %arg3: memref<2000x128xf32, #tpu.memory_space<vmem>>, %arg4: memref<2x2000x8xf32, #tpu.memory_space<vmem>>, %arg5: memref<1x2000x64xf32, #tpu.memory_space<vmem>>) attributes {dimension_semantics = [#tpu.dimension_semantics<arbitrary>, #tpu.dimension_semantics<arbitrary>, #tpu.dimension_semantics<arbitrary>], iteration_bounds = array<i64: 2, 2, 5>, scalar_prefetch = 0 : i64, scratch_operands = 0 : i64, tpu.core_type = #tpu.core_type<tc>, window_params = [{transform_indices = @transform_0, window_bounds = array<i64: 2000, 128>}, {transform_indices = @transform_1, window_bounds = array<i64: 2, 2000, 8>}, {transform_indices = @transform_2, window_bounds = array<i64: 1, 2000, 64>}]} {
    %eq3A = arith.constant 0 : i32
    %eq3A_0 = arith.cmpi eq, %arg1, %eq3A : i32
    %get3A = arith.constant 0 : index
    %get3A_1 = arith.constant 0 : index
    %get3A_2 = vector.load %arg3[%get3A, %get3A_1] : memref<2000x128xf32, #tpu.memory_space<vmem>>, vector<2000x64xf32>
    %get3A_3 = arith.constant 0 : index
    %get3A_4 = arith.constant 64 : index
    %get3A_5 = vector.load %arg3[%get3A_3, %get3A_4] : memref<2000x128xf32, #tpu.memory_space<vmem>>, vector<2000x64xf32>
    %select_n3A = arith.select %eq3A_0, %get3A_2, %get3A_5 : vector<2000x64xf32>
    %get3A_6 = arith.constant 0 : index
    %get3A_7 = arith.constant 0 : index
    %get3A_8 = arith.constant 0 : index
    %get3A_9 = vector.load %arg4[%get3A_6, %get3A_7, %get3A_8] : memref<2x2000x8xf32, #tpu.memory_space<vmem>>, vector<1x2000x1xf32>
    %get3A_10 = vector.shape_cast %get3A_9 : vector<1x2000x1xf32> to vector<2000x1xf32>
    %add3A = arith.constant 1.000000e+00 : f32
    %add3A_11 = vector.broadcast %add3A : f32 to vector<2000x1xf32>
    %add3A_12 = arith.addf %add3A_11, %get3A_10 : vector<2000x1xf32>
    %get3A_13 = arith.constant 1 : index
    %get3A_14 = arith.constant 0 : index
    %get3A_15 = arith.constant 0 : index
    %get3A_16 = vector.load %arg4[%get3A_13, %get3A_14, %get3A_15] : memref<2x2000x8xf32, #tpu.memory_space<vmem>>, vector<1x2000x1xf32>
    %get3A_17 = vector.shape_cast %get3A_16 : vector<1x2000x1xf32> to vector<2000x1xf32>
    %add3A_18 = arith.addf %add3A_12, %get3A_17 : vector<2000x1xf32>
    %rsqrt3A = math.rsqrt %add3A_18 : vector<2000x1xf32>
    %mul3A = vector.broadcast %rsqrt3A : vector<2000x1xf32> to vector<2000x64xf32>
    %mul3A_19 = arith.mulf %select_n3A, %mul3A : vector<2000x64xf32>
    %broadcast_in_dim3A = vector.shape_cast %mul3A_19 : vector<2000x64xf32> to vector<1x2000x64xf32>
    %swap3A = arith.constant 0 : index
    %swap3A_20 = arith.constant 0 : index
    %swap3A_21 = arith.constant 0 : index
    %swap3A_22 = vector.load %arg5[%swap3A, %swap3A_20, %swap3A_21] : memref<1x2000x64xf32, #tpu.memory_space<vmem>>, vector<1x2000x64xf32>
    tpu.vector_store %arg5[%swap3A, %swap3A_20, %swap3A_21], %broadcast_in_dim3A {strides = array<i32>} : memref<1x2000x64xf32, #tpu.memory_space<vmem>>, vector<1x2000x64xf32>,
    return
  }
  func.func @transform_0(%arg0: i32, %arg1: i32, %arg2: i32) -> (i32, i32) {
    %c0_i32 = arith.constant 0 : i32
    return %arg2, %arg0 : i32, i32
  }
  func.func @transform_1(%arg0: i32, %arg1: i32, %arg2: i32) -> (i32, i32, i32) {
    %c0_i32 = arith.constant 0 : i32
    %c0_i32_0 = arith.constant 0 : i32
    %c0_i32_1 = arith.constant 0 : i32
    return %c0_i32, %arg2, %c0_i32_0 : i32, i32, i32
  }
  func.func @transform_2(%arg0: i32, %arg1: i32, %arg2: i32) -> (i32, i32, i32) {
    %mul3A = arith.constant 2 : i32
    %mul3A_0 = arith.muli %arg0, %mul3A : i32
    %add3A = arith.addi %mul3A_0, %arg1 : i32
    %c0_i32 = arith.constant 0 : i32
    %c0_i32_1 = arith.constant 0 : i32
    return %add3A, %arg2, %c0_i32 : i32, i32, i32
  }
}

module attributes {stable_mosaic.version = 14 : i64} {
  func.func @_tc_mid_body(%arg0: i32, %arg1: memref<4x2000x64xf32, #tpu.memory_space<vmem>>, %arg2: memref<2x2000x8xf32, #tpu.memory_space<vmem>>, %arg3: memref<256x512xf32, #tpu.memory_space<vmem>>, %arg4: memref<1x512xf32, #tpu.memory_space<vmem>>, %arg5: memref<512x48xf32, #tpu.memory_space<vmem>>, %arg6: memref<2000x48xf32, #tpu.memory_space<vmem>>) attributes {dimension_semantics = [#tpu.dimension_semantics<arbitrary>], iteration_bounds = array<i64: 5>, scalar_prefetch = 0 : i64, scratch_operands = 0 : i64, tpu.core_type = #tpu.core_type<tc>, window_params = [{transform_indices = @transform_0, window_bounds = array<i64: 4, 2000, 64>}, {transform_indices = @transform_1, window_bounds = array<i64: 2, 2000, 8>}, {pipeline_mode = #tpu.pipeline_mode<synchronous>, transform_indices = @transform_2, window_bounds = array<i64: 256, 512>}, {pipeline_mode = #tpu.pipeline_mode<synchronous>, transform_indices = @transform_3, window_bounds = array<i64: 1, 512>}, {pipeline_mode = #tpu.pipeline_mode<synchronous>, transform_indices = @transform_4, window_bounds = array<i64: 512, 48>}, {transform_indices = @transform_5, window_bounds = array<i64: 2000, 48>}]} {
    %get3A = arith.constant 0 : index
    %get3A_0 = arith.constant 0 : index
    %get3A_1 = arith.constant 0 : index
    %get3A_2 = vector.load %arg2[%get3A, %get3A_0, %get3A_1] : memref<2x2000x8xf32, #tpu.memory_space<vmem>>, vector<1x2000x1xf32>
    %get3A_3 = vector.shape_cast %get3A_2 : vector<1x2000x1xf32> to vector<2000x1xf32>
    %add3A = arith.constant 1.000000e+00 : f32
    %add3A_4 = vector.broadcast %add3A : f32 to vector<2000x1xf32>
    %add3A_5 = arith.addf %add3A_4, %get3A_3 : vector<2000x1xf32>
    %get3A_6 = arith.constant 1 : index
    %get3A_7 = arith.constant 0 : index
    %get3A_8 = arith.constant 0 : index
    %get3A_9 = vector.load %arg2[%get3A_6, %get3A_7, %get3A_8] : memref<2x2000x8xf32, #tpu.memory_space<vmem>>, vector<1x2000x1xf32>
    %get3A_10 = vector.shape_cast %get3A_9 : vector<1x2000x1xf32> to vector<2000x1xf32>
    %add3A_11 = arith.addf %add3A_5, %get3A_10 : vector<2000x1xf32>
    %rsqrt3A = math.rsqrt %add3A_11 : vector<2000x1xf32>
    %get3A_12 = arith.constant 0 : index
    %get3A_13 = arith.constant 0 : index
    %get3A_14 = arith.constant 0 : index
    %get3A_15 = vector.load %arg1[%get3A_12, %get3A_13, %get3A_14] : memref<4x2000x64xf32, #tpu.memory_space<vmem>>, vector<1x2000x64xf32>
    %get3A_16 = vector.shape_cast %get3A_15 : vector<1x2000x64xf32> to vector<2000x64xf32>
    %get3A_17 = arith.constant 1 : index
    %get3A_18 = arith.constant 0 : index
    %get3A_19 = arith.constant 0 : index
    %get3A_20 = vector.load %arg1[%get3A_17, %get3A_18, %get3A_19] : memref<4x2000x64xf32, #tpu.memory_space<vmem>>, vector<1x2000x64xf32>
    %get3A_21 = vector.shape_cast %get3A_20 : vector<1x2000x64xf32> to vector<2000x64xf32>
    %get3A_22 = arith.constant 2 : index
    %get3A_23 = arith.constant 0 : index
    %get3A_24 = arith.constant 0 : index
    %get3A_25 = vector.load %arg1[%get3A_22, %get3A_23, %get3A_24] : memref<4x2000x64xf32, #tpu.memory_space<vmem>>, vector<1x2000x64xf32>
    %get3A_26 = vector.shape_cast %get3A_25 : vector<1x2000x64xf32> to vector<2000x64xf32>
    %get3A_27 = arith.constant 3 : index
    %get3A_28 = arith.constant 0 : index
    %get3A_29 = arith.constant 0 : index
    %get3A_30 = vector.load %arg1[%get3A_27, %get3A_28, %get3A_29] : memref<4x2000x64xf32, #tpu.memory_space<vmem>>, vector<1x2000x64xf32>
    %get3A_31 = vector.shape_cast %get3A_30 : vector<1x2000x64xf32> to vector<2000x64xf32>
    %concatenate3A = tpu.concatenate %get3A_16, %get3A_21, %get3A_26, %get3A_31 in 1 : vector<2000x64xf32>, vector<2000x64xf32>, vector<2000x64xf32>, vector<2000x64xf32> -> vector<2000x256xf32>
    %mul3A = vector.broadcast %rsqrt3A : vector<2000x1xf32> to vector<2000x256xf32>
    %mul3A_32 = arith.mulf %concatenate3A, %mul3A : vector<2000x256xf32>
    %get3A_33 = arith.constant 0 : index
    %get3A_34 = arith.constant 0 : index
    %get3A_35 = vector.load %arg3[%get3A_33, %get3A_34] : memref<256x512xf32, #tpu.memory_space<vmem>>, vector<256x512xf32>
    %dot_general3A = arith.constant dense<0.000000e+00> : vector<2000x512xf32>
    %dot_general3A_36 = tpu.matmul %mul3A_32, %get3A_35, %dot_general3A {dimension_numbers = #tpu.dot_dimension_numbers<[1], [0], [0], [1], [0, 0, 1, 1], [], []>, transpose_lhs_hint = false} : vector<2000x256xf32>, vector<256x512xf32>, vector<2000x512xf32> -> vector<2000x512xf32>
    %get3A_37 = arith.constant 0 : index
    %get3A_38 = arith.constant 0 : index
    %get3A_39 = vector.load %arg4[%get3A_37, %get3A_38] : memref<1x512xf32, #tpu.memory_space<vmem>>, vector<1x512xf32>
    %add3A_40 = vector.broadcast %get3A_39 : vector<1x512xf32> to vector<2000x512xf32>
    %add3A_41 = arith.addf %dot_general3A_36, %add3A_40 : vector<2000x512xf32>
    %max3A = arith.constant 0.000000e+00 : f32
    %max3A_42 = vector.broadcast %max3A : f32 to vector<2000x512xf32>
    %max3A_43 = arith.maximumf %add3A_41, %max3A_42 : vector<2000x512xf32>
    %get3A_44 = arith.constant 0 : index
    %get3A_45 = arith.constant 0 : index
    %get3A_46 = vector.load %arg5[%get3A_44, %get3A_45] : memref<512x48xf32, #tpu.memory_space<vmem>>, vector<512x48xf32>
    %dot_general3A_47 = arith.constant dense<0.000000e+00> : vector<2000x48xf32>
    %dot_general3A_48 = tpu.matmul %max3A_43, %get3A_46, %dot_general3A_47 {dimension_numbers = #tpu.dot_dimension_numbers<[1], [0], [0], [1], [0, 0, 1, 1], [], []>, transpose_lhs_hint = false} : vector<2000x512xf32>, vector<512x48xf32>, vector<2000x48xf32> -> vector<2000x48xf32>
    %mul3A_49 = vector.broadcast %rsqrt3A : vector<2000x1xf32> to vector<2000x48xf32>
    %mul3A_50 = arith.mulf %dot_general3A_48, %mul3A_49 : vector<2000x48xf32>
    %swap3A = arith.constant 0 : index
    %swap3A_51 = arith.constant 0 : index
    %swap3A_52 = vector.load %arg6[%swap3A, %swap3A_51] : memref<2000x48xf32, #tpu.memory_space<vmem>>, vector<2000x48xf32>
    tpu.vector_store %arg6[%swap3A, %swap3A_51], %mul3A_50 {strides = array<i32>} : memref<2000x48xf32, #tpu.memory_space<vmem>>, vector<2000x48xf32>,
    return
  }
  func.func @transform_0(%arg0: i32) -> (i32, i32, i32) {
    %c0_i32 = arith.constant 0 : i32
    %c0_i32_0 = arith.constant 0 : i32
    %c0_i32_1 = arith.constant 0 : i32
    return %c0_i32, %arg0, %c0_i32_0 : i32, i32, i32
  }
  func.func @transform_1(%arg0: i32) -> (i32, i32, i32) {
    %c0_i32 = arith.constant 0 : i32
    %c0_i32_0 = arith.constant 0 : i32
    %c0_i32_1 = arith.constant 0 : i32
    return %c0_i32, %arg0, %c0_i32_0 : i32, i32, i32
  }
  func.func @transform_2(%arg0: i32) -> (i32, i32) {
    %c0_i32 = arith.constant 0 : i32
    %c0_i32_0 = arith.constant 0 : i32
    %c0_i32_1 = arith.constant 0 : i32
    return %c0_i32, %c0_i32_0 : i32, i32
  }
  func.func @transform_3(%arg0: i32) -> (i32, i32) {
    %c0_i32 = arith.constant 0 : i32
    %c0_i32_0 = arith.constant 0 : i32
    %c0_i32_1 = arith.constant 0 : i32
    return %c0_i32, %c0_i32_0 : i32, i32
  }
  func.func @transform_4(%arg0: i32) -> (i32, i32) {
    %c0_i32 = arith.constant 0 : i32
    %c0_i32_0 = arith.constant 0 : i32
    %c0_i32_1 = arith.constant 0 : i32
    return %c0_i32, %c0_i32_0 : i32, i32
  }
  func.func @transform_5(%arg0: i32) -> (i32, i32) {
    %c0_i32 = arith.constant 0 : i32
    %c0_i32_0 = arith.constant 0 : i32
    return %arg0, %c0_i32 : i32, i32
  }
}

module attributes {stable_mosaic.version = 14 : i64} {
  func.func @_tc_out_body(%arg0: i32, %arg1: memref<2x2000x48xf32, #tpu.memory_space<vmem>>, %arg2: memref<2x2000x8xf32, #tpu.memory_space<vmem>>, %arg3: memref<1x40xf32, #tpu.memory_space<vmem>>, %arg4: memref<2000x40xf32, #tpu.memory_space<vmem>>) attributes {dimension_semantics = [#tpu.dimension_semantics<arbitrary>], iteration_bounds = array<i64: 5>, scalar_prefetch = 0 : i64, scratch_operands = 0 : i64, tpu.core_type = #tpu.core_type<tc>, window_params = [{transform_indices = @transform_0, window_bounds = array<i64: 2, 2000, 48>}, {transform_indices = @transform_1, window_bounds = array<i64: 2, 2000, 8>}, {pipeline_mode = #tpu.pipeline_mode<synchronous>, transform_indices = @transform_2, window_bounds = array<i64: 1, 40>}, {transform_indices = @transform_3, window_bounds = array<i64: 2000, 40>}]} {
    %get3A = arith.constant 0 : index
    %get3A_0 = arith.constant 0 : index
    %get3A_1 = arith.constant 0 : index
    %get3A_2 = vector.load %arg2[%get3A, %get3A_0, %get3A_1] : memref<2x2000x8xf32, #tpu.memory_space<vmem>>, vector<1x2000x1xf32>
    %get3A_3 = vector.shape_cast %get3A_2 : vector<1x2000x1xf32> to vector<2000x1xf32>
    %add3A = arith.constant 1.000000e+00 : f32
    %add3A_4 = vector.broadcast %add3A : f32 to vector<2000x1xf32>
    %add3A_5 = arith.addf %add3A_4, %get3A_3 : vector<2000x1xf32>
    %get3A_6 = arith.constant 1 : index
    %get3A_7 = arith.constant 0 : index
    %get3A_8 = arith.constant 0 : index
    %get3A_9 = vector.load %arg2[%get3A_6, %get3A_7, %get3A_8] : memref<2x2000x8xf32, #tpu.memory_space<vmem>>, vector<1x2000x1xf32>
    %get3A_10 = vector.shape_cast %get3A_9 : vector<1x2000x1xf32> to vector<2000x1xf32>
    %add3A_11 = arith.addf %add3A_5, %get3A_10 : vector<2000x1xf32>
    %rsqrt3A = math.rsqrt %add3A_11 : vector<2000x1xf32>
    %get3A_12 = arith.constant 0 : index
    %get3A_13 = arith.constant 0 : index
    %get3A_14 = arith.constant 0 : index
    %get3A_15 = vector.load %arg1[%get3A_12, %get3A_13, %get3A_14] : memref<2x2000x48xf32, #tpu.memory_space<vmem>>, vector<1x2000x48xf32>
    %get3A_16 = vector.shape_cast %get3A_15 : vector<1x2000x48xf32> to vector<2000x48xf32>
    %get3A_17 = arith.constant 1 : index
    %get3A_18 = arith.constant 0 : index
    %get3A_19 = arith.constant 0 : index
    %get3A_20 = vector.load %arg1[%get3A_17, %get3A_18, %get3A_19] : memref<2x2000x48xf32, #tpu.memory_space<vmem>>, vector<1x2000x48xf32>
    %get3A_21 = vector.shape_cast %get3A_20 : vector<1x2000x48xf32> to vector<2000x48xf32>
    %add3A_22 = arith.addf %get3A_16, %get3A_21 : vector<2000x48xf32>
    %mul3A = vector.broadcast %rsqrt3A : vector<2000x1xf32> to vector<2000x48xf32>
    %mul3A_23 = arith.mulf %add3A_22, %mul3A : vector<2000x48xf32>
    %slice3A = vector.extract_strided_slice %mul3A_23 {offsets = [0, 0], sizes = [2000, 40], strides = [1, 1]} : vector<2000x48xf32> to vector<2000x40xf32>
    %get3A_24 = arith.constant 0 : index
    %get3A_25 = arith.constant 0 : index
    %get3A_26 = vector.load %arg3[%get3A_24, %get3A_25] : memref<1x40xf32, #tpu.memory_space<vmem>>, vector<1x40xf32>
    %add3A_27 = vector.broadcast %get3A_26 : vector<1x40xf32> to vector<2000x40xf32>
    %add3A_28 = arith.addf %slice3A, %add3A_27 : vector<2000x40xf32>
    %reduce_max3A = arith.constant dense<0xFF800000> : vector<2000xf32>
    %reduce_max3A_29 = vector.multi_reduction <maximumf>, %add3A_28, %reduce_max3A [1] : vector<2000x40xf32> to vector<2000xf32>
    %broadcast_in_dim3A = vector.shape_cast %reduce_max3A_29 : vector<2000xf32> to vector<2000x1xf32>
    %sub3A = vector.broadcast %broadcast_in_dim3A : vector<2000x1xf32> to vector<2000x40xf32>
    %sub3A_30 = arith.subf %add3A_28, %sub3A : vector<2000x40xf32>
    %exp3A = math.exp %sub3A_30 : vector<2000x40xf32>
    %reduce_sum3A = arith.constant dense<0.000000e+00> : vector<2000xf32>
    %reduce_sum3A_31 = vector.multi_reduction <add>, %exp3A, %reduce_sum3A [1] : vector<2000x40xf32> to vector<2000xf32>
    %broadcast_in_dim3A_32 = vector.shape_cast %reduce_sum3A_31 : vector<2000xf32> to vector<2000x1xf32>
    %log3A = math.log %broadcast_in_dim3A_32 : vector<2000x1xf32>
    %sub3A_33 = vector.broadcast %broadcast_in_dim3A : vector<2000x1xf32> to vector<2000x40xf32>
    %sub3A_34 = arith.subf %add3A_28, %sub3A_33 : vector<2000x40xf32>
    %sub3A_35 = vector.broadcast %log3A : vector<2000x1xf32> to vector<2000x40xf32>
    %sub3A_36 = arith.subf %sub3A_34, %sub3A_35 : vector<2000x40xf32>
    %swap3A = arith.constant 0 : index
    %swap3A_37 = arith.constant 0 : index
    %swap3A_38 = vector.load %arg4[%swap3A, %swap3A_37] : memref<2000x40xf32, #tpu.memory_space<vmem>>, vector<2000x40xf32>
    tpu.vector_store %arg4[%swap3A, %swap3A_37], %sub3A_36 {strides = array<i32>} : memref<2000x40xf32, #tpu.memory_space<vmem>>, vector<2000x40xf32>,
    return
  }
  func.func @transform_0(%arg0: i32) -> (i32, i32, i32) {
    %c0_i32 = arith.constant 0 : i32
    %c0_i32_0 = arith.constant 0 : i32
    %c0_i32_1 = arith.constant 0 : i32
    return %c0_i32, %arg0, %c0_i32_0 : i32, i32, i32
  }
  func.func @transform_1(%arg0: i32) -> (i32, i32, i32) {
    %c0_i32 = arith.constant 0 : i32
    %c0_i32_0 = arith.constant 0 : i32
    %c0_i32_1 = arith.constant 0 : i32
    return %c0_i32, %arg0, %c0_i32_0 : i32, i32, i32
  }
  func.func @transform_2(%arg0: i32) -> (i32, i32) {
    %c0_i32 = arith.constant 0 : i32
    %c0_i32_0 = arith.constant 0 : i32
    %c0_i32_1 = arith.constant 0 : i32
    return %c0_i32, %c0_i32_0 : i32, i32
  }
  func.func @transform_3(%arg0: i32) -> (i32, i32) {
    %c0_i32 = arith.constant 0 : i32
    %c0_i32_0 = arith.constant 0 : i32
    return %arg0, %c0_i32 : i32, i32
  }
}

</mosaic_0001>

<sc_bundles>
// kernel: kernel.11.cloned.1.call-start
scs
__scs_entry_jumppad:
0x0: {  	(pc) =	sbr.rel $0x88, $3  }
0x1: {  	(tag) =	ssettag $0x0;
	lr =	simm.s32 $0x1  }
0x2: {  	[smem:$0x3F9B] =	sst lr;
	_ =	strace $0xD0000000  }
0x3: {  	_ = 	snop  }
0x4: {  	_ = 	snop  }
0x5: {  	_ = 	snop  }
0x6: {  	_ = 	snop  }
0x7: {  	_ = 	snop  }
__scs_overlays_trampoline_lowered:
0x8: {  	[smem:$0x3FAA] =	sst s0  }
0x9: {  	[smem:$0x3FAB] =	sst s1  }
0xa: {  	[smem:$0x3FAC] =	sst s2  }
0xb: {  	[smem:$0x3FAD] =	sst s3  }
0xc: {  	[smem:$0x3FAE] =	sst s4  }
0xd: {  	[smem:$0x3FAF] =	sst s5  }
0xe: {  	[smem:$0x3FB0] =	sst s6  }
0xf: {  	[smem:$0x3FB1] =	sst s7  }
0x10: {  	[smem:$0x3FB2] =	sst s8  }
0x11: {  	[smem:$0x3FB3] =	sst s9;
	s0 =	simm.s32 @!p0 $0x0  }
0x12: {  	s1 =	sld [smem:$0x3F99];
	s0 =	simm.s32 @p0 $0x1  }
0x13: {  	[smem:$0x3FB4] =	sst s0;
	s0 =	simm.s32 @!p1 $0x0  }
0x14: {  	s2 =	sld [smem:$0x3F98];
	s0 =	simm.s32 @p1 $0x1  }
0x15: {  	[smem:$0x3FB5] =	sst s0;
	s0 =	simm.s32 @!p2 $0x0  }
0x16: {  	s3 =	sld [smem:$0x3FDB];
	s0 =	simm.s32 @p2 $0x1  }
0x17: {  	s4 =	simm.s32 $0x1BF5;
	[smem:$0x3FB7] =	sst s0  }
0x18: {  	s0 =	sld [smem:$0x3F9A];
	_ =	swait.ge [sflag:s4], $0x0  }
0x19: {  	s7 =	sld [smem:$0x3F9B]  }
0x1a: {  	s8 =	sadd.s32 $0xFFFFE003, lr  }
0x1b: {  	s9 =	sadd.s32 $0xFFFFFEF7, lr;
	s5 =	simm.s32 $0xFFFFFFFF;
	p2 =	slt.u32 s8, $0xFFFFF086  }
0x1c: {  	p1 =	slt.u32 s9, $0xF7A;
	s5 =	simm.s32 @!p2 $0x0  }
0x1d: {  	s5 =	simm.s32 @p1 $0x1;
	p0 =	seq.s32 s7, s2  }
0x1e: {  	s7 =	smul.u32 @!p0 $0xF7A, s2;
	p2 =	seq.s32 @!p0 s5, $0x0  }
0x1f: {  	s9 =	smul.u32 $0xF7A, s1;
	s8 =	simm.s32 @!p0 $0x1BF5;
	p2 =	por !p2, p0  }
0x20: {  	[sflag:s8] =	ssyncset.s32 @!p0 $0xFFFFF086;
	s6 =	sadd.s32 @!p0 s3, s7;
	s7 =	simm.s32 @!p0 $0x108  }
0x21: {  	s3 =	sadd.s32 s3, s9;
	s6 =	sadd.s32 @!p0 $0x88, s6;
	s7 =	simm.s32 @p2 $0x1082  }
0x22: {  	[simem:s7], [sflag:s8] =	dma.local @!p0 [hbm:s6], $0xF7A  }
0x23: {  	s9 =	sor.u32 $0xD0000000, s2;
	s6 =	simm.s32 $0x108;
	_ =	swait.ge @!p0 [sflag:s8], $0x0  }
0x24: {  	s3 =	sadd.s32 $0x88, s3;
	s6 =	simm.s32 @!p1 $0x1082;
	[sflag:s4] =	ssyncset.s32 $0xFFFFF086  }
0x25: {  	[simem:s6], [sflag:s4] =	dma.local [hbm:s3], $0xF7A  }
0x26: {  	[smem:$0x3F9B] =	sst s1;
	(tag) =	ssettag s2;
	_ =	strace s9  }
0x27: {  	s1 =	sld [smem:$0x3FAB]  }
0x28: {  	s2 =	sld [smem:$0x3FAC]  }
0x29: {  	s4 =	sld [smem:$0x3FAE]  }
0x2a: {  	p0 =	seq.s32 s5, $0x0;
	s5 =	sld [smem:$0x3FAF]  }
0x2b: {  	s6 =	sld [smem:$0x3FB0]  }
0x2c: {  	s7 =	sld [smem:$0x3FB1]  }
0x2d: {  	s3 =	simm.s32 $0x108;
	s8 =	sld [smem:$0x3FB2]  }
0x2e: {  	s3 =	simm.s32 @!p0 $0x1082;
	s9 =	sld [smem:$0x3FB3]  }
0x2f: {  	lr =	sadd.s32 s0, s3;
	s0 =	sld [smem:$0x3FAA]  }
0x30: {  	s3 =	sld [smem:$0x3FAD]  }
0x31: {  	[smem:$0x3FB6] =	sst s10  }
0x32: {  	s10 =	sld [smem:$0x3FB4];
	_ =	sdelay $0x3  }
0x33: {  	p0 =	seq.s32 s10, $0x1;
	s10 =	sld [smem:$0x3FB6];
	_ =	sdelay $0x3  }
0x34: {  	[smem:$0x3FB6] =	sst s10  }
0x35: {  	s10 =	sld [smem:$0x3FB5];
	_ =	sdelay $0x3  }
0x36: {  	p1 =	seq.s32 s10, $0x1;
	s10 =	sld [smem:$0x3FB6];
	_ =	sdelay $0x3  }
0x37: {  	[smem:$0x3FB6] =	sst s10  }
0x38: {  	s10 =	sld [smem:$0x3FB7]  }
0x39: {  	_ = 	snop;
	(pc) =	sbr.ind lr, $3  }
0x3a: {  	_ = 	snop  }
0x3b: {  	_ = 	snop  }
0x3c: {  	p2 =	seq.s32 s10, $0x1;
	s10 =	sld [smem:$0x3FB6]  }
0x3d: {  	_ =	shalt  }
0x3e: {  	_ =	shalt  }
0x3f: {  	_ =	shalt  }
0x40: {  	_ =	shalt  }
0x41: {  	_ =	shalt  }
0x42: {  	_ =	shalt  }
0x43: {  	_ =	shalt  }
0x44: {  	_ =	shalt  }
0x45: {  	_ =	shalt  }
0x46: {  	_ =	shalt  }
0x47: {  	_ =	shalt  }
0x48: {  	_ =	shalt  }
0x49: {  	_ =	shalt  }
0x4a: {  	_ =	shalt  }
0x4b: {  	_ =	shalt  }
0x4c: {  	_ =	shalt  }
0x4d: {  	_ =	shalt  }
0x4e: {  	_ =	shalt  }
0x4f: {  	_ =	shalt  }
0x50: {  	_ =	shalt  }
0x51: {  	_ =	shalt  }
0x52: {  	_ =	shalt  }
0x53: {  	_ =	shalt  }
0x54: {  	_ =	shalt  }
0x55: {  	_ =	shalt  }
0x56: {  	_ =	shalt  }
0x57: {  	_ =	shalt  }
0x58: {  	_ =	shalt  }
0x59: {  	_ =	shalt  }
0x5a: {  	_ =	shalt  }
0x5b: {  	_ =	shalt  }
0x5c: {  	_ =	shalt  }
0x5d: {  	_ =	shalt  }
0x5e: {  	_ =	shalt  }
0x5f: {  	_ =	shalt  }
0x60: {  	_ =	shalt  }
0x61: {  	_ =	shalt  }
0x62: {  	_ =	shalt  }
0x63: {  	_ =	shalt  }
0x64: {  	_ =	shalt  }
0x65: {  	_ =	shalt  }
0x66: {  	_ =	shalt  }
0x67: {  	_ =	shalt  }
0x68: {  	_ =	shalt  }
0x69: {  	_ =	shalt  }
0x6a: {  	_ =	shalt  }
0x6b: {  	_ =	shalt  }
0x6c: {  	_ =	shalt  }
0x6d: {  	_ =	shalt  }
0x6e: {  	_ =	shalt  }
0x6f: {  	_ =	shalt  }
0x70: {  	_ =	shalt  }
0x71: {  	_ =	shalt  }
0x72: {  	_ =	shalt  }
0x73: {  	_ =	shalt  }
0x74: {  	_ =	shalt  }
0x75: {  	_ =	shalt  }
0x76: {  	_ =	shalt  }
0x77: {  	_ =	shalt  }
0x78: {  	_ =	shalt  }
0x79: {  	_ =	shalt  }
0x7a: {  	_ =	shalt  }
0x7b: {  	_ =	shalt  }
0x7c: {  	_ =	shalt  }
0x7d: {  	_ =	shalt  }
0x7e: {  	_ =	shalt  }
0x7f: {  	_ =	shalt  }
0x80: {  	_ =	shalt  }
0x81: {  	_ =	shalt  }
0x82: {  	_ =	shalt  }
0x83: {  	_ =	shalt  }
0x84: {  	_ =	shalt  }
0x85: {  	_ =	shalt  }
0x86: {  	_ =	shalt  }
0x87: {  	_ =	shalt  }
.Lfunc_end0:
.L_simem_size_0:
called_computation.1_lowered:
.L_overlay_start_0:
0x88: {  	s2 =	sld [smem:$0x3FD9]  }
0x89: {  	s3 =	sld [smem:$0x3FFE];
	_ =	sdelay $0x1  }
0x8a: {  	s1 =	srdreg.scid  }
0x8b: {  	s0 =	sand.u32 $0x1, s1  }
0x8c: {  	s17 =	sshll.u32 s0, $0xA;
	s2 =	sadd.s32 s3, s2  }
0x8d: {  	s2 =	sadd.s32 s2, s17  }
0x8e: {  	[smem:$0x3FC2] =	sst s2  }
0x8f: {  	_ = 	snop  }
0x90: {  	s2 =	sld [smem:$0x3FD0];
	(tm) =	ssettm $0x1  }
0x91: {  	s18 =	sld [smem:$0x3FFB];
	_ =	sdelay $0x3  }
0x92: {  	_ =	strace s18  }
0x93: {  	s3 =	sld [smem:$0x3FFC];
	_ =	sdelay $0x3  }
0x94: {  	_ =	strace s3  }
0x95: {  	s3 =	sld [smem:$0x3FFD];
	_ =	sdelay $0x3  }
0x96: {  	_ =	strace s3  }
0x97: {  	_ =	strace $0x8FFFFFFF  }
0x98: {  	s19 =	sld [smem:$0x3FDB];
	_ =	sdelay $0x1  }
0x99: {  	s4 =	simm.s32 $_scs_section_size  }
0x9a: {  	s5 =	simm.s32 $_size__tile_overlayer_lowered;
	s6 =	simm.s32 $_tile_overlayer_lowered  }
0x9b: {  	s22 =	simm.s32 $0x1BFF;
	s21 =	sshll.u32 s6, $0x1;
	s3 =	sadd.s32 s4, s19  }
0x9c: {  	s7 =	simm.s32 $0x0;
	s20 =	sshll.u32 s5, $0x1;
	s5 =	sadd.s32 s21, s3  }
0x9d: {  	[timem:s7], [sflag:s22] =	dma.local [hbm:s5], s20  }
0x9e: {  	_ =	swait.ge [sflag:s22], s20  }
0x9f: {  	s4 =	ssub.s32 $0x0, s20;
	[sflag:s22] =	ssyncset.done $0x0  }
0xa0: {  	[sflag:s22] =	ssyncadd.s32 s4;
	_ =	sdelay $0x1  }
0xa1: {  	s23 =	simm.s32 $0x1B8B  }
0xa2: {  	_ =	swait.ge [sflag:s23], $0x1  }
0xa3: {  	[sflag:s23] =	ssyncset.done $0x0  }
0xa4: {  	s25 =	simm.s32 $0x1B8E;
	s24 =	sld [smem:$0x3FFE];
	[sflag:s23] =	ssyncadd.s32 $0xFFFFFFFF  }
0xa5: {  	s26 =	simm.s32 $execute0_lowered;
	[smem:$0x3FD2] =	sst s25  }
0xa6: {  	s5 =	sshll.u32 s26, $0x1;
	_ =	strace $0x80000049;
	[dreg:$0x1] =	wrdreg $0xFFFFFFFF  }
0xa7: {  	s28 =	simm.s32 $_size_execute0_lowered;
	s3 =	sadd.s32 s3, s5;
	[dreg:$0x0] =	wrdreg $0x0  }
0xa8: {  	s5 =	sshll.u32 s28, $0x1;
	[dreg:$0x2] =	wrdreg s3  }
0xa9: {  	[dreg:$0x3] =	wrdreg s5  }
0xaa: {  	[dreg:$0x4] =	wrdreg $0xC0  }
0xab: {  	_ =	task [dreg:s7], $0x5FFFF  }
0xac: {  	[dreg:$0x1] =	wrdreg $0xFFFFFFFF  }
0xad: {  	[dreg:$0x0] =	wrdreg $0x60  }
0xae: {  	[dreg:$0x2] =	wrdreg s24  }
0xaf: {  	[dreg:$0x3] =	wrdreg s2  }
0xb0: {  	[dreg:$0x4] =	wrdreg $0xB4000  }
0xb1: {  	[dreg:$0x5] =	wrdreg $0x150400  }
0xb2: {  	[dreg:$0x6] =	wrdreg $0x9  }
0xb3: {  	_ =	task.clear_ibuf [dreg:s7], $0x7FFFF;
	_ =	strace $0x90000049  }
0xb4: {  	s29 =	simm.s32 $0x9;
	_ =	strace $0x8000004B  }
0xb5: {  	_ =	swait.ge [sflag:s29], $0x1  }
0xb6: {  	[sflag:s29] =	ssyncadd.s32 $0xFFFFFFFF  }
0xb7: {  	_ =	strace $0x9000004B  }
0xb8: {  	_ =	sfence  }
0xb9: {  	s30 =	sld [smem:$0x0];
	_ =	sdelay $0x2  }
0xba: {  	s31 =	sshll.u32 s1, $0xD;
	s1 =	sshrl.u32 s1, $0x2  }
0xbb: {  	s3 =	sand.u32 $0x4000, s31;
	s1 =	sadd.s32 s1, s30  }
0xbc: {  	s0 =	sor.u32 s3, s0;
	s1 =	sshll.u32 s1, $0x11  }
0xbd: {  	s0 =	sor.u32 s1, s0  }
0xbe: {  	s0 =	sadd.s32 $0x8F2B, s0  }
0xbf: {  	[sflag:s0] =	ssyncadd.remote.s32 $0x1  }
0xc0: {  	_ =	sfence.sel $0xFFFF  }
0xc1: {  	[dreg:$0x0] =	wrdreg $0xFFFFFFFF;
	(pc) =	sbr.abs _section_cstart, $3  }
0xc2: {  	[dreg:$0x1] =	wrdreg $0xFFFFFFFF  }
0xc3: {  	_ =	task.clear_ibuf [dreg:s7], $0x2FFFF;
	_ =	strace $0x9FFFFFFF  }
0xc4: {  	(tm) =	ssettm $0x7FFFFFFF  }
0xc5: {  	_ =	shalt  }
tec
execute0_lowered:
.L_overlay_start_1:
0x0: {  	(tag) =	ssettag $0x1  }
0x1: {  	s0 =	rddreg [dreg:$0x0]  }
0x2: {  	s1 =	rddreg [dreg:$0x1]  }
0x3: {  	s2 =	rddreg [dreg:$0x2]  }
0x4: {  	s3 =	rddreg [dreg:$0x3];
	s12 =	stileid.u32  }
0x5: {  	s4 =	simm.s32 $0x0;
	s6 =	srdreg.scid;
	s14 =	simm.s32 $0x5  }
0x6: {  	s17 =	simm.s32 $0x140;
	s18 =	simm.s32 $0x1400;
	s19 =	simm.s32 $0x1  }
0x7: {  	s20 =	simm.s32 $0x6400;
	s21 =	simm.s32 $0x2;
	s28 =	simm.s32 $0x3C0  }
0x8: {  	s29 =	simm.s32 $0xC80;
	s30 =	simm.s32 $0x500;
	s31 =	simm.s32 $0xDC0  }
0x9: {  	s5 =	smul.u32 $0x500, s12;
	[smem:$0x7FF] =	sst s4;
	s6 =	sand.u32 $0x1, s6  }
0xa: {  	s7 =	smul.u32 $0x9C40, s12;
	s9 =	sadd.s32 $0xF8C00, s0;
	s22 =	sshll.u32 s12, $0x6  }
0xb: {  	_ =	strace $0x8000004A;
	s8 =	smul.u32 $0x138800, s6;
	s6 =	ssub.s32 $0x2, s6  }
0xc: {  	s15 =	sor.u32 $0x1C05, s22;
	s22 =	simm.s32 $0x3;
	s10 =	sadd.s32 s5, s0  }
0xd: {  	s0 =	sadd.s32 $0x5C800, s0;
	s11 =	sshrl.u32 s6, $0x1;
	s13 =	sadd.s32 s7, s2  }
0xe: {  	s16 =	sadd.s32 s5, s1;
	s1 =	simm.s32 $0xF00;
	s5 =	simm.s32 $0x1180  }
0xf: {  	[dreg:$0x6] =	wrdreg s15;
	s8 =	sadd.s32 s7, s8;
	s6 =	ssub.s32 s6, s11  }
0x10: {  	s7 =	sadd.s32 s7, s3;
	s12 =	sadd.s32 $0x9600, s10;
	s26 =	sshrl.u32 s13, $0x3  }
0x11: {  	s10 =	simm.s32 $0x8C0;
	s11 =	simm.s32 $0x12C0;
	s8 =	sshrl.u32 s8, $0x3  }
0x12: {  	s25 =	smax.u32 s6, $0x1;
	[dreg:$0xb] =	wrdreg s26;
	s13 =	sshrl.u32 s7, $0x3  }
0x13: {  	s26 =	simm.s32 $0xB40;
	s7 =	simm.s32 $0x780;
	[dreg:$0xa] =	wrdreg s25  }
0x14: {  	s23 =	sadd.s32 s9, s8;
	s24 =	sadd.s32 s0, s8;
	[dreg:$0xc] =	wrdreg s13  }
0x15: {  	s8 =	sadd.s32 $0x13880, s8;
	s25 =	simm.s32 $0x4;
	[dreg:$0x5] =	wrdreg s23  }
0x16: {  	[dreg:$0x7] =	wrdreg s24;
	s9 =	sadd.s32 s9, s8;
	s0 =	sadd.s32 s0, s8  }
0x17: {  	s24 =	simm.s32 $0x280;
	s8 =	simm.s32 $0x0;
	[dreg:$0x8] =	wrdreg s9  }
0x18: {  	[dreg:$0x9] =	wrdreg s0;
	s0 =	simm.s32 $0x640;
	s9 =	simm.s32 $0x1040  }
.LBB2_1:
0x19: {  	[dreg:$0xd] =	wrdreg s8  }
0x1a: {  	s6 =	rddreg [dreg:$0x5]  }
0x1b: {  	s23 =	rddreg [dreg:$0xb]  }
0x1c: {  	[spmem:s23], [sflag:s15] =	dma.local [hbm:s6], $0x1388  }
0x1d: {  	_ =	swait.ge [sflag:s14], $0x1388  }
0x1e: {  	[sflag:s14] =	ssyncset.done $0x0  }
0x1f: {  	[sflag:s14] =	ssyncadd.s32 $0xFFFFEC78  }
0x20: {  	[spmem:s13], [sflag:s15] =	dma.local [hbm:s6], $0x1388  }
0x21: {  	_ =	swait.ge [sflag:s14], $0x1388  }
0x22: {  	[sflag:s14] =	ssyncset.done $0x0  }
0x23: {  	[sflag:s14] =	ssyncadd.s32 $0xFFFFEC78  }
0x24: {  	s13 =	sadd.s32 $0x0, s12;
	[bflag:$0x0] =	sbarrier.arrive $0xFFFF  }
0x25: {  	[tilespmem:s4], [sflag:$0x5] =	stream.linear.gather [hbm4b:s13+s4], $0xA00, $0x38;
	[tilespmem:$0x1ECA0] =	vst v63  }
0x26: {  	_ =	swait.ge [sflag:s14], $0xA00  }
0x27: {  	[sflag:s14] =	ssyncset.done $0x0  }
0x28: {  	s23 =	simm.s32 $0xA00;
	s15 =	sadd.s32 $0x0, s16;
	[sflag:s14] =	ssyncadd.s32 $0xFFFFF600  }
0x29: {  	[tilespmem:s23], [sflag:$0x5] =	stream.linear.gather [hbm4b:s15+s4], $0xA00, $0x38;
	[tilespmem:$0x1ECA0] =	vst v63  }
0x2a: {  	_ =	swait.ge [sflag:s14], $0xA00  }
0x2b: {  	[sflag:s14] =	ssyncset.done $0x0  }
0x2c: {  	[sflag:s14] =	ssyncadd.s32 $0xFFFFF600  }
0x2d: {  	[tilespmem:s18], [sflag:$0x1] =	stream.indirect.gather [spmem:s2], $0x40, s4, s17, $0xb8;
	[tilespmem:$0x1ECA0] =	vst v63  }
0x2e: {  	_ =	swait.ge [sflag:s19], $0x5000  }
0x2f: {  	[sflag:s19] =	ssyncset.done $0x0  }
0x30: {  	[sflag:s19] =	ssyncadd.s32 $0xFFFFB000  }
0x31: {  	[tilespmem:s20], [sflag:$0x2] =	stream.indirect.gather [spmem:s2], $0x40, s17, s17, $0xb8;
	[tilespmem:$0x1ECA0] =	vst v63  }
0x32: {  	_ = 	snop  }
0x33: {  	[spmem:s3] =	stream.indirect.scatter.add.f32 [tilespmem:s18], [sflag:$0x3], $0x40, s23, s17, $0xb8;
	[tilespmem:$0x1ECA0] =	vst v63  }
0x34: {  	_ =	swait.ge [sflag:s21], $0x5000  }
0x35: {  	[sflag:s21] =	ssyncset.done $0x0  }
0x36: {  	[sflag:s21] =	ssyncadd.s32 $0xFFFFB000  }
0x37: {  	_ =	swait.ge [sflag:s22], $0x5000  }
0x38: {  	[sflag:s22] =	ssyncset.done $0x0  }
0x39: {  	[sflag:s22] =	ssyncadd.s32 $0xFFFFB000  }
0x3a: {  	[tilespmem:s18], [sflag:$0x1] =	stream.indirect.gather [spmem:s2], $0x40, s24, s17, $0xb8;
	[tilespmem:$0x1ECA0] =	vst v63  }
0x3b: {  	_ = 	snop  }
0x3c: {  	[spmem:s3] =	stream.indirect.scatter.add.f32 [tilespmem:s20], [sflag:$0x4], $0x40, s26, s17, $0xb8;
	[tilespmem:$0x1ECA0] =	vst v63  }
0x3d: {  	_ =	swait.ge [sflag:s19], $0x5000  }
0x3e: {  	[sflag:s19] =	ssyncset.done $0x0  }
0x3f: {  	[sflag:s19] =	ssyncadd.s32 $0xFFFFB000  }
0x40: {  	_ =	swait.ge [sflag:s25], $0x5000  }
0x41: {  	[sflag:s25] =	ssyncset.done $0x0  }
0x42: {  	[sflag:s25] =	ssyncadd.s32 $0xFFFFB000  }
0x43: {  	[tilespmem:s20], [sflag:$0x2] =	stream.indirect.gather [spmem:s2], $0x40, s28, s17, $0xb8;
	[tilespmem:$0x1ECA0] =	vst v63  }
0x44: {  	_ = 	snop  }
0x45: {  	[spmem:s3] =	stream.indirect.scatter.add.f32 [tilespmem:s18], [sflag:$0x3], $0x40, s29, s17, $0xb8;
	[tilespmem:$0x1ECA0] =	vst v63  }
0x46: {  	_ =	swait.ge [sflag:s21], $0x5000  }
0x47: {  	[sflag:s21] =	ssyncset.done $0x0  }
0x48: {  	[sflag:s21] =	ssyncadd.s32 $0xFFFFB000  }
0x49: {  	_ =	swait.ge [sflag:s22], $0x5000  }
0x4a: {  	[sflag:s22] =	ssyncset.done $0x0  }
0x4b: {  	[sflag:s22] =	ssyncadd.s32 $0xFFFFB000  }
0x4c: {  	[tilespmem:s18], [sflag:$0x1] =	stream.indirect.gather [spmem:s2], $0x40, s30, s17, $0xb8;
	[tilespmem:$0x1ECA0] =	vst v63  }
0x4d: {  	_ = 	snop  }
0x4e: {  	[spmem:s3] =	stream.indirect.scatter.add.f32 [tilespmem:s20], [sflag:$0x4], $0x40, s31, s17, $0xb8;
	[tilespmem:$0x1ECA0] =	vst v63  }
0x4f: {  	_ =	swait.ge [sflag:s19], $0x5000  }
0x50: {  	[sflag:s19] =	ssyncset.done $0x0  }
0x51: {  	[sflag:s19] =	ssyncadd.s32 $0xFFFFB000  }
0x52: {  	_ =	swait.ge [sflag:s25], $0x5000  }
0x53: {  	[sflag:s25] =	ssyncset.done $0x0  }
0x54: {  	[sflag:s25] =	ssyncadd.s32 $0xFFFFB000  }
0x55: {  	[tilespmem:s20], [sflag:$0x2] =	stream.indirect.gather [spmem:s2], $0x40, s0, s17, $0xb8;
	[tilespmem:$0x1ECA0] =	vst v63  }
0x56: {  	_ = 	snop  }
0x57: {  	[spmem:s3] =	stream.indirect.scatter.add.f32 [tilespmem:s18], [sflag:$0x3], $0x40, s1, s17, $0xb8;
	[tilespmem:$0x1ECA0] =	vst v63  }
0x58: {  	_ =	swait.ge [sflag:s21], $0x5000  }
0x59: {  	[sflag:s21] =	ssyncset.done $0x0  }
0x5a: {  	[sflag:s21] =	ssyncadd.s32 $0xFFFFB000  }
0x5b: {  	_ =	swait.ge [sflag:s22], $0x5000  }
0x5c: {  	[sflag:s22] =	ssyncset.done $0x0  }
0x5d: {  	[sflag:s22] =	ssyncadd.s32 $0xFFFFB000  }
0x5e: {  	[tilespmem:s18], [sflag:$0x1] =	stream.indirect.gather [spmem:s2], $0x40, s7, s17, $0xb8;
	[tilespmem:$0x1ECA0] =	vst v63  }
0x5f: {  	_ = 	snop  }
0x60: {  	[spmem:s3] =	stream.indirect.scatter.add.f32 [tilespmem:s20], [sflag:$0x4], $0x40, s9, s17, $0xb8;
	[tilespmem:$0x1ECA0] =	vst v63  }
0x61: {  	_ =	swait.ge [sflag:s19], $0x5000  }
0x62: {  	[sflag:s19] =	ssyncset.done $0x0  }
0x63: {  	[sflag:s19] =	ssyncadd.s32 $0xFFFFB000  }
0x64: {  	_ =	swait.ge [sflag:s25], $0x5000  }
0x65: {  	[sflag:s25] =	ssyncset.done $0x0  }
0x66: {  	[sflag:s25] =	ssyncadd.s32 $0xFFFFB000  }
0x67: {  	[tilespmem:s20], [sflag:$0x2] =	stream.indirect.gather [spmem:s2], $0x40, s10, s17, $0xb8;
	[tilespmem:$0x1ECA0] =	vst v63  }
0x68: {  	_ = 	snop  }
0x69: {  	[spmem:s3] =	stream.indirect.scatter.add.f32 [tilespmem:s18], [sflag:$0x3], $0x40, s5, s17, $0xb8;
	[tilespmem:$0x1ECA0] =	vst v63  }
0x6a: {  	_ =	swait.ge [sflag:s21], $0x5000  }
0x6b: {  	[sflag:s21] =	ssyncset.done $0x0  }
0x6c: {  	[sflag:s21] =	ssyncadd.s32 $0xFFFFB000  }
0x6d: {  	[spmem:s3] =	stream.indirect.scatter.add.f32 [tilespmem:s20], [sflag:$0x4], $0x40, s11, s17, $0xb8;
	[tilespmem:$0x1ECA0] =	vst v63  }
0x6e: {  	_ =	swait.ge [sflag:s22], $0x5000  }
0x6f: {  	[sflag:s22] =	ssyncset.done $0x0  }
0x70: {  	[sflag:s22] =	ssyncadd.s32 $0xFFFFB000  }
0x71: {  	_ =	swait.ge [sflag:s25], $0x5000  }
0x72: {  	s13 =	simm.s32 $0x140;
	s15 =	simm.s32 $0x280;
	[sflag:s25] =	ssyncset.done $0x0  }
.LBB2_2:
0x73: {  	s8 =	sadd.s32 s13, s12  }
0x74: {  	[sflag:s25] =	ssyncadd.s32 $0xFFFFB000;
	s23 =	smov.u32 s15;
	s6 =	sadd.s32 $0x140, s15  }
0x75: {  	[tilespmem:s4], [sflag:$0x5] =	stream.linear.gather [hbm4b:s8+s4], $0xA00, $0x38;
	[tilespmem:$0x1ECA0] =	vst v63  }
0x76: {  	p0 =	sne.s32 s15, $0x3C0;
	_ =	swait.ge [sflag:s14], $0xA00  }
0x77: {  	s15 =	simm.s32 $0xA00;
	[sflag:s14] =	ssyncset.done $0x0  }
0x78: {  	s8 =	sadd.s32 s13, s16;
	s13 =	smov.u32 s23;
	[sflag:s14] =	ssyncadd.s32 $0xFFFFF600  }
0x79: {  	[tilespmem:s15], [sflag:$0x5] =	stream.linear.gather [hbm4b:s8+s4], $0xA00, $0x38;
	[tilespmem:$0x1ECA0] =	vst v63  }
0x7a: {  	_ =	swait.ge [sflag:s14], $0xA00  }
0x7b: {  	[sflag:s14] =	ssyncset.done $0x0  }
0x7c: {  	[sflag:s14] =	ssyncadd.s32 $0xFFFFF600  }
0x7d: {  	[tilespmem:s18], [sflag:$0x1] =	stream.indirect.gather [spmem:s2], $0x40, s4, s17, $0xb8;
	[tilespmem:$0x1ECA0] =	vst v63  }
0x7e: {  	_ =	swait.ge [sflag:s19], $0x5000  }
0x7f: {  	[sflag:s19] =	ssyncset.done $0x0  }
0x80: {  	[sflag:s19] =	ssyncadd.s32 $0xFFFFB000  }
0x81: {  	[tilespmem:s20], [sflag:$0x2] =	stream.indirect.gather [spmem:s2], $0x40, s17, s17, $0xb8;
	[tilespmem:$0x1ECA0] =	vst v63  }
0x82: {  	_ = 	snop  }
0x83: {  	[spmem:s3] =	stream.indirect.scatter.add.f32 [tilespmem:s18], [sflag:$0x3], $0x40, s15, s17, $0xb8;
	[tilespmem:$0x1ECA0] =	vst v63  }
0x84: {  	_ =	swait.ge [sflag:s21], $0x5000  }
0x85: {  	[sflag:s21] =	ssyncset.done $0x0  }
0x86: {  	[sflag:s21] =	ssyncadd.s32 $0xFFFFB000  }
0x87: {  	_ =	swait.ge [sflag:s22], $0x5000  }
0x88: {  	[sflag:s22] =	ssyncset.done $0x0  }
0x89: {  	[sflag:s22] =	ssyncadd.s32 $0xFFFFB000  }
0x8a: {  	[tilespmem:s18], [sflag:$0x1] =	stream.indirect.gather [spmem:s2], $0x40, s24, s17, $0xb8;
	[tilespmem:$0x1ECA0] =	vst v63  }
0x8b: {  	_ = 	snop  }
0x8c: {  	[spmem:s3] =	stream.indirect.scatter.add.f32 [tilespmem:s20], [sflag:$0x4], $0x40, s26, s17, $0xb8;
	[tilespmem:$0x1ECA0] =	vst v63  }
0x8d: {  	_ =	swait.ge [sflag:s19], $0x5000  }
0x8e: {  	[sflag:s19] =	ssyncset.done $0x0  }
0x8f: {  	[sflag:s19] =	ssyncadd.s32 $0xFFFFB000  }
0x90: {  	_ =	swait.ge [sflag:s25], $0x5000  }
0x91: {  	[sflag:s25] =	ssyncset.done $0x0  }
0x92: {  	[sflag:s25] =	ssyncadd.s32 $0xFFFFB000  }
0x93: {  	[tilespmem:s20], [sflag:$0x2] =	stream.indirect.gather [spmem:s2], $0x40, s28, s17, $0xb8;
	[tilespmem:$0x1ECA0] =	vst v63  }
0x94: {  	_ = 	snop  }
0x95: {  	[spmem:s3] =	stream.indirect.scatter.add.f32 [tilespmem:s18], [sflag:$0x3], $0x40, s29, s17, $0xb8;
	[tilespmem:$0x1ECA0] =	vst v63  }
0x96: {  	_ =	swait.ge [sflag:s21], $0x5000  }
0x97: {  	[sflag:s21] =	ssyncset.done $0x0  }
0x98: {  	[sflag:s21] =	ssyncadd.s32 $0xFFFFB000  }
0x99: {  	_ =	swait.ge [sflag:s22], $0x5000  }
0x9a: {  	[sflag:s22] =	ssyncset.done $0x0  }
0x9b: {  	[sflag:s22] =	ssyncadd.s32 $0xFFFFB000  }
0x9c: {  	[tilespmem:s18], [sflag:$0x1] =	stream.indirect.gather [spmem:s2], $0x40, s30, s17, $0xb8;
	[tilespmem:$0x1ECA0] =	vst v63  }
0x9d: {  	_ = 	snop  }
0x9e: {  	[spmem:s3] =	stream.indirect.scatter.add.f32 [tilespmem:s20], [sflag:$0x4], $0x40, s31, s17, $0xb8;
	[tilespmem:$0x1ECA0] =	vst v63  }
0x9f: {  	_ =	swait.ge [sflag:s19], $0x5000  }
0xa0: {  	[sflag:s19] =	ssyncset.done $0x0  }
0xa1: {  	[sflag:s19] =	ssyncadd.s32 $0xFFFFB000  }
0xa2: {  	_ =	swait.ge [sflag:s25], $0x5000  }
0xa3: {  	[sflag:s25] =	ssyncset.done $0x0  }
0xa4: {  	[sflag:s25] =	ssyncadd.s32 $0xFFFFB000  }
0xa5: {  	[tilespmem:s20], [sflag:$0x2] =	stream.indirect.gather [spmem:s2], $0x40, s0, s17, $0xb8;
	[tilespmem:$0x1ECA0] =	vst v63  }
0xa6: {  	_ = 	snop  }
0xa7: {  	[spmem:s3] =	stream.indirect.scatter.add.f32 [tilespmem:s18], [sflag:$0x3], $0x40, s1, s17, $0xb8;
	[tilespmem:$0x1ECA0] =	vst v63  }
0xa8: {  	_ =	swait.ge [sflag:s21], $0x5000  }
0xa9: {  	[sflag:s21] =	ssyncset.done $0x0  }
0xaa: {  	[sflag:s21] =	ssyncadd.s32 $0xFFFFB000  }
0xab: {  	_ =	swait.ge [sflag:s22], $0x5000  }
0xac: {  	[sflag:s22] =	ssyncset.done $0x0  }
0xad: {  	[sflag:s22] =	ssyncadd.s32 $0xFFFFB000  }
0xae: {  	[tilespmem:s18], [sflag:$0x1] =	stream.indirect.gather [spmem:s2], $0x40, s7, s17, $0xb8;
	[tilespmem:$0x1ECA0] =	vst v63  }
0xaf: {  	_ = 	snop  }
0xb0: {  	[spmem:s3] =	stream.indirect.scatter.add.f32 [tilespmem:s20], [sflag:$0x4], $0x40, s9, s17, $0xb8;
	[tilespmem:$0x1ECA0] =	vst v63  }
0xb1: {  	_ =	swait.ge [sflag:s19], $0x5000  }
0xb2: {  	[sflag:s19] =	ssyncset.done $0x0  }
0xb3: {  	[sflag:s19] =	ssyncadd.s32 $0xFFFFB000  }
0xb4: {  	_ =	swait.ge [sflag:s25], $0x5000  }
0xb5: {  	[sflag:s25] =	ssyncset.done $0x0  }
0xb6: {  	[sflag:s25] =	ssyncadd.s32 $0xFFFFB000  }
0xb7: {  	[tilespmem:s20], [sflag:$0x2] =	stream.indirect.gather [spmem:s2], $0x40, s10, s17, $0xb8;
	[tilespmem:$0x1ECA0] =	vst v63  }
0xb8: {  	_ = 	snop  }
0xb9: {  	[spmem:s3] =	stream.indirect.scatter.add.f32 [tilespmem:s18], [sflag:$0x3], $0x40, s5, s17, $0xb8;
	[tilespmem:$0x1ECA0] =	vst v63  }
0xba: {  	_ =	swait.ge [sflag:s21], $0x5000  }
0xbb: {  	[sflag:s21] =	ssyncset.done $0x0  }
0xbc: {  	[sflag:s21] =	ssyncadd.s32 $0xFFFFB000  }
0xbd: {  	[spmem:s3] =	stream.indirect.scatter.add.f32 [tilespmem:s20], [sflag:$0x4], $0x40, s11, s17, $0xb8;
	[tilespmem:$0x1ECA0] =	vst v63  }
.Ltmp0:
0xbe: {  	_ =	swait.ge [sflag:s22], $0x5000;
	(pc) =	sbr.rel @p0 .LBB2_2-.Ltmp0, $4  }
0xbf: {  	[sflag:s22] =	ssyncset.done $0x0  }
0xc0: {  	[sflag:s22] =	ssyncadd.s32 $0xFFFFB000  }
0xc1: {  	_ =	swait.ge [sflag:s25], $0x5000  }
0xc2: {  	s15 =	smov.u32 s6;
	[sflag:s25] =	ssyncset.done $0x0  }
0xc3: {  	s6 =	sadd.s32 s13, s12;
	[sflag:s25] =	ssyncadd.s32 $0xFFFFB000  }
0xc4: {  	[tilespmem:s4], [sflag:$0x5] =	stream.linear.gather [hbm4b:s6+s4], $0xA00, $0x38;
	[tilespmem:$0x1ECA0] =	vst v63  }
0xc5: {  	_ =	swait.ge [sflag:s14], $0xA00  }
0xc6: {  	[sflag:s14] =	ssyncset.done $0x0  }
0xc7: {  	s13 =	sadd.s32 s13, s16;
	s5 =	simm.s32 $0xA00;
	[sflag:s14] =	ssyncadd.s32 $0xFFFFF600  }
0xc8: {  	[tilespmem:s5], [sflag:$0x5] =	stream.linear.gather [hbm4b:s13+s4], $0xA00, $0x38;
	[tilespmem:$0x1ECA0] =	vst v63  }
0xc9: {  	_ =	swait.ge [sflag:s14], $0xA00  }
0xca: {  	[sflag:s14] =	ssyncset.done $0x0  }
0xcb: {  	[sflag:s14] =	ssyncadd.s32 $0xFFFFF600  }
0xcc: {  	[tilespmem:s18], [sflag:$0x1] =	stream.indirect.gather [spmem:s2], $0x40, s4, s17, $0xb8;
	[tilespmem:$0x1ECA0] =	vst v63  }
0xcd: {  	_ =	swait.ge [sflag:s19], $0x5000  }
0xce: {  	[sflag:s19] =	ssyncset.done $0x0  }
0xcf: {  	[sflag:s19] =	ssyncadd.s32 $0xFFFFB000  }
0xd0: {  	[tilespmem:s20], [sflag:$0x2] =	stream.indirect.gather [spmem:s2], $0x40, s17, s17, $0xb8;
	[tilespmem:$0x1ECA0] =	vst v63  }
0xd1: {  	_ = 	snop  }
0xd2: {  	[spmem:s3] =	stream.indirect.scatter.add.f32 [tilespmem:s18], [sflag:$0x3], $0x40, s5, s17, $0xb8;
	[tilespmem:$0x1ECA0] =	vst v63  }
0xd3: {  	_ =	swait.ge [sflag:s21], $0x5000  }
0xd4: {  	[sflag:s21] =	ssyncset.done $0x0  }
0xd5: {  	[sflag:s21] =	ssyncadd.s32 $0xFFFFB000  }
0xd6: {  	_ =	swait.ge [sflag:s22], $0x5000  }
0xd7: {  	[sflag:s22] =	ssyncset.done $0x0  }
0xd8: {  	s23 =	simm.s32 $0x280;
	[sflag:s22] =	ssyncadd.s32 $0xFFFFB000  }
0xd9: {  	[tilespmem:s18], [sflag:$0x1] =	stream.indirect.gather [spmem:s2], $0x40, s23, s17, $0xb8;
	[tilespmem:$0x1ECA0] =	vst v63  }
0xda: {  	s7 =	simm.s32 $0xB40  }
0xdb: {  	[spmem:s3] =	stream.indirect.scatter.add.f32 [tilespmem:s20], [sflag:$0x4], $0x40, s7, s17, $0xb8;
	[tilespmem:$0x1ECA0] =	vst v63  }
0xdc: {  	_ =	swait.ge [sflag:s19], $0x5000  }
0xdd: {  	[sflag:s19] =	ssyncset.done $0x0  }
0xde: {  	[sflag:s19] =	ssyncadd.s32 $0xFFFFB000  }
0xdf: {  	_ =	swait.ge [sflag:s25], $0x5000  }
0xe0: {  	[sflag:s25] =	ssyncset.done $0x0  }
0xe1: {  	s9 =	simm.s32 $0x3C0;
	[sflag:s25] =	ssyncadd.s32 $0xFFFFB000  }
0xe2: {  	[tilespmem:s20], [sflag:$0x2] =	stream.indirect.gather [spmem:s2], $0x40, s9, s17, $0xb8;
	[tilespmem:$0x1ECA0] =	vst v63  }
0xe3: {  	s10 =	simm.s32 $0xC80  }
0xe4: {  	[spmem:s3] =	stream.indirect.scatter.add.f32 [tilespmem:s18], [sflag:$0x3], $0x40, s10, s17, $0xb8;
	[tilespmem:$0x1ECA0] =	vst v63  }
0xe5: {  	_ =	swait.ge [sflag:s21], $0x5000  }
0xe6: {  	[sflag:s21] =	ssyncset.done $0x0  }
0xe7: {  	[sflag:s21] =	ssyncadd.s32 $0xFFFFB000  }
0xe8: {  	_ =	swait.ge [sflag:s22], $0x5000  }
0xe9: {  	[sflag:s22] =	ssyncset.done $0x0  }
0xea: {  	s11 =	simm.s32 $0x500;
	[sflag:s22] =	ssyncadd.s32 $0xFFFFB000  }
0xeb: {  	[tilespmem:s18], [sflag:$0x1] =	stream.indirect.gather [spmem:s2], $0x40, s11, s17, $0xb8;
	[tilespmem:$0x1ECA0] =	vst v63  }
0xec: {  	s15 =	simm.s32 $0xDC0  }
0xed: {  	[spmem:s3] =	stream.indirect.scatter.add.f32 [tilespmem:s20], [sflag:$0x4], $0x40, s15, s17, $0xb8;
	[tilespmem:$0x1ECA0] =	vst v63  }
0xee: {  	_ =	swait.ge [sflag:s19], $0x5000  }
0xef: {  	[sflag:s19] =	ssyncset.done $0x0  }
0xf0: {  	[sflag:s19] =	ssyncadd.s32 $0xFFFFB000  }
0xf1: {  	_ =	swait.ge [sflag:s25], $0x5000  }
0xf2: {  	[sflag:s25] =	ssyncset.done $0x0  }
0xf3: {  	s24 =	simm.s32 $0x640;
	[sflag:s25] =	ssyncadd.s32 $0xFFFFB000  }
0xf4: {  	[tilespmem:s20], [sflag:$0x2] =	stream.indirect.gather [spmem:s2], $0x40, s24, s17, $0xb8;
	[tilespmem:$0x1ECA0] =	vst v63  }
0xf5: {  	s26 =	simm.s32 $0xF00  }
0xf6: {  	[spmem:s3] =	stream.indirect.scatter.add.f32 [tilespmem:s18], [sflag:$0x3], $0x40, s26, s17, $0xb8;
	[tilespmem:$0x1ECA0] =	vst v63  }
0xf7: {  	_ =	swait.ge [sflag:s21], $0x5000  }
0xf8: {  	[sflag:s21] =	ssyncset.done $0x0  }
0xf9: {  	[sflag:s21] =	ssyncadd.s32 $0xFFFFB000  }
0xfa: {  	_ =	swait.ge [sflag:s22], $0x5000  }
0xfb: {  	[sflag:s22] =	ssyncset.done $0x0  }
0xfc: {  	s0 =	simm.s32 $0x780;
	[sflag:s22] =	ssyncadd.s32 $0xFFFFB000  }
0xfd: {  	[tilespmem:s18], [sflag:$0x1] =	stream.indirect.gather [spmem:s2], $0x40, s0, s17, $0xb8;
	[tilespmem:$0x1ECA0] =	vst v63  }
0xfe: {  	s1 =	simm.s32 $0x1040  }
0xff: {  	[spmem:s3] =	stream.indirect.scatter.add.f32 [tilespmem:s20], [sflag:$0x4], $0x40, s1, s17, $0xb8;
	[tilespmem:$0x1ECA0] =	vst v63  }
0x100: {  	_ =	swait.ge [sflag:s19], $0x5000  }
0x101: {  	[sflag:s19] =	ssyncset.done $0x0  }
0x102: {  	[sflag:s19] =	ssyncadd.s32 $0xFFFFB000  }
0x103: {  	_ =	swait.ge [sflag:s25], $0x5000  }
0x104: {  	[sflag:s25] =	ssyncset.done $0x0  }
0x105: {  	s8 =	simm.s32 $0x8C0;
	[sflag:s25] =	ssyncadd.s32 $0xFFFFB000  }
0x106: {  	[tilespmem:s20], [sflag:$0x2] =	stream.indirect.gather [spmem:s2], $0x40, s8, s17, $0xb8;
	[tilespmem:$0x1ECA0] =	vst v63  }
0x107: {  	s13 =	simm.s32 $0x1180  }
0x108: {  	[spmem:s3] =	stream.indirect.scatter.add.f32 [tilespmem:s18], [sflag:$0x3], $0x40, s13, s17, $0xb8;
	[tilespmem:$0x1ECA0] =	vst v63  }
0x109: {  	_ =	swait.ge [sflag:s21], $0x5000  }
0x10a: {  	[sflag:s21] =	ssyncset.done $0x0  }
0x10b: {  	s15 =	simm.s32 $0x12C0;
	[sflag:s21] =	ssyncadd.s32 $0xFFFFB000  }
0x10c: {  	[spmem:s3] =	stream.indirect.scatter.add.f32 [tilespmem:s20], [sflag:$0x4], $0x40, s15, s17, $0xb8;
	[tilespmem:$0x1ECA0] =	vst v63  }
0x10d: {  	_ =	swait.ge [sflag:s22], $0x5000  }
0x10e: {  	[sflag:s22] =	ssyncset.done $0x0  }
0x10f: {  	[sflag:s22] =	ssyncadd.s32 $0xFFFFB000  }
0x110: {  	_ =	swait.ge [sflag:s25], $0x5000  }
0x111: {  	[sflag:s25] =	ssyncset.done $0x0  }
0x112: {  	[sflag:s25] =	ssyncadd.s32 $0xFFFFB000  }
0x113: {  	[bflag:$0x0] =	sbarrier.arrive $0xFFFF  }
0x114: {  	s24 =	rddreg [dreg:$0x6]  }
0x115: {  	s8 =	rddreg [dreg:$0x7]  }
0x116: {  	s15 =	rddreg [dreg:$0xc]  }
0x117: {  	[hbm:s8], [sflag:s24] =	dma.local [spmem:s15], $0x1388  }
0x118: {  	_ =	swait.ge [sflag:s14], $0x1388  }
0x119: {  	[sflag:s14] =	ssyncset.done $0x0  }
0x11a: {  	[sflag:s14] =	ssyncadd.s32 $0xFFFFEC78  }
0x11b: {  	[bflag:$0x0] =	sbarrier.arrive $0xFFFF  }
0x11c: {  	s26 =	rddreg [dreg:$0x8]  }
0x11d: {  	s0 =	rddreg [dreg:$0xb]  }
0x11e: {  	[spmem:s0], [sflag:s24] =	dma.local [hbm:s26], $0x1388  }
0x11f: {  	_ =	swait.ge [sflag:s14], $0x1388  }
0x120: {  	[sflag:s14] =	ssyncset.done $0x0  }
0x121: {  	[sflag:s14] =	ssyncadd.s32 $0xFFFFEC78  }
0x122: {  	[spmem:s15], [sflag:s24] =	dma.local [hbm:s26], $0x1388  }
0x123: {  	_ =	swait.ge [sflag:s14], $0x1388  }
0x124: {  	[sflag:s14] =	ssyncset.done $0x0  }
0x125: {  	[sflag:s14] =	ssyncadd.s32 $0xFFFFEC78  }
0x126: {  	s1 =	sadd.s32 $0x0, s12;
	[bflag:$0x0] =	sbarrier.arrive $0xFFFF  }
0x127: {  	[tilespmem:s4], [sflag:$0x5] =	stream.linear.gather [hbm4b:s1+s4], $0xA00, $0x38;
	[tilespmem:$0x1ECA0] =	vst v63  }
0x128: {  	_ =	swait.ge [sflag:s14], $0xA00  }
0x129: {  	[sflag:s14] =	ssyncset.done $0x0  }
0x12a: {  	s8 =	sadd.s32 $0x0, s16;
	[sflag:s14] =	ssyncadd.s32 $0xFFFFF600  }
0x12b: {  	[tilespmem:s5], [sflag:$0x5] =	stream.linear.gather [hbm4b:s8+s4], $0xA00, $0x38;
	[tilespmem:$0x1ECA0] =	vst v63  }
0x12c: {  	_ =	swait.ge [sflag:s14], $0xA00  }
0x12d: {  	[sflag:s14] =	ssyncset.done $0x0  }
0x12e: {  	[sflag:s14] =	ssyncadd.s32 $0xFFFFF600  }
0x12f: {  	[tilespmem:s18], [sflag:$0x1] =	stream.indirect.gather [spmem:s2], $0x40, s4, s17, $0xb8;
	[tilespmem:$0x1ECA0] =	vst v63  }
0x130: {  	_ =	swait.ge [sflag:s19], $0x5000  }
0x131: {  	[sflag:s19] =	ssyncset.done $0x0  }
0x132: {  	[sflag:s19] =	ssyncadd.s32 $0xFFFFB000  }
0x133: {  	[tilespmem:s20], [sflag:$0x2] =	stream.indirect.gather [spmem:s2], $0x40, s17, s17, $0xb8;
	[tilespmem:$0x1ECA0] =	vst v63  }
0x134: {  	_ = 	snop  }
0x135: {  	[spmem:s3] =	stream.indirect.scatter.add.f32 [tilespmem:s18], [sflag:$0x3], $0x40, s5, s17, $0xb8;
	[tilespmem:$0x1ECA0] =	vst v63  }
0x136: {  	_ =	swait.ge [sflag:s21], $0x5000  }
0x137: {  	[sflag:s21] =	ssyncset.done $0x0  }
0x138: {  	[sflag:s21] =	ssyncadd.s32 $0xFFFFB000  }
0x139: {  	_ =	swait.ge [sflag:s22], $0x5000  }
0x13a: {  	[sflag:s22] =	ssyncset.done $0x0  }
0x13b: {  	[sflag:s22] =	ssyncadd.s32 $0xFFFFB000  }
0x13c: {  	[tilespmem:s18], [sflag:$0x1] =	stream.indirect.gather [spmem:s2], $0x40, s23, s17, $0xb8;
	[tilespmem:$0x1ECA0] =	vst v63  }
0x13d: {  	_ = 	snop  }
0x13e: {  	[spmem:s3] =	stream.indirect.scatter.add.f32 [tilespmem:s20], [sflag:$0x4], $0x40, s7, s17, $0xb8;
	[tilespmem:$0x1ECA0] =	vst v63  }
0x13f: {  	_ =	swait.ge [sflag:s19], $0x5000  }
0x140: {  	[sflag:s19] =	ssyncset.done $0x0  }
0x141: {  	[sflag:s19] =	ssyncadd.s32 $0xFFFFB000  }
0x142: {  	_ =	swait.ge [sflag:s25], $0x5000  }
0x143: {  	[sflag:s25] =	ssyncset.done $0x0  }
0x144: {  	[sflag:s25] =	ssyncadd.s32 $0xFFFFB000  }
0x145: {  	[tilespmem:s20], [sflag:$0x2] =	stream.indirect.gather [spmem:s2], $0x40, s9, s17, $0xb8;
	[tilespmem:$0x1ECA0] =	vst v63  }
0x146: {  	_ = 	snop  }
0x147: {  	[spmem:s3] =	stream.indirect.scatter.add.f32 [tilespmem:s18], [sflag:$0x3], $0x40, s10, s17, $0xb8;
	[tilespmem:$0x1ECA0] =	vst v63  }
0x148: {  	_ =	swait.ge [sflag:s21], $0x5000  }
0x149: {  	[sflag:s21] =	ssyncset.done $0x0  }
0x14a: {  	[sflag:s21] =	ssyncadd.s32 $0xFFFFB000  }
0x14b: {  	_ =	swait.ge [sflag:s22], $0x5000  }
0x14c: {  	[sflag:s22] =	ssyncset.done $0x0  }
0x14d: {  	[sflag:s22] =	ssyncadd.s32 $0xFFFFB000  }
0x14e: {  	[tilespmem:s18], [sflag:$0x1] =	stream.indirect.gather [spmem:s2], $0x40, s11, s17, $0xb8;
	[tilespmem:$0x1ECA0] =	vst v63  }
0x14f: {  	s0 =	simm.s32 $0xDC0  }
0x150: {  	[spmem:s3] =	stream.indirect.scatter.add.f32 [tilespmem:s20], [sflag:$0x4], $0x40, s0, s17, $0xb8;
	[tilespmem:$0x1ECA0] =	vst v63  }
0x151: {  	_ =	swait.ge [sflag:s19], $0x5000  }
0x152: {  	[sflag:s19] =	ssyncset.done $0x0  }
0x153: {  	[sflag:s19] =	ssyncadd.s32 $0xFFFFB000  }
0x154: {  	_ =	swait.ge [sflag:s25], $0x5000  }
0x155: {  	[sflag:s25] =	ssyncset.done $0x0  }
0x156: {  	s1 =	simm.s32 $0x640;
	[sflag:s25] =	ssyncadd.s32 $0xFFFFB000  }
0x157: {  	[tilespmem:s20], [sflag:$0x2] =	stream.indirect.gather [spmem:s2], $0x40, s1, s17, $0xb8;
	[tilespmem:$0x1ECA0] =	vst v63  }
0x158: {  	s9 =	simm.s32 $0xF00  }
0x159: {  	[spmem:s3] =	stream.indirect.scatter.add.f32 [tilespmem:s18], [sflag:$0x3], $0x40, s9, s17, $0xb8;
	[tilespmem:$0x1ECA0] =	vst v63  }
0x15a: {  	_ =	swait.ge [sflag:s21], $0x5000  }
0x15b: {  	[sflag:s21] =	ssyncset.done $0x0  }
0x15c: {  	[sflag:s21] =	ssyncadd.s32 $0xFFFFB000  }
0x15d: {  	_ =	swait.ge [sflag:s22], $0x5000  }
0x15e: {  	[sflag:s22] =	ssyncset.done $0x0  }
0x15f: {  	s10 =	simm.s32 $0x780;
	[sflag:s22] =	ssyncadd.s32 $0xFFFFB000  }
0x160: {  	[tilespmem:s18], [sflag:$0x1] =	stream.indirect.gather [spmem:s2], $0x40, s10, s17, $0xb8;
	[tilespmem:$0x1ECA0] =	vst v63  }
0x161: {  	s11 =	simm.s32 $0x1040  }
0x162: {  	[spmem:s3] =	stream.indirect.scatter.add.f32 [tilespmem:s20], [sflag:$0x4], $0x40, s11, s17, $0xb8;
	[tilespmem:$0x1ECA0] =	vst v63  }
0x163: {  	_ =	swait.ge [sflag:s19], $0x5000  }
0x164: {  	[sflag:s19] =	ssyncset.done $0x0  }
0x165: {  	[sflag:s19] =	ssyncadd.s32 $0xFFFFB000  }
0x166: {  	_ =	swait.ge [sflag:s25], $0x5000  }
0x167: {  	[sflag:s25] =	ssyncset.done $0x0  }
0x168: {  	s13 =	simm.s32 $0x8C0;
	[sflag:s25] =	ssyncadd.s32 $0xFFFFB000  }
0x169: {  	[tilespmem:s20], [sflag:$0x2] =	stream.indirect.gather [spmem:s2], $0x40, s13, s17, $0xb8;
	[tilespmem:$0x1ECA0] =	vst v63  }
0x16a: {  	s15 =	simm.s32 $0x1180  }
0x16b: {  	[spmem:s3] =	stream.indirect.scatter.add.f32 [tilespmem:s18], [sflag:$0x3], $0x40, s15, s17, $0xb8;
	[tilespmem:$0x1ECA0] =	vst v63  }
0x16c: {  	s28 =	simm.s32 $0x3C0;
	s29 =	simm.s32 $0xC80;
	_ =	swait.ge [sflag:s21], $0x5000  }
0x16d: {  	s30 =	simm.s32 $0x500;
	s31 =	simm.s32 $0xDC0;
	[sflag:s21] =	ssyncset.done $0x0  }
0x16e: {  	s6 =	simm.s32 $0x280;
	s23 =	simm.s32 $0x12C0;
	[sflag:s21] =	ssyncadd.s32 $0xFFFFB000  }
0x16f: {  	[spmem:s3] =	stream.indirect.scatter.add.f32 [tilespmem:s20], [sflag:$0x4], $0x40, s23, s17, $0xb8;
	[tilespmem:$0x1ECA0] =	vst v63  }
0x170: {  	s24 =	simm.s32 $0x280;
	s26 =	simm.s32 $0xB40;
	_ =	swait.ge [sflag:s22], $0x5000  }
0x171: {  	s5 =	simm.s32 $0x1180;
	s7 =	simm.s32 $0x780;
	[sflag:s22] =	ssyncset.done $0x0  }
0x172: {  	s0 =	simm.s32 $0x640;
	s1 =	simm.s32 $0xF00;
	[sflag:s22] =	ssyncadd.s32 $0xFFFFB000  }
0x173: {  	s9 =	simm.s32 $0x1040;
	s10 =	simm.s32 $0x8C0;
	_ =	swait.ge [sflag:s25], $0x5000  }
0x174: {  	s11 =	simm.s32 $0x12C0;
	s13 =	simm.s32 $0x140;
	[sflag:s25] =	ssyncset.done $0x0  }
.LBB2_4:
0x175: {  	s8 =	sadd.s32 s13, s12  }
0x176: {  	[sflag:s25] =	ssyncadd.s32 $0xFFFFB000;
	s23 =	smov.u32 s6;
	s15 =	sadd.s32 $0x140, s6  }
0x177: {  	[tilespmem:s4], [sflag:$0x5] =	stream.linear.gather [hbm4b:s8+s4], $0xA00, $0x38;
	[tilespmem:$0x1ECA0] =	vst v63  }
0x178: {  	p0 =	sne.s32 s6, $0x3C0;
	_ =	swait.ge [sflag:s14], $0xA00  }
0x179: {  	s6 =	sadd.s32 s13, s16;
	[sflag:s14] =	ssyncset.done $0x0  }
0x17a: {  	s13 =	smov.u32 s23;
	s8 =	simm.s32 $0xA00;
	[sflag:s14] =	ssyncadd.s32 $0xFFFFF600  }
0x17b: {  	[tilespmem:s8], [sflag:$0x5] =	stream.linear.gather [hbm4b:s6+s4], $0xA00, $0x38;
	[tilespmem:$0x1ECA0] =	vst v63  }
0x17c: {  	_ =	swait.ge [sflag:s14], $0xA00  }
0x17d: {  	[sflag:s14] =	ssyncset.done $0x0  }
0x17e: {  	[sflag:s14] =	ssyncadd.s32 $0xFFFFF600  }
0x17f: {  	[tilespmem:s18], [sflag:$0x1] =	stream.indirect.gather [spmem:s2], $0x40, s4, s17, $0xb8;
	[tilespmem:$0x1ECA0] =	vst v63  }
0x180: {  	_ =	swait.ge [sflag:s19], $0x5000  }
0x181: {  	[sflag:s19] =	ssyncset.done $0x0  }
0x182: {  	[sflag:s19] =	ssyncadd.s32 $0xFFFFB000  }
0x183: {  	[tilespmem:s20], [sflag:$0x2] =	stream.indirect.gather [spmem:s2], $0x40, s17, s17, $0xb8;
	[tilespmem:$0x1ECA0] =	vst v63  }
0x184: {  	_ = 	snop  }
0x185: {  	[spmem:s3] =	stream.indirect.scatter.add.f32 [tilespmem:s18], [sflag:$0x3], $0x40, s8, s17, $0xb8;
	[tilespmem:$0x1ECA0] =	vst v63  }
0x186: {  	_ =	swait.ge [sflag:s21], $0x5000  }
0x187: {  	[sflag:s21] =	ssyncset.done $0x0  }
0x188: {  	[sflag:s21] =	ssyncadd.s32 $0xFFFFB000  }
0x189: {  	_ =	swait.ge [sflag:s22], $0x5000  }
0x18a: {  	[sflag:s22] =	ssyncset.done $0x0  }
0x18b: {  	[sflag:s22] =	ssyncadd.s32 $0xFFFFB000  }
0x18c: {  	[tilespmem:s18], [sflag:$0x1] =	stream.indirect.gather [spmem:s2], $0x40, s24, s17, $0xb8;
	[tilespmem:$0x1ECA0] =	vst v63  }
0x18d: {  	_ = 	snop  }
0x18e: {  	[spmem:s3] =	stream.indirect.scatter.add.f32 [tilespmem:s20], [sflag:$0x4], $0x40, s26, s17, $0xb8;
	[tilespmem:$0x1ECA0] =	vst v63  }
0x18f: {  	_ =	swait.ge [sflag:s19], $0x5000  }
0x190: {  	[sflag:s19] =	ssyncset.done $0x0  }
0x191: {  	[sflag:s19] =	ssyncadd.s32 $0xFFFFB000  }
0x192: {  	_ =	swait.ge [sflag:s25], $0x5000  }
0x193: {  	[sflag:s25] =	ssyncset.done $0x0  }
0x194: {  	[sflag:s25] =	ssyncadd.s32 $0xFFFFB000  }
0x195: {  	[tilespmem:s20], [sflag:$0x2] =	stream.indirect.gather [spmem:s2], $0x40, s28, s17, $0xb8;
	[tilespmem:$0x1ECA0] =	vst v63  }
0x196: {  	_ = 	snop  }
0x197: {  	[spmem:s3] =	stream.indirect.scatter.add.f32 [tilespmem:s18], [sflag:$0x3], $0x40, s29, s17, $0xb8;
	[tilespmem:$0x1ECA0] =	vst v63  }
0x198: {  	_ =	swait.ge [sflag:s21], $0x5000  }
0x199: {  	[sflag:s21] =	ssyncset.done $0x0  }
0x19a: {  	[sflag:s21] =	ssyncadd.s32 $0xFFFFB000  }
0x19b: {  	_ =	swait.ge [sflag:s22], $0x5000  }
0x19c: {  	[sflag:s22] =	ssyncset.done $0x0  }
0x19d: {  	[sflag:s22] =	ssyncadd.s32 $0xFFFFB000  }
0x19e: {  	[tilespmem:s18], [sflag:$0x1] =	stream.indirect.gather [spmem:s2], $0x40, s30, s17, $0xb8;
	[tilespmem:$0x1ECA0] =	vst v63  }
0x19f: {  	_ = 	snop  }
0x1a0: {  	[spmem:s3] =	stream.indirect.scatter.add.f32 [tilespmem:s20], [sflag:$0x4], $0x40, s31, s17, $0xb8;
	[tilespmem:$0x1ECA0] =	vst v63  }
0x1a1: {  	_ =	swait.ge [sflag:s19], $0x5000  }
0x1a2: {  	[sflag:s19] =	ssyncset.done $0x0  }
0x1a3: {  	[sflag:s19] =	ssyncadd.s32 $0xFFFFB000  }
0x1a4: {  	_ =	swait.ge [sflag:s25], $0x5000  }
0x1a5: {  	[sflag:s25] =	ssyncset.done $0x0  }
0x1a6: {  	[sflag:s25] =	ssyncadd.s32 $0xFFFFB000  }
0x1a7: {  	[tilespmem:s20], [sflag:$0x2] =	stream.indirect.gather [spmem:s2], $0x40, s0, s17, $0xb8;
	[tilespmem:$0x1ECA0] =	vst v63  }
0x1a8: {  	_ = 	snop  }
0x1a9: {  	[spmem:s3] =	stream.indirect.scatter.add.f32 [tilespmem:s18], [sflag:$0x3], $0x40, s1, s17, $0xb8;
	[tilespmem:$0x1ECA0] =	vst v63  }
0x1aa: {  	_ =	swait.ge [sflag:s21], $0x5000  }
0x1ab: {  	[sflag:s21] =	ssyncset.done $0x0  }
0x1ac: {  	[sflag:s21] =	ssyncadd.s32 $0xFFFFB000  }
0x1ad: {  	_ =	swait.ge [sflag:s22], $0x5000  }
0x1ae: {  	[sflag:s22] =	ssyncset.done $0x0  }
0x1af: {  	[sflag:s22] =	ssyncadd.s32 $0xFFFFB000  }
0x1b0: {  	[tilespmem:s18], [sflag:$0x1] =	stream.indirect.gather [spmem:s2], $0x40, s7, s17, $0xb8;
	[tilespmem:$0x1ECA0] =	vst v63  }
0x1b1: {  	_ = 	snop  }
0x1b2: {  	[spmem:s3] =	stream.indirect.scatter.add.f32 [tilespmem:s20], [sflag:$0x4], $0x40, s9, s17, $0xb8;
	[tilespmem:$0x1ECA0] =	vst v63  }
0x1b3: {  	_ =	swait.ge [sflag:s19], $0x5000  }
0x1b4: {  	[sflag:s19] =	ssyncset.done $0x0  }
0x1b5: {  	[sflag:s19] =	ssyncadd.s32 $0xFFFFB000  }
0x1b6: {  	_ =	swait.ge [sflag:s25], $0x5000  }
0x1b7: {  	[sflag:s25] =	ssyncset.done $0x0  }
0x1b8: {  	[sflag:s25] =	ssyncadd.s32 $0xFFFFB000  }
0x1b9: {  	[tilespmem:s20], [sflag:$0x2] =	stream.indirect.gather [spmem:s2], $0x40, s10, s17, $0xb8;
	[tilespmem:$0x1ECA0] =	vst v63  }
0x1ba: {  	_ = 	snop  }
0x1bb: {  	[spmem:s3] =	stream.indirect.scatter.add.f32 [tilespmem:s18], [sflag:$0x3], $0x40, s5, s17, $0xb8;
	[tilespmem:$0x1ECA0] =	vst v63  }
0x1bc: {  	_ =	swait.ge [sflag:s21], $0x5000  }
0x1bd: {  	[sflag:s21] =	ssyncset.done $0x0  }
0x1be: {  	[sflag:s21] =	ssyncadd.s32 $0xFFFFB000  }
0x1bf: {  	[spmem:s3] =	stream.indirect.scatter.add.f32 [tilespmem:s20], [sflag:$0x4], $0x40, s11, s17, $0xb8;
	[tilespmem:$0x1ECA0] =	vst v63  }
.Ltmp1:
0x1c0: {  	_ =	swait.ge [sflag:s22], $0x5000;
	(pc) =	sbr.rel @p0 .LBB2_4-.Ltmp1, $4  }
0x1c1: {  	[sflag:s22] =	ssyncset.done $0x0  }
0x1c2: {  	[sflag:s22] =	ssyncadd.s32 $0xFFFFB000  }
0x1c3: {  	_ =	swait.ge [sflag:s25], $0x5000  }
0x1c4: {  	s6 =	smov.u32 s15;
	[sflag:s25] =	ssyncset.done $0x0  }
0x1c5: {  	s6 =	sadd.s32 s13, s12;
	[sflag:s25] =	ssyncadd.s32 $0xFFFFB000  }
0x1c6: {  	[tilespmem:s4], [sflag:$0x5] =	stream.linear.gather [hbm4b:s6+s4], $0xA00, $0x38;
	[tilespmem:$0x1ECA0] =	vst v63  }
0x1c7: {  	_ =	swait.ge [sflag:s14], $0xA00  }
0x1c8: {  	[sflag:s14] =	ssyncset.done $0x0  }
0x1c9: {  	s15 =	sadd.s32 s13, s16;
	s8 =	simm.s32 $0xA00;
	[sflag:s14] =	ssyncadd.s32 $0xFFFFF600  }
0x1ca: {  	[tilespmem:s8], [sflag:$0x5] =	stream.linear.gather [hbm4b:s15+s4], $0xA00, $0x38;
	[tilespmem:$0x1ECA0] =	vst v63  }
0x1cb: {  	_ =	swait.ge [sflag:s14], $0xA00  }
0x1cc: {  	[sflag:s14] =	ssyncset.done $0x0  }
0x1cd: {  	[sflag:s14] =	ssyncadd.s32 $0xFFFFF600  }
0x1ce: {  	[tilespmem:s18], [sflag:$0x1] =	stream.indirect.gather [spmem:s2], $0x40, s4, s17, $0xb8;
	[tilespmem:$0x1ECA0] =	vst v63  }
0x1cf: {  	_ =	swait.ge [sflag:s19], $0x5000  }
0x1d0: {  	[sflag:s19] =	ssyncset.done $0x0  }
0x1d1: {  	[sflag:s19] =	ssyncadd.s32 $0xFFFFB000  }
0x1d2: {  	[tilespmem:s20], [sflag:$0x2] =	stream.indirect.gather [spmem:s2], $0x40, s17, s17, $0xb8;
	[tilespmem:$0x1ECA0] =	vst v63  }
0x1d3: {  	_ = 	snop  }
0x1d4: {  	[spmem:s3] =	stream.indirect.scatter.add.f32 [tilespmem:s18], [sflag:$0x3], $0x40, s8, s17, $0xb8;
	[tilespmem:$0x1ECA0] =	vst v63  }
0x1d5: {  	_ =	swait.ge [sflag:s21], $0x5000  }
0x1d6: {  	[sflag:s21] =	ssyncset.done $0x0  }
0x1d7: {  	[sflag:s21] =	ssyncadd.s32 $0xFFFFB000  }
0x1d8: {  	_ =	swait.ge [sflag:s22], $0x5000  }
0x1d9: {  	[sflag:s22] =	ssyncset.done $0x0  }
0x1da: {  	[sflag:s22] =	ssyncadd.s32 $0xFFFFB000  }
0x1db: {  	[tilespmem:s18], [sflag:$0x1] =	stream.indirect.gather [spmem:s2], $0x40, s24, s17, $0xb8;
	[tilespmem:$0x1ECA0] =	vst v63  }
0x1dc: {  	_ = 	snop  }
0x1dd: {  	[spmem:s3] =	stream.indirect.scatter.add.f32 [tilespmem:s20], [sflag:$0x4], $0x40, s26, s17, $0xb8;
	[tilespmem:$0x1ECA0] =	vst v63  }
0x1de: {  	_ =	swait.ge [sflag:s19], $0x5000  }
0x1df: {  	[sflag:s19] =	ssyncset.done $0x0  }
0x1e0: {  	[sflag:s19] =	ssyncadd.s32 $0xFFFFB000  }
0x1e1: {  	_ =	swait.ge [sflag:s25], $0x5000  }
0x1e2: {  	[sflag:s25] =	ssyncset.done $0x0  }
0x1e3: {  	[sflag:s25] =	ssyncadd.s32 $0xFFFFB000  }
0x1e4: {  	[tilespmem:s20], [sflag:$0x2] =	stream.indirect.gather [spmem:s2], $0x40, s28, s17, $0xb8;
	[tilespmem:$0x1ECA0] =	vst v63  }
0x1e5: {  	_ = 	snop  }
0x1e6: {  	[spmem:s3] =	stream.indirect.scatter.add.f32 [tilespmem:s18], [sflag:$0x3], $0x40, s29, s17, $0xb8;
	[tilespmem:$0x1ECA0] =	vst v63  }
0x1e7: {  	_ =	swait.ge [sflag:s21], $0x5000  }
0x1e8: {  	[sflag:s21] =	ssyncset.done $0x0  }
0x1e9: {  	[sflag:s21] =	ssyncadd.s32 $0xFFFFB000  }
0x1ea: {  	_ =	swait.ge [sflag:s22], $0x5000  }
0x1eb: {  	[sflag:s22] =	ssyncset.done $0x0  }
0x1ec: {  	[sflag:s22] =	ssyncadd.s32 $0xFFFFB000  }
0x1ed: {  	[tilespmem:s18], [sflag:$0x1] =	stream.indirect.gather [spmem:s2], $0x40, s30, s17, $0xb8;
	[tilespmem:$0x1ECA0] =	vst v63  }
0x1ee: {  	_ = 	snop  }
0x1ef: {  	[spmem:s3] =	stream.indirect.scatter.add.f32 [tilespmem:s20], [sflag:$0x4], $0x40, s31, s17, $0xb8;
	[tilespmem:$0x1ECA0] =	vst v63  }
0x1f0: {  	_ =	swait.ge [sflag:s19], $0x5000  }
0x1f1: {  	[sflag:s19] =	ssyncset.done $0x0  }
0x1f2: {  	[sflag:s19] =	ssyncadd.s32 $0xFFFFB000  }
0x1f3: {  	_ =	swait.ge [sflag:s25], $0x5000  }
0x1f4: {  	[sflag:s25] =	ssyncset.done $0x0  }
0x1f5: {  	[sflag:s25] =	ssyncadd.s32 $0xFFFFB000  }
0x1f6: {  	[tilespmem:s20], [sflag:$0x2] =	stream.indirect.gather [spmem:s2], $0x40, s0, s17, $0xb8;
	[tilespmem:$0x1ECA0] =	vst v63  }
0x1f7: {  	_ = 	snop  }
0x1f8: {  	[spmem:s3] =	stream.indirect.scatter.add.f32 [tilespmem:s18], [sflag:$0x3], $0x40, s1, s17, $0xb8;
	[tilespmem:$0x1ECA0] =	vst v63  }
0x1f9: {  	_ =	swait.ge [sflag:s21], $0x5000  }
0x1fa: {  	[sflag:s21] =	ssyncset.done $0x0  }
0x1fb: {  	[sflag:s21] =	ssyncadd.s32 $0xFFFFB000  }
0x1fc: {  	_ =	swait.ge [sflag:s22], $0x5000  }
0x1fd: {  	[sflag:s22] =	ssyncset.done $0x0  }
0x1fe: {  	[sflag:s22] =	ssyncadd.s32 $0xFFFFB000  }
0x1ff: {  	[tilespmem:s18], [sflag:$0x1] =	stream.indirect.gather [spmem:s2], $0x40, s7, s17, $0xb8;
	[tilespmem:$0x1ECA0] =	vst v63  }
0x200: {  	_ = 	snop  }
0x201: {  	[spmem:s3] =	stream.indirect.scatter.add.f32 [tilespmem:s20], [sflag:$0x4], $0x40, s9, s17, $0xb8;
	[tilespmem:$0x1ECA0] =	vst v63  }
0x202: {  	_ =	swait.ge [sflag:s19], $0x5000  }
0x203: {  	[sflag:s19] =	ssyncset.done $0x0  }
0x204: {  	[sflag:s19] =	ssyncadd.s32 $0xFFFFB000  }
0x205: {  	_ =	swait.ge [sflag:s25], $0x5000  }
0x206: {  	[sflag:s25] =	ssyncset.done $0x0  }
0x207: {  	[sflag:s25] =	ssyncadd.s32 $0xFFFFB000  }
0x208: {  	[tilespmem:s20], [sflag:$0x2] =	stream.indirect.gather [spmem:s2], $0x40, s10, s17, $0xb8;
	[tilespmem:$0x1ECA0] =	vst v63  }
0x209: {  	_ = 	snop  }
0x20a: {  	[spmem:s3] =	stream.indirect.scatter.add.f32 [tilespmem:s18], [sflag:$0x3], $0x40, s5, s17, $0xb8;
	[tilespmem:$0x1ECA0] =	vst v63  }
0x20b: {  	_ =	swait.ge [sflag:s21], $0x5000  }
0x20c: {  	[sflag:s21] =	ssyncset.done $0x0  }
0x20d: {  	[sflag:s21] =	ssyncadd.s32 $0xFFFFB000  }
0x20e: {  	[spmem:s3] =	stream.indirect.scatter.add.f32 [tilespmem:s20], [sflag:$0x4], $0x40, s11, s17, $0xb8;
	[tilespmem:$0x1ECA0] =	vst v63  }
0x20f: {  	_ =	swait.ge [sflag:s22], $0x5000  }
0x210: {  	[sflag:s22] =	ssyncset.done $0x0  }
0x211: {  	[sflag:s22] =	ssyncadd.s32 $0xFFFFB000  }
0x212: {  	_ =	swait.ge [sflag:s25], $0x5000  }
0x213: {  	[sflag:s25] =	ssyncset.done $0x0  }
0x214: {  	[sflag:s25] =	ssyncadd.s32 $0xFFFFB000  }
0x215: {  	[bflag:$0x0] =	sbarrier.arrive $0xFFFF  }
0x216: {  	s15 =	rddreg [dreg:$0x6]  }
0x217: {  	s23 =	rddreg [dreg:$0x9]  }
0x218: {  	s13 =	rddreg [dreg:$0xc]  }
0x219: {  	[hbm:s23], [sflag:s15] =	dma.local [spmem:s13], $0x1388  }
0x21a: {  	_ =	swait.ge [sflag:s14], $0x1388  }
0x21b: {  	s6 =	rddreg [dreg:$0xd]  }
0x21c: {  	s23 =	rddreg [dreg:$0xa];
	s8 =	sadd.s32 $0x1, s6  }
0x21d: {  	p0 =	sne.s32 s8, s23  }
.Ltmp2:
0x21e: {  	_ = 	snop;
	(pc) =	sbr.rel @p0 .LBB2_1-.Ltmp2, $3  }
0x21f: {  	_ =	sdelay $0x1  }
0x220: {  	[sflag:s14] =	ssyncset.done $0x0  }
0x221: {  	[sflag:s14] =	ssyncadd.s32 $0xFFFFEC78  }
0x222: {  	_ =	sfence.sel $0x180000  }
0x223: {  	[bflag:$0x0] =	sbarrier.arrive $0xFFFF  }
0x224: {  	_ =	strace $0x9000004A  }
0x225: {  	s0 =	stileid.u32;
	[bflag:$0x2] =	sbarrier.arrive $0xFFFF  }
0x226: {  	p0 =	sne.s32 s0, $0x0;
	s0 =	rddreg [dreg:$0x4]  }
0x227: {  	s0 =	sadd.s32 @!p0 $0x100000, s0  }
0x228: {  	[sflag:s0] =	ssyncadd.tile.s32 @!p0 $0x1;
	_ =	shalt  }
.Lfunc_end2:
_tile_overlayer_lowered:
.L_overlay_start_2:
0x229: {  	(tag) =	ssettag $0x2  }
0x22a: {  	s0 =	rddreg [dreg:$0x0];
	s2 =	stileid.u32  }
0x22b: {  	s1 =	rddreg [dreg:$0x1];
	p0 =	sne.s32 s2, $0x0  }
0x22c: {  	s3 =	rddreg [dreg:$0x2];
	[bflag:$0x3] =	sbarrier.arrive $0xFFFF;
	s2 =	simm.s32 @!p0 $0x1C05  }
0x22d: {  	[timem:s3], [sflag:s2] =	dma.local @!p0 [hbm:s0], s1  }
0x22e: {  	s0 =	simm.s32 @!p0 $0x5  }
0x22f: {  	_ =	swait.ge @!p0 [sflag:s0], s1  }
0x230: {  	s1 =	ssub.s32 @!p0 $0x0, s1;
	[sflag:s0] =	ssyncset.done @!p0 $0x0  }
0x231: {  	[sflag:s0] =	ssyncadd.s32 @!p0 s1  }
0x232: {  	[bflag:$0x3] =	sbarrier.arrive $0xFFFF  }
0x233: {  	_ =	shalt  }

// kernel: kernel.14.cloned.1.call-start
scs
__scs_entry_jumppad:
0x0: {  	(pc) =	sbr.rel $0x88, $3  }
0x1: {  	(tag) =	ssettag $0x0;
	lr =	simm.s32 $0x1  }
0x2: {  	[smem:$0x3F9B] =	sst lr;
	_ =	strace $0xD0000000  }
0x3: {  	_ = 	snop  }
0x4: {  	_ = 	snop  }
0x5: {  	_ = 	snop  }
0x6: {  	_ = 	snop  }
0x7: {  	_ = 	snop  }
__scs_overlays_trampoline_lowered:
0x8: {  	[smem:$0x3FAA] =	sst s0  }
0x9: {  	[smem:$0x3FAB] =	sst s1  }
0xa: {  	[smem:$0x3FAC] =	sst s2  }
0xb: {  	[smem:$0x3FAD] =	sst s3  }
0xc: {  	[smem:$0x3FAE] =	sst s4  }
0xd: {  	[smem:$0x3FAF] =	sst s5  }
0xe: {  	[smem:$0x3FB0] =	sst s6  }
0xf: {  	[smem:$0x3FB1] =	sst s7  }
0x10: {  	[smem:$0x3FB2] =	sst s8  }
0x11: {  	[smem:$0x3FB3] =	sst s9;
	s0 =	simm.s32 @!p0 $0x0  }
0x12: {  	s1 =	sld [smem:$0x3F99];
	s0 =	simm.s32 @p0 $0x1  }
0x13: {  	[smem:$0x3FB4] =	sst s0;
	s0 =	simm.s32 @!p1 $0x0  }
0x14: {  	s2 =	sld [smem:$0x3F98];
	s0 =	simm.s32 @p1 $0x1  }
0x15: {  	[smem:$0x3FB5] =	sst s0;
	s0 =	simm.s32 @!p2 $0x0  }
0x16: {  	s3 =	sld [smem:$0x3FDB];
	s0 =	simm.s32 @p2 $0x1  }
0x17: {  	s4 =	simm.s32 $0x1BF5;
	[smem:$0x3FB7] =	sst s0  }
0x18: {  	s0 =	sld [smem:$0x3F9A];
	_ =	swait.ge [sflag:s4], $0x0  }
0x19: {  	s7 =	sld [smem:$0x3F9B]  }
0x1a: {  	s8 =	sadd.s32 $0xFFFFE003, lr  }
0x1b: {  	s9 =	sadd.s32 $0xFFFFFEF7, lr;
	s5 =	simm.s32 $0xFFFFFFFF;
	p2 =	slt.u32 s8, $0xFFFFF086  }
0x1c: {  	p1 =	slt.u32 s9, $0xF7A;
	s5 =	simm.s32 @!p2 $0x0  }
0x1d: {  	s5 =	simm.s32 @p1 $0x1;
	p0 =	seq.s32 s7, s2  }
0x1e: {  	s7 =	smul.u32 @!p0 $0xF7A, s2;
	p2 =	seq.s32 @!p0 s5, $0x0  }
0x1f: {  	s9 =	smul.u32 $0xF7A, s1;
	s8 =	simm.s32 @!p0 $0x1BF5;
	p2 =	por !p2, p0  }
0x20: {  	[sflag:s8] =	ssyncset.s32 @!p0 $0xFFFFF086;
	s6 =	sadd.s32 @!p0 s3, s7;
	s7 =	simm.s32 @!p0 $0x108  }
0x21: {  	s3 =	sadd.s32 s3, s9;
	s6 =	sadd.s32 @!p0 $0x88, s6;
	s7 =	simm.s32 @p2 $0x1082  }
0x22: {  	[simem:s7], [sflag:s8] =	dma.local @!p0 [hbm:s6], $0xF7A  }
0x23: {  	s9 =	sor.u32 $0xD0000000, s2;
	s6 =	simm.s32 $0x108;
	_ =	swait.ge @!p0 [sflag:s8], $0x0  }
0x24: {  	s3 =	sadd.s32 $0x88, s3;
	s6 =	simm.s32 @!p1 $0x1082;
	[sflag:s4] =	ssyncset.s32 $0xFFFFF086  }
0x25: {  	[simem:s6], [sflag:s4] =	dma.local [hbm:s3], $0xF7A  }
0x26: {  	[smem:$0x3F9B] =	sst s1;
	(tag) =	ssettag s2;
	_ =	strace s9  }
0x27: {  	s1 =	sld [smem:$0x3FAB]  }
0x28: {  	s2 =	sld [smem:$0x3FAC]  }
0x29: {  	s4 =	sld [smem:$0x3FAE]  }
0x2a: {  	p0 =	seq.s32 s5, $0x0;
	s5 =	sld [smem:$0x3FAF]  }
0x2b: {  	s6 =	sld [smem:$0x3FB0]  }
0x2c: {  	s7 =	sld [smem:$0x3FB1]  }
0x2d: {  	s3 =	simm.s32 $0x108;
	s8 =	sld [smem:$0x3FB2]  }
0x2e: {  	s3 =	simm.s32 @!p0 $0x1082;
	s9 =	sld [smem:$0x3FB3]  }
0x2f: {  	lr =	sadd.s32 s0, s3;
	s0 =	sld [smem:$0x3FAA]  }
0x30: {  	s3 =	sld [smem:$0x3FAD]  }
0x31: {  	[smem:$0x3FB6] =	sst s10  }
0x32: {  	s10 =	sld [smem:$0x3FB4];
	_ =	sdelay $0x3  }
0x33: {  	p0 =	seq.s32 s10, $0x1;
	s10 =	sld [smem:$0x3FB6];
	_ =	sdelay $0x3  }
0x34: {  	[smem:$0x3FB6] =	sst s10  }
0x35: {  	s10 =	sld [smem:$0x3FB5];
	_ =	sdelay $0x3  }
0x36: {  	p1 =	seq.s32 s10, $0x1;
	s10 =	sld [smem:$0x3FB6];
	_ =	sdelay $0x3  }
0x37: {  	[smem:$0x3FB6] =	sst s10  }
0x38: {  	s10 =	sld [smem:$0x3FB7]  }
0x39: {  	_ = 	snop;
	(pc) =	sbr.ind lr, $3  }
0x3a: {  	_ = 	snop  }
0x3b: {  	_ = 	snop  }
0x3c: {  	p2 =	seq.s32 s10, $0x1;
	s10 =	sld [smem:$0x3FB6]  }
0x3d: {  	_ =	shalt  }
0x3e: {  	_ =	shalt  }
0x3f: {  	_ =	shalt  }
0x40: {  	_ =	shalt  }
0x41: {  	_ =	shalt  }
0x42: {  	_ =	shalt  }
0x43: {  	_ =	shalt  }
0x44: {  	_ =	shalt  }
0x45: {  	_ =	shalt  }
0x46: {  	_ =	shalt  }
0x47: {  	_ =	shalt  }
0x48: {  	_ =	shalt  }
0x49: {  	_ =	shalt  }
0x4a: {  	_ =	shalt  }
0x4b: {  	_ =	shalt  }
0x4c: {  	_ =	shalt  }
0x4d: {  	_ =	shalt  }
0x4e: {  	_ =	shalt  }
0x4f: {  	_ =	shalt  }
0x50: {  	_ =	shalt  }
0x51: {  	_ =	shalt  }
0x52: {  	_ =	shalt  }
0x53: {  	_ =	shalt  }
0x54: {  	_ =	shalt  }
0x55: {  	_ =	shalt  }
0x56: {  	_ =	shalt  }
0x57: {  	_ =	shalt  }
0x58: {  	_ =	shalt  }
0x59: {  	_ =	shalt  }
0x5a: {  	_ =	shalt  }
0x5b: {  	_ =	shalt  }
0x5c: {  	_ =	shalt  }
0x5d: {  	_ =	shalt  }
0x5e: {  	_ =	shalt  }
0x5f: {  	_ =	shalt  }
0x60: {  	_ =	shalt  }
0x61: {  	_ =	shalt  }
0x62: {  	_ =	shalt  }
0x63: {  	_ =	shalt  }
0x64: {  	_ =	shalt  }
0x65: {  	_ =	shalt  }
0x66: {  	_ =	shalt  }
0x67: {  	_ =	shalt  }
0x68: {  	_ =	shalt  }
0x69: {  	_ =	shalt  }
0x6a: {  	_ =	shalt  }
0x6b: {  	_ =	shalt  }
0x6c: {  	_ =	shalt  }
0x6d: {  	_ =	shalt  }
0x6e: {  	_ =	shalt  }
0x6f: {  	_ =	shalt  }
0x70: {  	_ =	shalt  }
0x71: {  	_ =	shalt  }
0x72: {  	_ =	shalt  }
0x73: {  	_ =	shalt  }
0x74: {  	_ =	shalt  }
0x75: {  	_ =	shalt  }
0x76: {  	_ =	shalt  }
0x77: {  	_ =	shalt  }
0x78: {  	_ =	shalt  }
0x79: {  	_ =	shalt  }
0x7a: {  	_ =	shalt  }
0x7b: {  	_ =	shalt  }
0x7c: {  	_ =	shalt  }
0x7d: {  	_ =	shalt  }
0x7e: {  	_ =	shalt  }
0x7f: {  	_ =	shalt  }
0x80: {  	_ =	shalt  }
0x81: {  	_ =	shalt  }
0x82: {  	_ =	shalt  }
0x83: {  	_ =	shalt  }
0x84: {  	_ =	shalt  }
0x85: {  	_ =	shalt  }
0x86: {  	_ =	shalt  }
0x87: {  	_ =	shalt  }
.Lfunc_end0:
.L_simem_size_0:
called_computation.2_lowered:
.L_overlay_start_0:
0x88: {  	s2 =	sld [smem:$0x3FD9]  }
0x89: {  	s3 =	sld [smem:$0x3FFE];
	_ =	sdelay $0x1  }
0x8a: {  	s1 =	srdreg.scid  }
0x8b: {  	s0 =	sand.u32 $0x1, s1  }
0x8c: {  	s17 =	sshll.u32 s0, $0xA;
	s2 =	sadd.s32 s3, s2  }
0x8d: {  	s2 =	sadd.s32 s2, s17  }
0x8e: {  	[smem:$0x3FC2] =	sst s2  }
0x8f: {  	_ = 	snop  }
0x90: {  	s2 =	sld [smem:$0x3FD0];
	(tm) =	ssettm $0x1  }
0x91: {  	s18 =	sld [smem:$0x3FFB];
	_ =	sdelay $0x3  }
0x92: {  	_ =	strace s18  }
0x93: {  	s3 =	sld [smem:$0x3FFC];
	_ =	sdelay $0x3  }
0x94: {  	_ =	strace s3  }
0x95: {  	s3 =	sld [smem:$0x3FFD];
	_ =	sdelay $0x3  }
0x96: {  	_ =	strace s3  }
0x97: {  	_ =	strace $0x8FFFFFFF  }
0x98: {  	s19 =	sld [smem:$0x3FDB];
	_ =	sdelay $0x1  }
0x99: {  	s4 =	simm.s32 $_scs_section_size  }
0x9a: {  	s5 =	simm.s32 $_size__tile_overlayer_lowered;
	s6 =	simm.s32 $_tile_overlayer_lowered  }
0x9b: {  	s22 =	simm.s32 $0x1BFF;
	s21 =	sshll.u32 s6, $0x1;
	s3 =	sadd.s32 s4, s19  }
0x9c: {  	s7 =	simm.s32 $0x0;
	s20 =	sshll.u32 s5, $0x1;
	s5 =	sadd.s32 s21, s3  }
0x9d: {  	[timem:s7], [sflag:s22] =	dma.local [hbm:s5], s20  }
0x9e: {  	_ =	swait.ge [sflag:s22], s20  }
0x9f: {  	s4 =	ssub.s32 $0x0, s20;
	[sflag:s22] =	ssyncset.done $0x0  }
0xa0: {  	[sflag:s22] =	ssyncadd.s32 s4;
	_ =	sdelay $0x1  }
0xa1: {  	s23 =	simm.s32 $0x1B8B  }
0xa2: {  	_ =	swait.ge [sflag:s23], $0x1  }
0xa3: {  	[sflag:s23] =	ssyncset.done $0x0  }
0xa4: {  	s25 =	simm.s32 $0x1B8E;
	s24 =	sld [smem:$0x3FFE];
	[sflag:s23] =	ssyncadd.s32 $0xFFFFFFFF  }
0xa5: {  	s26 =	simm.s32 $execute0_lowered;
	[smem:$0x3FD2] =	sst s25  }
0xa6: {  	s5 =	sshll.u32 s26, $0x1;
	_ =	strace $0x8000004C;
	[dreg:$0x1] =	wrdreg $0xFFFFFFFF  }
0xa7: {  	s28 =	simm.s32 $_size_execute0_lowered;
	s3 =	sadd.s32 s3, s5;
	[dreg:$0x0] =	wrdreg $0x0  }
0xa8: {  	s5 =	sshll.u32 s28, $0x1;
	[dreg:$0x2] =	wrdreg s3  }
0xa9: {  	[dreg:$0x3] =	wrdreg s5  }
0xaa: {  	[dreg:$0x4] =	wrdreg $0xC0  }
0xab: {  	_ =	task [dreg:s7], $0x5FFFF  }
0xac: {  	[dreg:$0x1] =	wrdreg $0xFFFFFFFF  }
0xad: {  	[dreg:$0x0] =	wrdreg $0x60  }
0xae: {  	[dreg:$0x2] =	wrdreg s24  }
0xaf: {  	[dreg:$0x3] =	wrdreg s2  }
0xb0: {  	[dreg:$0x4] =	wrdreg $0xE8000  }
0xb1: {  	[dreg:$0x5] =	wrdreg $0x15D300  }
0xb2: {  	[dreg:$0x6] =	wrdreg $0x9  }
0xb3: {  	_ =	task.clear_ibuf [dreg:s7], $0x7FFFF;
	_ =	strace $0x9000004C  }
0xb4: {  	s29 =	simm.s32 $0x9;
	_ =	strace $0x8000004E  }
0xb5: {  	_ =	swait.ge [sflag:s29], $0x1  }
0xb6: {  	[sflag:s29] =	ssyncadd.s32 $0xFFFFFFFF  }
0xb7: {  	_ =	strace $0x9000004E  }
0xb8: {  	_ =	sfence  }
0xb9: {  	s30 =	sld [smem:$0x0];
	_ =	sdelay $0x2  }
0xba: {  	s31 =	sshll.u32 s1, $0xD;
	s1 =	sshrl.u32 s1, $0x2  }
0xbb: {  	s3 =	sand.u32 $0x4000, s31;
	s1 =	sadd.s32 s1, s30  }
0xbc: {  	s0 =	sor.u32 s3, s0;
	s1 =	sshll.u32 s1, $0x11  }
0xbd: {  	s0 =	sor.u32 s1, s0  }
0xbe: {  	s0 =	sadd.s32 $0x8F2B, s0  }
0xbf: {  	[sflag:s0] =	ssyncadd.remote.s32 $0x1  }
0xc0: {  	_ =	sfence.sel $0xFFFF  }
0xc1: {  	[dreg:$0x0] =	wrdreg $0xFFFFFFFF;
	(pc) =	sbr.abs _section_cstart, $3  }
0xc2: {  	[dreg:$0x1] =	wrdreg $0xFFFFFFFF  }
0xc3: {  	_ =	task.clear_ibuf [dreg:s7], $0x2FFFF;
	_ =	strace $0x9FFFFFFF  }
0xc4: {  	(tm) =	ssettm $0x7FFFFFFF  }
0xc5: {  	_ =	shalt  }
tec
execute0_lowered:
.L_overlay_start_1:
0x0: {  	(tag) =	ssettag $0x1  }
0x1: {  	s0 =	rddreg [dreg:$0x0]  }
0x2: {  	s1 =	rddreg [dreg:$0x1]  }
0x3: {  	s3 =	rddreg [dreg:$0x2]  }
0x4: {  	s2 =	rddreg [dreg:$0x3];
	s4 =	srdreg.scid  }
0x5: {  	s14 =	rddreg [dreg:$0x4];
	s12 =	stileid.u32;
	s17 =	simm.s32 $0x0  }
0x6: {  	s30 =	simm.s32 $0x1400;
	s13 =	simm.s32 $0x1;
	s24 =	simm.s32 $0x400  }
0x7: {  	s25 =	simm.s32 $0x1600;
	s26 =	simm.s32 $0x600;
	s28 =	simm.s32 $0x800  }
0x8: {  	s29 =	simm.s32 $0x1A00;
	s23 =	simm.s32 $0xC00;
	s5 =	sand.u32 $0x1, s4  }
0x9: {  	s6 =	smul.u32 $0x7530, s12;
	[smem:$0x7FF] =	sst s17;
	s19 =	sshll.u32 s12, $0x6  }
0xa: {  	s4 =	sshll.u32 s5, $0x4;
	_ =	strace $0x8000004D;
	[dreg:$0xa] =	wrdreg s24  }
0xb: {  	s7 =	smul.u32 $0x75300, s5;
	s16 =	ssub.s32 $0x2, s5;
	[dreg:$0xb] =	wrdreg s25  }
0xc: {  	p0 =	seq.s32 s5, $0x0;
	s5 =	simm.s32 $0x5;
	[dreg:$0xc] =	wrdreg s26  }
0xd: {  	s25 =	simm.s32 $0xA00;
	s26 =	simm.s32 $0x1C00;
	s24 =	simm.s32 $0x1E00  }
0xe: {  	s4 =	sor.u32 s12, s4;
	s8 =	sshrl.u32 s6, $0x3;
	s11 =	sshrl.u32 s16, $0x1  }
0xf: {  	s18 =	sadd.s32 s6, s3;
	s21 =	sadd.s32 s6, s2;
	s12 =	simm.s32 $0x2  }
0x10: {  	s9 =	smul.u32 $0x280, s4;
	s8 =	sadd.s32 s8, s0;
	s15 =	sadd.s32 s6, s7  }
0x11: {  	s7 =	ssub.s32 s16, s11;
	s20 =	sshrl.u32 s18, $0x3;
	s6 =	sshrl.u32 s21, $0x3  }
0x12: {  	s11 =	simm.s32 $0x3;
	s21 =	simm.s32 $0x1800;
	s16 =	simm.s32 $0x1200  }
0x13: {  	s18 =	simm.s32 $0x2400;
	s4 =	sshrl.u32 s15, $0x3;
	s31 =	sadd.s32 $0x5C800, s8  }
0x14: {  	s8 =	sadd.s32 $0x6B400, s8;
	s10 =	sadd.s32 s9, s0;
	s0 =	sadd.s32 s4, s0  }
0x15: {  	[dreg:$0x9] =	wrdreg s20;
	s22 =	smax.u32 s7, $0x1;
	s0 =	sadd.s32 $0x7A000, s0  }
0x16: {  	s7 =	simm.s32 $0x200;
	[dreg:$0x7] =	wrdreg s0;
	s0 =	sadd.s32 $0xFFFFFFFF, s22  }
0x17: {  	s20 =	simm.s32 $0x2200;
	s15 =	simm.s32 $0x2600;
	p1 =	sne.s32 s0, $0x0  }
.Ltmp0:
0x18: {  	s4 =	sor.u32 $0x1C05, s19;
	s1 =	sadd.s32 s1, s9;
	(pc) =	sbr.rel @!p1 .LBB2_1-.Ltmp0, $4  }
0x19: {  	s8 =	smov.u32 @p0 s31;
	s9 =	simm.s32 $0x2800;
	[dreg:$0x6] =	wrdreg s1  }
0x1a: {  	p0 =	por $0x0, $0x0;
	s19 =	simm.s32 $0x1000;
	[dreg:$0x8] =	wrdreg s8  }
0x1b: {  	s10 =	sadd.s32 $0x9600, s10;
	s8 =	simm.s32 $0x8800;
	s1 =	rddreg [dreg:$0x9]  }
0x1c: {  	[dreg:$0x5] =	wrdreg s10;
	s10 =	simm.s32 $0x4;
	s22 =	simm.s32 $0x2000  }
0x1d: {  	[spmem:s1], [sflag:s4] =	dma.local [hbm:s31], $0xEA6  }
0x1e: {  	_ =	swait.ge [sflag:s5], $0xEA6  }
0x1f: {  	[sflag:s5] =	ssyncset.done $0x0  }
0x20: {  	s14 =	rddreg [dreg:$0x8];
	[sflag:s5] =	ssyncadd.s32 $0xFFFFF15A  }
0x21: {  	[spmem:s6], [sflag:s4] =	dma.local [hbm:s14], $0xEA6  }
0x22: {  	_ =	swait.ge [sflag:s5], $0xEA6  }
0x23: {  	[sflag:s5] =	ssyncset.done $0x0  }
0x24: {  	[sflag:s5] =	ssyncadd.s32 $0xFFFFF15A  }
0x25: {  	[bflag:$0x0] =	sbarrier.arrive $0xFFFF  }
0x26: {  	s14 =	rddreg [dreg:$0x5]  }
0x27: {  	[tilespmem:s17], [sflag:$0x5] =	stream.linear.gather [hbm4b:s14+s17], $0x1400, $0x38;
	[tilespmem:$0x1D278] =	vst v63  }
0x28: {  	_ =	swait.ge [sflag:s5], $0x1400  }
0x29: {  	[sflag:s5] =	ssyncset.done $0x0  }
0x2a: {  	s14 =	rddreg [dreg:$0x6];
	[sflag:s5] =	ssyncadd.s32 $0xFFFFEC00  }
0x2b: {  	[tilespmem:s30], [sflag:$0x5] =	stream.linear.gather [hbm4b:s14+s17], $0x1400, $0x38;
	[tilespmem:$0x1D278] =	vst v63  }
0x2c: {  	_ =	swait.ge [sflag:s5], $0x1400  }
0x2d: {  	[sflag:s5] =	ssyncset.done $0x0  }
0x2e: {  	[sflag:s5] =	ssyncadd.s32 $0xFFFFEC00  }
0x2f: {  	[tilespmem:s9], [sflag:$0x1] =	stream.indirect.gather [spmem:s3], $0x30, s17, s7, $0xb8;
	[tilespmem:$0x1D278] =	vst v63  }
0x30: {  	_ =	swait.ge [sflag:s13], $0x6000  }
0x31: {  	[sflag:s13] =	ssyncset.done $0x0  }
0x32: {  	[sflag:s13] =	ssyncadd.s32 $0xFFFFA000  }
0x33: {  	[tilespmem:s8], [sflag:$0x2] =	stream.indirect.gather [spmem:s3], $0x30, s7, s7, $0xb8;
	[tilespmem:$0x1D278] =	vst v63  }
0x34: {  	_ = 	snop  }
0x35: {  	[spmem:s2] =	stream.indirect.scatter.add.f32 [tilespmem:s9], [sflag:$0x3], $0x30, s30, s7, $0xb8;
	[tilespmem:$0x1D278] =	vst v63  }
0x36: {  	_ =	swait.ge [sflag:s12], $0x6000  }
0x37: {  	[sflag:s12] =	ssyncset.done $0x0  }
0x38: {  	[sflag:s12] =	ssyncadd.s32 $0xFFFFA000  }
0x39: {  	_ =	swait.ge [sflag:s11], $0x6000  }
0x3a: {  	[sflag:s11] =	ssyncset.done $0x0  }
0x3b: {  	s1 =	rddreg [dreg:$0xa];
	[sflag:s11] =	ssyncadd.s32 $0xFFFFA000  }
0x3c: {  	[tilespmem:s9], [sflag:$0x1] =	stream.indirect.gather [spmem:s3], $0x30, s1, s7, $0xb8;
	[tilespmem:$0x1D278] =	vst v63  }
0x3d: {  	s14 =	smov.u32 s0;
	s0 =	rddreg [dreg:$0xb]  }
0x3e: {  	[spmem:s2] =	stream.indirect.scatter.add.f32 [tilespmem:s8], [sflag:$0x4], $0x30, s0, s7, $0xb8;
	[tilespmem:$0x1D278] =	vst v63  }
0x3f: {  	_ =	swait.ge [sflag:s13], $0x6000  }
0x40: {  	[sflag:s13] =	ssyncset.done $0x0  }
0x41: {  	[sflag:s13] =	ssyncadd.s32 $0xFFFFA000  }
0x42: {  	_ =	swait.ge [sflag:s10], $0x6000  }
0x43: {  	[sflag:s10] =	ssyncset.done $0x0  }
0x44: {  	s1 =	rddreg [dreg:$0xc];
	[sflag:s10] =	ssyncadd.s32 $0xFFFFA000  }
0x45: {  	[tilespmem:s8], [sflag:$0x2] =	stream.indirect.gather [spmem:s3], $0x30, s1, s7, $0xb8;
	[tilespmem:$0x1D278] =	vst v63  }
0x46: {  	_ = 	snop  }
0x47: {  	[spmem:s2] =	stream.indirect.scatter.add.f32 [tilespmem:s9], [sflag:$0x3], $0x30, s21, s7, $0xb8;
	[tilespmem:$0x1D278] =	vst v63  }
0x48: {  	_ =	swait.ge [sflag:s12], $0x6000  }
0x49: {  	[sflag:s12] =	ssyncset.done $0x0  }
0x4a: {  	[sflag:s12] =	ssyncadd.s32 $0xFFFFA000  }
0x4b: {  	_ =	swait.ge [sflag:s11], $0x6000  }
0x4c: {  	[sflag:s11] =	ssyncset.done $0x0  }
0x4d: {  	[sflag:s11] =	ssyncadd.s32 $0xFFFFA000  }
0x4e: {  	[tilespmem:s9], [sflag:$0x1] =	stream.indirect.gather [spmem:s3], $0x30, s28, s7, $0xb8;
	[tilespmem:$0x1D278] =	vst v63  }
0x4f: {  	_ = 	snop  }
0x50: {  	[spmem:s2] =	stream.indirect.scatter.add.f32 [tilespmem:s8], [sflag:$0x4], $0x30, s29, s7, $0xb8;
	[tilespmem:$0x1D278] =	vst v63  }
0x51: {  	_ =	swait.ge [sflag:s13], $0x6000  }
0x52: {  	[sflag:s13] =	ssyncset.done $0x0  }
0x53: {  	[sflag:s13] =	ssyncadd.s32 $0xFFFFA000  }
0x54: {  	_ =	swait.ge [sflag:s10], $0x6000  }
0x55: {  	[sflag:s10] =	ssyncset.done $0x0  }
0x56: {  	[sflag:s10] =	ssyncadd.s32 $0xFFFFA000  }
0x57: {  	[tilespmem:s8], [sflag:$0x2] =	stream.indirect.gather [spmem:s3], $0x30, s25, s7, $0xb8;
	[tilespmem:$0x1D278] =	vst v63  }
0x58: {  	_ = 	snop  }
0x59: {  	[spmem:s2] =	stream.indirect.scatter.add.f32 [tilespmem:s9], [sflag:$0x3], $0x30, s26, s7, $0xb8;
	[tilespmem:$0x1D278] =	vst v63  }
0x5a: {  	_ =	swait.ge [sflag:s12], $0x6000  }
0x5b: {  	[sflag:s12] =	ssyncset.done $0x0  }
0x5c: {  	[sflag:s12] =	ssyncadd.s32 $0xFFFFA000  }
0x5d: {  	_ =	swait.ge [sflag:s11], $0x6000  }
0x5e: {  	[sflag:s11] =	ssyncset.done $0x0  }
0x5f: {  	[sflag:s11] =	ssyncadd.s32 $0xFFFFA000  }
0x60: {  	[tilespmem:s9], [sflag:$0x1] =	stream.indirect.gather [spmem:s3], $0x30, s23, s7, $0xb8;
	[tilespmem:$0x1D278] =	vst v63  }
0x61: {  	_ = 	snop  }
0x62: {  	[spmem:s2] =	stream.indirect.scatter.add.f32 [tilespmem:s8], [sflag:$0x4], $0x30, s24, s7, $0xb8;
	[tilespmem:$0x1D278] =	vst v63  }
0x63: {  	_ =	swait.ge [sflag:s13], $0x6000  }
0x64: {  	[sflag:s13] =	ssyncset.done $0x0  }
0x65: {  	[sflag:s13] =	ssyncadd.s32 $0xFFFFA000  }
0x66: {  	_ =	swait.ge [sflag:s10], $0x6000  }
0x67: {  	[sflag:s10] =	ssyncset.done $0x0  }
0x68: {  	s1 =	simm.s32 $0xE00;
	[sflag:s10] =	ssyncadd.s32 $0xFFFFA000  }
0x69: {  	[tilespmem:s8], [sflag:$0x2] =	stream.indirect.gather [spmem:s3], $0x30, s1, s7, $0xb8;
	[tilespmem:$0x1D278] =	vst v63  }
0x6a: {  	_ = 	snop  }
0x6b: {  	[spmem:s2] =	stream.indirect.scatter.add.f32 [tilespmem:s9], [sflag:$0x3], $0x30, s22, s7, $0xb8;
	[tilespmem:$0x1D278] =	vst v63  }
0x6c: {  	_ =	swait.ge [sflag:s12], $0x6000  }
0x6d: {  	[sflag:s12] =	ssyncset.done $0x0  }
0x6e: {  	[sflag:s12] =	ssyncadd.s32 $0xFFFFA000  }
0x6f: {  	_ =	swait.ge [sflag:s11], $0x6000  }
0x70: {  	[sflag:s11] =	ssyncset.done $0x0  }
0x71: {  	[sflag:s11] =	ssyncadd.s32 $0xFFFFA000  }
0x72: {  	[tilespmem:s9], [sflag:$0x1] =	stream.indirect.gather [spmem:s3], $0x30, s19, s7, $0xb8;
	[tilespmem:$0x1D278] =	vst v63  }
0x73: {  	_ = 	snop  }
0x74: {  	[spmem:s2] =	stream.indirect.scatter.add.f32 [tilespmem:s8], [sflag:$0x4], $0x30, s20, s7, $0xb8;
	[tilespmem:$0x1D278] =	vst v63  }
0x75: {  	_ =	swait.ge [sflag:s13], $0x6000  }
0x76: {  	[sflag:s13] =	ssyncset.done $0x0  }
0x77: {  	[sflag:s13] =	ssyncadd.s32 $0xFFFFA000  }
0x78: {  	_ =	swait.ge [sflag:s10], $0x6000  }
0x79: {  	[sflag:s10] =	ssyncset.done $0x0  }
0x7a: {  	[sflag:s10] =	ssyncadd.s32 $0xFFFFA000  }
0x7b: {  	[tilespmem:s8], [sflag:$0x2] =	stream.indirect.gather [spmem:s3], $0x30, s16, s7, $0xb8;
	[tilespmem:$0x1D278] =	vst v63  }
0x7c: {  	_ = 	snop  }
0x7d: {  	[spmem:s2] =	stream.indirect.scatter.add.f32 [tilespmem:s9], [sflag:$0x3], $0x30, s18, s7, $0xb8;
	[tilespmem:$0x1D278] =	vst v63  }
0x7e: {  	_ =	swait.ge [sflag:s12], $0x6000  }
0x7f: {  	[sflag:s12] =	ssyncset.done $0x0  }
0x80: {  	[sflag:s12] =	ssyncadd.s32 $0xFFFFA000  }
0x81: {  	[spmem:s2] =	stream.indirect.scatter.add.f32 [tilespmem:s8], [sflag:$0x4], $0x30, s15, s7, $0xb8;
	[tilespmem:$0x1D278] =	vst v63  }
0x82: {  	_ =	swait.ge [sflag:s11], $0x6000  }
0x83: {  	[sflag:s11] =	ssyncset.done $0x0  }
0x84: {  	[sflag:s11] =	ssyncadd.s32 $0xFFFFA000  }
0x85: {  	_ =	swait.ge [sflag:s10], $0x6000  }
0x86: {  	s0 =	sadd.s32 $0xFFFFFFFF, s14;
	[sflag:s10] =	ssyncset.done $0x0  }
0x87: {  	p1 =	sne.s32 s0, $0x0;
	[sflag:s10] =	ssyncadd.s32 $0xFFFFA000  }
.Ltmp1:
0x88: {  	[bflag:$0x0] =	sbarrier.arrive $0xFFFF;
	(pc) =	sbr.rel @!p1 .LBB2_3-.Ltmp1, $4  }
0x89: {  	s1 =	rddreg [dreg:$0x7]  }
0x8a: {  	[hbm:s1], [sflag:s4] =	dma.local [spmem:s6], $0xEA6  }
0x8b: {  	_ =	swait.ge [sflag:s5], $0xEA6  }
0x8c: {  	p0 =	por $0x1, $0x1;
	s1 =	rddreg [dreg:$0x9];
	[sflag:s5] =	ssyncset.done $0x0  }
.LBB2_4:
0x8d: {  	[sflag:s5] =	ssyncadd.s32 $0xFFFFF15A  }
0x8e: {  	[spmem:s1], [sflag:s4] =	dma.local [hbm:s31], $0xEA6  }
0x8f: {  	_ =	swait.ge [sflag:s5], $0xEA6  }
0x90: {  	[sflag:s5] =	ssyncset.done $0x0  }
0x91: {  	s14 =	rddreg [dreg:$0x8];
	[sflag:s5] =	ssyncadd.s32 $0xFFFFF15A  }
0x92: {  	[spmem:s6], [sflag:s4] =	dma.local [hbm:s14], $0xEA6  }
0x93: {  	_ =	swait.ge [sflag:s5], $0xEA6  }
0x94: {  	[sflag:s5] =	ssyncset.done $0x0  }
0x95: {  	[sflag:s5] =	ssyncadd.s32 $0xFFFFF15A  }
0x96: {  	[bflag:$0x0] =	sbarrier.arrive $0xFFFF  }
0x97: {  	s14 =	rddreg [dreg:$0x5]  }
0x98: {  	[tilespmem:s17], [sflag:$0x5] =	stream.linear.gather [hbm4b:s14+s17], $0x1400, $0x38;
	[tilespmem:$0x1D278] =	vst v63  }
0x99: {  	_ =	swait.ge [sflag:s5], $0x1400  }
0x9a: {  	[sflag:s5] =	ssyncset.done $0x0  }
0x9b: {  	s14 =	rddreg [dreg:$0x6];
	[sflag:s5] =	ssyncadd.s32 $0xFFFFEC00  }
0x9c: {  	[tilespmem:s30], [sflag:$0x5] =	stream.linear.gather [hbm4b:s14+s17], $0x1400, $0x38;
	[tilespmem:$0x1D278] =	vst v63  }
0x9d: {  	_ =	swait.ge [sflag:s5], $0x1400  }
0x9e: {  	[sflag:s5] =	ssyncset.done $0x0  }
0x9f: {  	[sflag:s5] =	ssyncadd.s32 $0xFFFFEC00  }
0xa0: {  	[tilespmem:s9], [sflag:$0x1] =	stream.indirect.gather [spmem:s3], $0x30, s17, s7, $0xb8;
	[tilespmem:$0x1D278] =	vst v63  }
0xa1: {  	_ =	swait.ge [sflag:s13], $0x6000  }
0xa2: {  	[sflag:s13] =	ssyncset.done $0x0  }
0xa3: {  	[sflag:s13] =	ssyncadd.s32 $0xFFFFA000  }
0xa4: {  	[tilespmem:s8], [sflag:$0x2] =	stream.indirect.gather [spmem:s3], $0x30, s7, s7, $0xb8;
	[tilespmem:$0x1D278] =	vst v63  }
0xa5: {  	_ = 	snop  }
0xa6: {  	[spmem:s2] =	stream.indirect.scatter.add.f32 [tilespmem:s9], [sflag:$0x3], $0x30, s30, s7, $0xb8;
	[tilespmem:$0x1D278] =	vst v63  }
0xa7: {  	_ =	swait.ge [sflag:s12], $0x6000  }
0xa8: {  	[sflag:s12] =	ssyncset.done $0x0  }
0xa9: {  	[sflag:s12] =	ssyncadd.s32 $0xFFFFA000  }
0xaa: {  	_ =	swait.ge [sflag:s11], $0x6000  }
0xab: {  	[sflag:s11] =	ssyncset.done $0x0  }
0xac: {  	s1 =	rddreg [dreg:$0xa];
	[sflag:s11] =	ssyncadd.s32 $0xFFFFA000  }
0xad: {  	[tilespmem:s9], [sflag:$0x1] =	stream.indirect.gather [spmem:s3], $0x30, s1, s7, $0xb8;
	[tilespmem:$0x1D278] =	vst v63  }
0xae: {  	s14 =	rddreg [dreg:$0xb]  }
0xaf: {  	[spmem:s2] =	stream.indirect.scatter.add.f32 [tilespmem:s8], [sflag:$0x4], $0x30, s14, s7, $0xb8;
	[tilespmem:$0x1D278] =	vst v63  }
0xb0: {  	_ =	swait.ge [sflag:s13], $0x6000  }
0xb1: {  	[sflag:s13] =	ssyncset.done $0x0  }
0xb2: {  	[sflag:s13] =	ssyncadd.s32 $0xFFFFA000  }
0xb3: {  	_ =	swait.ge [sflag:s10], $0x6000  }
0xb4: {  	[sflag:s10] =	ssyncset.done $0x0  }
0xb5: {  	s14 =	rddreg [dreg:$0xc];
	[sflag:s10] =	ssyncadd.s32 $0xFFFFA000  }
0xb6: {  	[tilespmem:s8], [sflag:$0x2] =	stream.indirect.gather [spmem:s3], $0x30, s14, s7, $0xb8;
	[tilespmem:$0x1D278] =	vst v63  }
0xb7: {  	_ = 	snop  }
0xb8: {  	[spmem:s2] =	stream.indirect.scatter.add.f32 [tilespmem:s9], [sflag:$0x3], $0x30, s21, s7, $0xb8;
	[tilespmem:$0x1D278] =	vst v63  }
0xb9: {  	_ =	swait.ge [sflag:s12], $0x6000  }
0xba: {  	[sflag:s12] =	ssyncset.done $0x0  }
0xbb: {  	[sflag:s12] =	ssyncadd.s32 $0xFFFFA000  }
0xbc: {  	_ =	swait.ge [sflag:s11], $0x6000  }
0xbd: {  	[sflag:s11] =	ssyncset.done $0x0  }
0xbe: {  	[sflag:s11] =	ssyncadd.s32 $0xFFFFA000  }
0xbf: {  	[tilespmem:s9], [sflag:$0x1] =	stream.indirect.gather [spmem:s3], $0x30, s28, s7, $0xb8;
	[tilespmem:$0x1D278] =	vst v63  }
0xc0: {  	_ = 	snop  }
0xc1: {  	[spmem:s2] =	stream.indirect.scatter.add.f32 [tilespmem:s8], [sflag:$0x4], $0x30, s29, s7, $0xb8;
	[tilespmem:$0x1D278] =	vst v63  }
0xc2: {  	_ =	swait.ge [sflag:s13], $0x6000  }
0xc3: {  	[sflag:s13] =	ssyncset.done $0x0  }
0xc4: {  	[sflag:s13] =	ssyncadd.s32 $0xFFFFA000  }
0xc5: {  	_ =	swait.ge [sflag:s10], $0x6000  }
0xc6: {  	[sflag:s10] =	ssyncset.done $0x0  }
0xc7: {  	[sflag:s10] =	ssyncadd.s32 $0xFFFFA000  }
0xc8: {  	[tilespmem:s8], [sflag:$0x2] =	stream.indirect.gather [spmem:s3], $0x30, s25, s7, $0xb8;
	[tilespmem:$0x1D278] =	vst v63  }
0xc9: {  	_ = 	snop  }
0xca: {  	[spmem:s2] =	stream.indirect.scatter.add.f32 [tilespmem:s9], [sflag:$0x3], $0x30, s26, s7, $0xb8;
	[tilespmem:$0x1D278] =	vst v63  }
0xcb: {  	_ =	swait.ge [sflag:s12], $0x6000  }
0xcc: {  	[sflag:s12] =	ssyncset.done $0x0  }
0xcd: {  	[sflag:s12] =	ssyncadd.s32 $0xFFFFA000  }
0xce: {  	_ =	swait.ge [sflag:s11], $0x6000  }
0xcf: {  	[sflag:s11] =	ssyncset.done $0x0  }
0xd0: {  	[sflag:s11] =	ssyncadd.s32 $0xFFFFA000  }
0xd1: {  	[tilespmem:s9], [sflag:$0x1] =	stream.indirect.gather [spmem:s3], $0x30, s23, s7, $0xb8;
	[tilespmem:$0x1D278] =	vst v63  }
0xd2: {  	_ = 	snop  }
0xd3: {  	[spmem:s2] =	stream.indirect.scatter.add.f32 [tilespmem:s8], [sflag:$0x4], $0x30, s24, s7, $0xb8;
	[tilespmem:$0x1D278] =	vst v63  }
0xd4: {  	_ =	swait.ge [sflag:s13], $0x6000  }
0xd5: {  	[sflag:s13] =	ssyncset.done $0x0  }
0xd6: {  	[sflag:s13] =	ssyncadd.s32 $0xFFFFA000  }
0xd7: {  	_ =	swait.ge [sflag:s10], $0x6000  }
0xd8: {  	[sflag:s10] =	ssyncset.done $0x0  }
0xd9: {  	s14 =	simm.s32 $0xE00;
	[sflag:s10] =	ssyncadd.s32 $0xFFFFA000  }
0xda: {  	[tilespmem:s8], [sflag:$0x2] =	stream.indirect.gather [spmem:s3], $0x30, s14, s7, $0xb8;
	[tilespmem:$0x1D278] =	vst v63  }
0xdb: {  	_ = 	snop  }
0xdc: {  	[spmem:s2] =	stream.indirect.scatter.add.f32 [tilespmem:s9], [sflag:$0x3], $0x30, s22, s7, $0xb8;
	[tilespmem:$0x1D278] =	vst v63  }
0xdd: {  	_ =	swait.ge [sflag:s12], $0x6000  }
0xde: {  	[sflag:s12] =	ssyncset.done $0x0  }
0xdf: {  	[sflag:s12] =	ssyncadd.s32 $0xFFFFA000  }
0xe0: {  	_ =	swait.ge [sflag:s11], $0x6000  }
0xe1: {  	[sflag:s11] =	ssyncset.done $0x0  }
0xe2: {  	[sflag:s11] =	ssyncadd.s32 $0xFFFFA000  }
0xe3: {  	[tilespmem:s9], [sflag:$0x1] =	stream.indirect.gather [spmem:s3], $0x30, s19, s7, $0xb8;
	[tilespmem:$0x1D278] =	vst v63  }
0xe4: {  	_ = 	snop  }
0xe5: {  	[spmem:s2] =	stream.indirect.scatter.add.f32 [tilespmem:s8], [sflag:$0x4], $0x30, s20, s7, $0xb8;
	[tilespmem:$0x1D278] =	vst v63  }
0xe6: {  	_ =	swait.ge [sflag:s13], $0x6000  }
0xe7: {  	[sflag:s13] =	ssyncset.done $0x0  }
0xe8: {  	[sflag:s13] =	ssyncadd.s32 $0xFFFFA000  }
0xe9: {  	_ =	swait.ge [sflag:s10], $0x6000  }
0xea: {  	[sflag:s10] =	ssyncset.done $0x0  }
0xeb: {  	[sflag:s10] =	ssyncadd.s32 $0xFFFFA000  }
0xec: {  	[tilespmem:s8], [sflag:$0x2] =	stream.indirect.gather [spmem:s3], $0x30, s16, s7, $0xb8;
	[tilespmem:$0x1D278] =	vst v63  }
0xed: {  	_ = 	snop  }
0xee: {  	[spmem:s2] =	stream.indirect.scatter.add.f32 [tilespmem:s9], [sflag:$0x3], $0x30, s18, s7, $0xb8;
	[tilespmem:$0x1D278] =	vst v63  }
0xef: {  	_ =	swait.ge [sflag:s12], $0x6000  }
0xf0: {  	[sflag:s12] =	ssyncset.done $0x0  }
0xf1: {  	[sflag:s12] =	ssyncadd.s32 $0xFFFFA000  }
0xf2: {  	[spmem:s2] =	stream.indirect.scatter.add.f32 [tilespmem:s8], [sflag:$0x4], $0x30, s15, s7, $0xb8;
	[tilespmem:$0x1D278] =	vst v63  }
0xf3: {  	_ =	swait.ge [sflag:s11], $0x6000  }
0xf4: {  	[sflag:s11] =	ssyncset.done $0x0  }
0xf5: {  	[sflag:s11] =	ssyncadd.s32 $0xFFFFA000  }
0xf6: {  	_ =	swait.ge [sflag:s10], $0x6000  }
0xf7: {  	s0 =	sadd.s32 $0xFFFFFFFF, s0;
	[sflag:s10] =	ssyncset.done $0x0  }
0xf8: {  	p1 =	sne.s32 s0, $0x0;
	[sflag:s10] =	ssyncadd.s32 $0xFFFFA000  }
.Ltmp2:
0xf9: {  	[bflag:$0x0] =	sbarrier.arrive $0xFFFF;
	(pc) =	sbr.rel @p1 .LBB2_4-.Ltmp2, $4  }
0xfa: {  	s14 =	rddreg [dreg:$0x7]  }
0xfb: {  	[hbm:s14], [sflag:s4] =	dma.local [spmem:s6], $0xEA6  }
0xfc: {  	_ =	swait.ge [sflag:s5], $0xEA6  }
0xfd: {  	s1 =	rddreg [dreg:$0x9];
	[sflag:s5] =	ssyncset.done $0x0  }
0xfe: {  	s15 =	simm.s32 $0x1800;
	s29 =	simm.s32 $0x1A00  }
0xff: {  	s28 =	simm.s32 $0x800;
	s26 =	simm.s32 $0x1C00;
	s25 =	simm.s32 $0xA00  }
0x100: {  	s24 =	simm.s32 $0x1E00;
	s23 =	simm.s32 $0xC00;
	s22 =	simm.s32 $0x2000  }
0x101: {  	s21 =	simm.s32 $0xE00;
	s20 =	simm.s32 $0x2200;
	s19 =	simm.s32 $0x1000  }
0x102: {  	s18 =	simm.s32 $0x2400;
	s16 =	simm.s32 $0x1200;
	s14 =	rddreg [dreg:$0x4]  }
.LBB2_6:
0x103: {  	[sflag:s5] =	ssyncadd.s32 @p0 $0xFFFFF15A  }
0x104: {  	[spmem:s1], [sflag:s4] =	dma.local [hbm:s31], $0xEA6  }
0x105: {  	_ =	swait.ge [sflag:s5], $0xEA6  }
0x106: {  	[sflag:s5] =	ssyncset.done $0x0  }
0x107: {  	s0 =	rddreg [dreg:$0x8];
	[sflag:s5] =	ssyncadd.s32 $0xFFFFF15A  }
0x108: {  	[spmem:s6], [sflag:s4] =	dma.local [hbm:s0], $0xEA6  }
0x109: {  	_ =	swait.ge [sflag:s5], $0xEA6  }
0x10a: {  	[sflag:s5] =	ssyncset.done $0x0  }
0x10b: {  	[sflag:s5] =	ssyncadd.s32 $0xFFFFF15A  }
0x10c: {  	[bflag:$0x0] =	sbarrier.arrive $0xFFFF  }
0x10d: {  	s31 =	rddreg [dreg:$0x5]  }
0x10e: {  	[tilespmem:s17], [sflag:$0x5] =	stream.linear.gather [hbm4b:s31+s17], $0x1400, $0x38;
	[tilespmem:$0x1D278] =	vst v63  }
0x10f: {  	_ =	swait.ge [sflag:s5], $0x1400  }
0x110: {  	[sflag:s5] =	ssyncset.done $0x0  }
0x111: {  	s1 =	rddreg [dreg:$0x6];
	[sflag:s5] =	ssyncadd.s32 $0xFFFFEC00  }
0x112: {  	[tilespmem:s30], [sflag:$0x5] =	stream.linear.gather [hbm4b:s1+s17], $0x1400, $0x38;
	[tilespmem:$0x1D278] =	vst v63  }
0x113: {  	_ =	swait.ge [sflag:s5], $0x1400  }
0x114: {  	[sflag:s5] =	ssyncset.done $0x0  }
0x115: {  	[sflag:s5] =	ssyncadd.s32 $0xFFFFEC00  }
0x116: {  	[tilespmem:s9], [sflag:$0x1] =	stream.indirect.gather [spmem:s3], $0x30, s17, s7, $0xb8;
	[tilespmem:$0x1D278] =	vst v63  }
0x117: {  	_ =	swait.ge [sflag:s13], $0x6000  }
0x118: {  	[sflag:s13] =	ssyncset.done $0x0  }
0x119: {  	[sflag:s13] =	ssyncadd.s32 $0xFFFFA000  }
0x11a: {  	[tilespmem:s8], [sflag:$0x2] =	stream.indirect.gather [spmem:s3], $0x30, s7, s7, $0xb8;
	[tilespmem:$0x1D278] =	vst v63  }
0x11b: {  	_ = 	snop  }
0x11c: {  	[spmem:s2] =	stream.indirect.scatter.add.f32 [tilespmem:s9], [sflag:$0x3], $0x30, s30, s7, $0xb8;
	[tilespmem:$0x1D278] =	vst v63  }
0x11d: {  	_ =	swait.ge [sflag:s12], $0x6000  }
0x11e: {  	[sflag:s12] =	ssyncset.done $0x0  }
0x11f: {  	[sflag:s12] =	ssyncadd.s32 $0xFFFFA000  }
0x120: {  	_ =	swait.ge [sflag:s11], $0x6000  }
0x121: {  	[sflag:s11] =	ssyncset.done $0x0  }
0x122: {  	s30 =	rddreg [dreg:$0xa];
	[sflag:s11] =	ssyncadd.s32 $0xFFFFA000  }
0x123: {  	[tilespmem:s9], [sflag:$0x1] =	stream.indirect.gather [spmem:s3], $0x30, s30, s7, $0xb8;
	[tilespmem:$0x1D278] =	vst v63  }
0x124: {  	s31 =	rddreg [dreg:$0xb]  }
0x125: {  	[spmem:s2] =	stream.indirect.scatter.add.f32 [tilespmem:s8], [sflag:$0x4], $0x30, s31, s7, $0xb8;
	[tilespmem:$0x1D278] =	vst v63  }
0x126: {  	_ =	swait.ge [sflag:s13], $0x6000  }
0x127: {  	[sflag:s13] =	ssyncset.done $0x0  }
0x128: {  	[sflag:s13] =	ssyncadd.s32 $0xFFFFA000  }
0x129: {  	_ =	swait.ge [sflag:s10], $0x6000  }
0x12a: {  	[sflag:s10] =	ssyncset.done $0x0  }
0x12b: {  	s17 =	rddreg [dreg:$0xc];
	[sflag:s10] =	ssyncadd.s32 $0xFFFFA000  }
0x12c: {  	[tilespmem:s8], [sflag:$0x2] =	stream.indirect.gather [spmem:s3], $0x30, s17, s7, $0xb8;
	[tilespmem:$0x1D278] =	vst v63  }
0x12d: {  	_ = 	snop  }
0x12e: {  	[spmem:s2] =	stream.indirect.scatter.add.f32 [tilespmem:s9], [sflag:$0x3], $0x30, s15, s7, $0xb8;
	[tilespmem:$0x1D278] =	vst v63  }
0x12f: {  	_ =	swait.ge [sflag:s12], $0x6000  }
0x130: {  	[sflag:s12] =	ssyncset.done $0x0  }
0x131: {  	[sflag:s12] =	ssyncadd.s32 $0xFFFFA000  }
0x132: {  	_ =	swait.ge [sflag:s11], $0x6000  }
0x133: {  	[sflag:s11] =	ssyncset.done $0x0  }
0x134: {  	[sflag:s11] =	ssyncadd.s32 $0xFFFFA000  }
0x135: {  	[tilespmem:s9], [sflag:$0x1] =	stream.indirect.gather [spmem:s3], $0x30, s28, s7, $0xb8;
	[tilespmem:$0x1D278] =	vst v63  }
0x136: {  	_ = 	snop  }
0x137: {  	[spmem:s2] =	stream.indirect.scatter.add.f32 [tilespmem:s8], [sflag:$0x4], $0x30, s29, s7, $0xb8;
	[tilespmem:$0x1D278] =	vst v63  }
0x138: {  	_ =	swait.ge [sflag:s13], $0x6000  }
0x139: {  	[sflag:s13] =	ssyncset.done $0x0  }
0x13a: {  	[sflag:s13] =	ssyncadd.s32 $0xFFFFA000  }
0x13b: {  	_ =	swait.ge [sflag:s10], $0x6000  }
0x13c: {  	[sflag:s10] =	ssyncset.done $0x0  }
0x13d: {  	[sflag:s10] =	ssyncadd.s32 $0xFFFFA000  }
0x13e: {  	[tilespmem:s8], [sflag:$0x2] =	stream.indirect.gather [spmem:s3], $0x30, s25, s7, $0xb8;
	[tilespmem:$0x1D278] =	vst v63  }
0x13f: {  	_ = 	snop  }
0x140: {  	[spmem:s2] =	stream.indirect.scatter.add.f32 [tilespmem:s9], [sflag:$0x3], $0x30, s26, s7, $0xb8;
	[tilespmem:$0x1D278] =	vst v63  }
0x141: {  	_ =	swait.ge [sflag:s12], $0x6000  }
0x142: {  	[sflag:s12] =	ssyncset.done $0x0  }
0x143: {  	[sflag:s12] =	ssyncadd.s32 $0xFFFFA000  }
0x144: {  	_ =	swait.ge [sflag:s11], $0x6000  }
0x145: {  	[sflag:s11] =	ssyncset.done $0x0  }
0x146: {  	[sflag:s11] =	ssyncadd.s32 $0xFFFFA000  }
0x147: {  	[tilespmem:s9], [sflag:$0x1] =	stream.indirect.gather [spmem:s3], $0x30, s23, s7, $0xb8;
	[tilespmem:$0x1D278] =	vst v63  }
0x148: {  	_ = 	snop  }
0x149: {  	[spmem:s2] =	stream.indirect.scatter.add.f32 [tilespmem:s8], [sflag:$0x4], $0x30, s24, s7, $0xb8;
	[tilespmem:$0x1D278] =	vst v63  }
0x14a: {  	_ =	swait.ge [sflag:s13], $0x6000  }
0x14b: {  	[sflag:s13] =	ssyncset.done $0x0  }
0x14c: {  	[sflag:s13] =	ssyncadd.s32 $0xFFFFA000  }
0x14d: {  	_ =	swait.ge [sflag:s10], $0x6000  }
0x14e: {  	[sflag:s10] =	ssyncset.done $0x0  }
0x14f: {  	[sflag:s10] =	ssyncadd.s32 $0xFFFFA000  }
0x150: {  	[tilespmem:s8], [sflag:$0x2] =	stream.indirect.gather [spmem:s3], $0x30, s21, s7, $0xb8;
	[tilespmem:$0x1D278] =	vst v63  }
0x151: {  	_ = 	snop  }
0x152: {  	[spmem:s2] =	stream.indirect.scatter.add.f32 [tilespmem:s9], [sflag:$0x3], $0x30, s22, s7, $0xb8;
	[tilespmem:$0x1D278] =	vst v63  }
0x153: {  	_ =	swait.ge [sflag:s12], $0x6000  }
0x154: {  	[sflag:s12] =	ssyncset.done $0x0  }
0x155: {  	[sflag:s12] =	ssyncadd.s32 $0xFFFFA000  }
0x156: {  	_ =	swait.ge [sflag:s11], $0x6000  }
0x157: {  	[sflag:s11] =	ssyncset.done $0x0  }
0x158: {  	[sflag:s11] =	ssyncadd.s32 $0xFFFFA000  }
0x159: {  	[tilespmem:s9], [sflag:$0x1] =	stream.indirect.gather [spmem:s3], $0x30, s19, s7, $0xb8;
	[tilespmem:$0x1D278] =	vst v63  }
0x15a: {  	_ = 	snop  }
0x15b: {  	[spmem:s2] =	stream.indirect.scatter.add.f32 [tilespmem:s8], [sflag:$0x4], $0x30, s20, s7, $0xb8;
	[tilespmem:$0x1D278] =	vst v63  }
0x15c: {  	_ =	swait.ge [sflag:s13], $0x6000  }
0x15d: {  	[sflag:s13] =	ssyncset.done $0x0  }
0x15e: {  	[sflag:s13] =	ssyncadd.s32 $0xFFFFA000  }
0x15f: {  	_ =	swait.ge [sflag:s10], $0x6000  }
0x160: {  	[sflag:s10] =	ssyncset.done $0x0  }
0x161: {  	[sflag:s10] =	ssyncadd.s32 $0xFFFFA000  }
0x162: {  	[tilespmem:s8], [sflag:$0x2] =	stream.indirect.gather [spmem:s3], $0x30, s16, s7, $0xb8;
	[tilespmem:$0x1D278] =	vst v63  }
0x163: {  	_ = 	snop  }
0x164: {  	[spmem:s2] =	stream.indirect.scatter.add.f32 [tilespmem:s9], [sflag:$0x3], $0x30, s18, s7, $0xb8;
	[tilespmem:$0x1D278] =	vst v63  }
0x165: {  	_ =	swait.ge [sflag:s12], $0x6000  }
0x166: {  	[sflag:s12] =	ssyncset.done $0x0  }
0x167: {  	s29 =	simm.s32 $0x2600;
	[sflag:s12] =	ssyncadd.s32 $0xFFFFA000  }
0x168: {  	[spmem:s2] =	stream.indirect.scatter.add.f32 [tilespmem:s8], [sflag:$0x4], $0x30, s29, s7, $0xb8;
	[tilespmem:$0x1D278] =	vst v63  }
0x169: {  	_ =	swait.ge [sflag:s11], $0x6000  }
0x16a: {  	[sflag:s11] =	ssyncset.done $0x0  }
0x16b: {  	[sflag:s11] =	ssyncadd.s32 $0xFFFFA000  }
0x16c: {  	_ =	swait.ge [sflag:s10], $0x6000  }
0x16d: {  	[sflag:s10] =	ssyncset.done $0x0  }
0x16e: {  	[sflag:s10] =	ssyncadd.s32 $0xFFFFA000  }
0x16f: {  	[bflag:$0x0] =	sbarrier.arrive $0xFFFF  }
0x170: {  	s30 =	rddreg [dreg:$0x7]  }
0x171: {  	[hbm:s30], [sflag:s4] =	dma.local [spmem:s6], $0xEA6  }
0x172: {  	_ =	swait.ge [sflag:s5], $0xEA6  }
0x173: {  	[sflag:s5] =	ssyncset.done $0x0  }
0x174: {  	[sflag:s5] =	ssyncadd.s32 $0xFFFFF15A  }
0x175: {  	_ =	sfence.sel $0x180000  }
0x176: {  	s31 =	stileid.u32;
	[bflag:$0x0] =	sbarrier.arrive $0xFFFF  }
0x177: {  	p0 =	sne.s32 s31, $0x0;
	_ =	strace $0x9000004D  }
0x178: {  	s0 =	sadd.s32 @!p0 $0x100000, s14;
	[bflag:$0x2] =	sbarrier.arrive $0xFFFF  }
0x179: {  	[sflag:s0] =	ssyncadd.tile.s32 @!p0 $0x1;
	_ =	shalt  }
.LBB2_1:
.Ltmp3:
0x17a: {  	s15 =	simm.s32 $0x1800;
	(pc) =	sbr.rel .LBB2_6-.Ltmp3, $4  }
0x17b: {  	s29 =	simm.s32 $0x1A00;
	s28 =	simm.s32 $0x800;
	s26 =	simm.s32 $0x1C00  }
0x17c: {  	s25 =	simm.s32 $0xA00;
	s24 =	simm.s32 $0x1E00;
	s23 =	simm.s32 $0xC00  }
0x17d: {  	s22 =	simm.s32 $0x2000;
	s21 =	simm.s32 $0xE00;
	s20 =	simm.s32 $0x2200  }
0x17e: {  	s19 =	simm.s32 $0x1000;
	s18 =	simm.s32 $0x2400;
	s16 =	simm.s32 $0x1200  }
.LBB2_3:
.Ltmp4:
0x17f: {  	s15 =	simm.s32 $0x1800;
	s29 =	simm.s32 $0x1A00;
	(pc) =	sbr.rel .LBB2_6-.Ltmp4, $4  }
0x180: {  	s28 =	simm.s32 $0x800;
	s26 =	simm.s32 $0x1C00;
	s25 =	simm.s32 $0xA00  }
0x181: {  	s24 =	simm.s32 $0x1E00;
	s23 =	simm.s32 $0xC00;
	s22 =	simm.s32 $0x2000  }
0x182: {  	s21 =	simm.s32 $0xE00;
	s20 =	simm.s32 $0x2200;
	s19 =	simm.s32 $0x1000  }
0x183: {  	s18 =	simm.s32 $0x2400;
	s16 =	simm.s32 $0x1200;
	s14 =	rddreg [dreg:$0x4]  }
.Lfunc_end2:
_tile_overlayer_lowered:
.L_overlay_start_2:
0x184: {  	(tag) =	ssettag $0x2  }
0x185: {  	s0 =	rddreg [dreg:$0x0];
	s2 =	stileid.u32  }
0x186: {  	s1 =	rddreg [dreg:$0x1];
	p0 =	sne.s32 s2, $0x0  }
0x187: {  	s3 =	rddreg [dreg:$0x2];
	[bflag:$0x3] =	sbarrier.arrive $0xFFFF;
	s2 =	simm.s32 @!p0 $0x1C05  }
0x188: {  	[timem:s3], [sflag:s2] =	dma.local @!p0 [hbm:s0], s1  }
0x189: {  	s0 =	simm.s32 @!p0 $0x5  }
0x18a: {  	_ =	swait.ge @!p0 [sflag:s0], s1  }
0x18b: {  	s1 =	ssub.s32 @!p0 $0x0, s1;
	[sflag:s0] =	ssyncset.done @!p0 $0x0  }
0x18c: {  	[sflag:s0] =	ssyncadd.s32 @!p0 s1  }
0x18d: {  	[bflag:$0x3] =	sbarrier.arrive $0xFFFF  }
0x18e: {  	_ =	shalt  }

// kernel: kernel.8.cloned.1.call-start
scs
__scs_entry_jumppad:
0x0: {  	(pc) =	sbr.rel $0x88, $3  }
0x1: {  	(tag) =	ssettag $0x0;
	lr =	simm.s32 $0x1  }
0x2: {  	[smem:$0x3F9B] =	sst lr;
	_ =	strace $0xD0000000  }
0x3: {  	_ = 	snop  }
0x4: {  	_ = 	snop  }
0x5: {  	_ = 	snop  }
0x6: {  	_ = 	snop  }
0x7: {  	_ = 	snop  }
__scs_overlays_trampoline_lowered:
0x8: {  	[smem:$0x3FAA] =	sst s0  }
0x9: {  	[smem:$0x3FAB] =	sst s1  }
0xa: {  	[smem:$0x3FAC] =	sst s2  }
0xb: {  	[smem:$0x3FAD] =	sst s3  }
0xc: {  	[smem:$0x3FAE] =	sst s4  }
0xd: {  	[smem:$0x3FAF] =	sst s5  }
0xe: {  	[smem:$0x3FB0] =	sst s6  }
0xf: {  	[smem:$0x3FB1] =	sst s7  }
0x10: {  	[smem:$0x3FB2] =	sst s8  }
0x11: {  	[smem:$0x3FB3] =	sst s9;
	s0 =	simm.s32 @!p0 $0x0  }
0x12: {  	s1 =	sld [smem:$0x3F99];
	s0 =	simm.s32 @p0 $0x1  }
0x13: {  	[smem:$0x3FB4] =	sst s0;
	s0 =	simm.s32 @!p1 $0x0  }
0x14: {  	s2 =	sld [smem:$0x3F98];
	s0 =	simm.s32 @p1 $0x1  }
0x15: {  	[smem:$0x3FB5] =	sst s0;
	s0 =	simm.s32 @!p2 $0x0  }
0x16: {  	s3 =	sld [smem:$0x3FDB];
	s0 =	simm.s32 @p2 $0x1  }
0x17: {  	s4 =	simm.s32 $0x1BF5;
	[smem:$0x3FB7] =	sst s0  }
0x18: {  	s0 =	sld [smem:$0x3F9A];
	_ =	swait.ge [sflag:s4], $0x0  }
0x19: {  	s7 =	sld [smem:$0x3F9B]  }
0x1a: {  	s8 =	sadd.s32 $0xFFFFE003, lr  }
0x1b: {  	s9 =	sadd.s32 $0xFFFFFEF7, lr;
	s5 =	simm.s32 $0xFFFFFFFF;
	p2 =	slt.u32 s8, $0xFFFFF086  }
0x1c: {  	p1 =	slt.u32 s9, $0xF7A;
	s5 =	simm.s32 @!p2 $0x0  }
0x1d: {  	s5 =	simm.s32 @p1 $0x1;
	p0 =	seq.s32 s7, s2  }
0x1e: {  	s7 =	smul.u32 @!p0 $0xF7A, s2;
	p2 =	seq.s32 @!p0 s5, $0x0  }
0x1f: {  	s9 =	smul.u32 $0xF7A, s1;
	s8 =	simm.s32 @!p0 $0x1BF5;
	p2 =	por !p2, p0  }
0x20: {  	[sflag:s8] =	ssyncset.s32 @!p0 $0xFFFFF086;
	s6 =	sadd.s32 @!p0 s3, s7;
	s7 =	simm.s32 @!p0 $0x108  }
0x21: {  	s3 =	sadd.s32 s3, s9;
	s6 =	sadd.s32 @!p0 $0x88, s6;
	s7 =	simm.s32 @p2 $0x1082  }
0x22: {  	[simem:s7], [sflag:s8] =	dma.local @!p0 [hbm:s6], $0xF7A  }
0x23: {  	s9 =	sor.u32 $0xD0000000, s2;
	s6 =	simm.s32 $0x108;
	_ =	swait.ge @!p0 [sflag:s8], $0x0  }
0x24: {  	s3 =	sadd.s32 $0x88, s3;
	s6 =	simm.s32 @!p1 $0x1082;
	[sflag:s4] =	ssyncset.s32 $0xFFFFF086  }
0x25: {  	[simem:s6], [sflag:s4] =	dma.local [hbm:s3], $0xF7A  }
0x26: {  	[smem:$0x3F9B] =	sst s1;
	(tag) =	ssettag s2;
	_ =	strace s9  }
0x27: {  	s1 =	sld [smem:$0x3FAB]  }
0x28: {  	s2 =	sld [smem:$0x3FAC]  }
0x29: {  	s4 =	sld [smem:$0x3FAE]  }
0x2a: {  	p0 =	seq.s32 s5, $0x0;
	s5 =	sld [smem:$0x3FAF]  }
0x2b: {  	s6 =	sld [smem:$0x3FB0]  }
0x2c: {  	s7 =	sld [smem:$0x3FB1]  }
0x2d: {  	s3 =	simm.s32 $0x108;
	s8 =	sld [smem:$0x3FB2]  }
0x2e: {  	s3 =	simm.s32 @!p0 $0x1082;
	s9 =	sld [smem:$0x3FB3]  }
0x2f: {  	lr =	sadd.s32 s0, s3;
	s0 =	sld [smem:$0x3FAA]  }
0x30: {  	s3 =	sld [smem:$0x3FAD]  }
0x31: {  	[smem:$0x3FB6] =	sst s10  }
0x32: {  	s10 =	sld [smem:$0x3FB4];
	_ =	sdelay $0x3  }
0x33: {  	p0 =	seq.s32 s10, $0x1;
	s10 =	sld [smem:$0x3FB6];
	_ =	sdelay $0x3  }
0x34: {  	[smem:$0x3FB6] =	sst s10  }
0x35: {  	s10 =	sld [smem:$0x3FB5];
	_ =	sdelay $0x3  }
0x36: {  	p1 =	seq.s32 s10, $0x1;
	s10 =	sld [smem:$0x3FB6];
	_ =	sdelay $0x3  }
0x37: {  	[smem:$0x3FB6] =	sst s10  }
0x38: {  	s10 =	sld [smem:$0x3FB7]  }
0x39: {  	_ = 	snop;
	(pc) =	sbr.ind lr, $3  }
0x3a: {  	_ = 	snop  }
0x3b: {  	_ = 	snop  }
0x3c: {  	p2 =	seq.s32 s10, $0x1;
	s10 =	sld [smem:$0x3FB6]  }
0x3d: {  	_ =	shalt  }
0x3e: {  	_ =	shalt  }
0x3f: {  	_ =	shalt  }
0x40: {  	_ =	shalt  }
0x41: {  	_ =	shalt  }
0x42: {  	_ =	shalt  }
0x43: {  	_ =	shalt  }
0x44: {  	_ =	shalt  }
0x45: {  	_ =	shalt  }
0x46: {  	_ =	shalt  }
0x47: {  	_ =	shalt  }
0x48: {  	_ =	shalt  }
0x49: {  	_ =	shalt  }
0x4a: {  	_ =	shalt  }
0x4b: {  	_ =	shalt  }
0x4c: {  	_ =	shalt  }
0x4d: {  	_ =	shalt  }
0x4e: {  	_ =	shalt  }
0x4f: {  	_ =	shalt  }
0x50: {  	_ =	shalt  }
0x51: {  	_ =	shalt  }
0x52: {  	_ =	shalt  }
0x53: {  	_ =	shalt  }
0x54: {  	_ =	shalt  }
0x55: {  	_ =	shalt  }
0x56: {  	_ =	shalt  }
0x57: {  	_ =	shalt  }
0x58: {  	_ =	shalt  }
0x59: {  	_ =	shalt  }
0x5a: {  	_ =	shalt  }
0x5b: {  	_ =	shalt  }
0x5c: {  	_ =	shalt  }
0x5d: {  	_ =	shalt  }
0x5e: {  	_ =	shalt  }
0x5f: {  	_ =	shalt  }
0x60: {  	_ =	shalt  }
0x61: {  	_ =	shalt  }
0x62: {  	_ =	shalt  }
0x63: {  	_ =	shalt  }
0x64: {  	_ =	shalt  }
0x65: {  	_ =	shalt  }
0x66: {  	_ =	shalt  }
0x67: {  	_ =	shalt  }
0x68: {  	_ =	shalt  }
0x69: {  	_ =	shalt  }
0x6a: {  	_ =	shalt  }
0x6b: {  	_ =	shalt  }
0x6c: {  	_ =	shalt  }
0x6d: {  	_ =	shalt  }
0x6e: {  	_ =	shalt  }
0x6f: {  	_ =	shalt  }
0x70: {  	_ =	shalt  }
0x71: {  	_ =	shalt  }
0x72: {  	_ =	shalt  }
0x73: {  	_ =	shalt  }
0x74: {  	_ =	shalt  }
0x75: {  	_ =	shalt  }
0x76: {  	_ =	shalt  }
0x77: {  	_ =	shalt  }
0x78: {  	_ =	shalt  }
0x79: {  	_ =	shalt  }
0x7a: {  	_ =	shalt  }
0x7b: {  	_ =	shalt  }
0x7c: {  	_ =	shalt  }
0x7d: {  	_ =	shalt  }
0x7e: {  	_ =	shalt  }
0x7f: {  	_ =	shalt  }
0x80: {  	_ =	shalt  }
0x81: {  	_ =	shalt  }
0x82: {  	_ =	shalt  }
0x83: {  	_ =	shalt  }
0x84: {  	_ =	shalt  }
0x85: {  	_ =	shalt  }
0x86: {  	_ =	shalt  }
0x87: {  	_ =	shalt  }
.Lfunc_end0:
.L_simem_size_0:
called_computation_lowered:
.L_overlay_start_0:
0x88: {  	s2 =	sld [smem:$0x3FD9]  }
0x89: {  	s3 =	sld [smem:$0x3FFE];
	_ =	sdelay $0x1  }
0x8a: {  	s1 =	srdreg.scid  }
0x8b: {  	s0 =	sand.u32 $0x1, s1  }
0x8c: {  	s17 =	sshll.u32 s0, $0xA;
	s2 =	sadd.s32 s3, s2  }
0x8d: {  	s2 =	sadd.s32 s2, s17  }
0x8e: {  	[smem:$0x3FC2] =	sst s2  }
0x8f: {  	_ = 	snop  }
0x90: {  	s2 =	sld [smem:$0x3FD0];
	(tm) =	ssettm $0x1  }
0x91: {  	s18 =	sld [smem:$0x3FFB];
	_ =	sdelay $0x3  }
0x92: {  	_ =	strace s18  }
0x93: {  	s3 =	sld [smem:$0x3FFC];
	_ =	sdelay $0x3  }
0x94: {  	_ =	strace s3  }
0x95: {  	s3 =	sld [smem:$0x3FFD];
	_ =	sdelay $0x3  }
0x96: {  	_ =	strace s3  }
0x97: {  	_ =	strace $0x8FFFFFFF  }
0x98: {  	s19 =	sld [smem:$0x3FDB];
	_ =	sdelay $0x1  }
0x99: {  	s4 =	simm.s32 $_scs_section_size  }
0x9a: {  	s5 =	simm.s32 $_size__tile_overlayer_lowered;
	s6 =	simm.s32 $_tile_overlayer_lowered  }
0x9b: {  	s22 =	simm.s32 $0x1BFF;
	s21 =	sshll.u32 s6, $0x1;
	s3 =	sadd.s32 s4, s19  }
0x9c: {  	s7 =	simm.s32 $0x0;
	s20 =	sshll.u32 s5, $0x1;
	s5 =	sadd.s32 s21, s3  }
0x9d: {  	[timem:s7], [sflag:s22] =	dma.local [hbm:s5], s20  }
0x9e: {  	_ =	swait.ge [sflag:s22], s20  }
0x9f: {  	s4 =	ssub.s32 $0x0, s20;
	[sflag:s22] =	ssyncset.done $0x0  }
0xa0: {  	[sflag:s22] =	ssyncadd.s32 s4;
	_ =	sdelay $0x1  }
0xa1: {  	s23 =	simm.s32 $0x1B8B  }
0xa2: {  	_ =	swait.ge [sflag:s23], $0x1  }
0xa3: {  	[sflag:s23] =	ssyncset.done $0x0  }
0xa4: {  	s25 =	simm.s32 $0x1B8E;
	s24 =	sld [smem:$0x3FFE];
	[sflag:s23] =	ssyncadd.s32 $0xFFFFFFFF  }
0xa5: {  	s26 =	simm.s32 $execute0_lowered;
	[smem:$0x3FD2] =	sst s25  }
0xa6: {  	s5 =	sshll.u32 s26, $0x1;
	_ =	strace $0x80000046;
	[dreg:$0x1] =	wrdreg $0xFFFFFFFF  }
0xa7: {  	s28 =	simm.s32 $_size_execute0_lowered;
	s3 =	sadd.s32 s3, s5;
	[dreg:$0x0] =	wrdreg $0x0  }
0xa8: {  	s5 =	sshll.u32 s28, $0x1;
	[dreg:$0x2] =	wrdreg s3  }
0xa9: {  	[dreg:$0x3] =	wrdreg s5  }
0xaa: {  	[dreg:$0x4] =	wrdreg $0xC0  }
0xab: {  	_ =	task [dreg:s7], $0x5FFFF  }
0xac: {  	[dreg:$0x1] =	wrdreg $0xFFFFFFFF  }
0xad: {  	[dreg:$0x0] =	wrdreg $0x60  }
0xae: {  	[dreg:$0x2] =	wrdreg s2  }
0xaf: {  	[dreg:$0x3] =	wrdreg s24  }
0xb0: {  	[dreg:$0x4] =	wrdreg $0x34000  }
0xb1: {  	[dreg:$0x5] =	wrdreg $0x9  }
0xb2: {  	_ =	task.clear_ibuf [dreg:s7], $0x6FFFF;
	_ =	strace $0x90000046  }
0xb3: {  	s29 =	simm.s32 $0x9;
	_ =	strace $0x80000048  }
0xb4: {  	_ =	swait.ge [sflag:s29], $0x1  }
0xb5: {  	[sflag:s29] =	ssyncadd.s32 $0xFFFFFFFF  }
0xb6: {  	_ =	strace $0x90000048  }
0xb7: {  	_ =	sfence  }
0xb8: {  	s30 =	sld [smem:$0x0];
	_ =	sdelay $0x2  }
0xb9: {  	s31 =	sshll.u32 s1, $0xD;
	s1 =	sshrl.u32 s1, $0x2  }
0xba: {  	s3 =	sand.u32 $0x4000, s31;
	s1 =	sadd.s32 s1, s30  }
0xbb: {  	s0 =	sor.u32 s3, s0;
	s1 =	sshll.u32 s1, $0x11  }
0xbc: {  	s0 =	sor.u32 s1, s0  }
0xbd: {  	s0 =	sadd.s32 $0x8F2B, s0  }
0xbe: {  	[sflag:s0] =	ssyncadd.remote.s32 $0x1  }
0xbf: {  	_ =	sfence.sel $0xFFFF  }
0xc0: {  	[dreg:$0x0] =	wrdreg $0xFFFFFFFF;
	(pc) =	sbr.abs _section_cstart, $3  }
0xc1: {  	[dreg:$0x1] =	wrdreg $0xFFFFFFFF  }
0xc2: {  	_ =	task.clear_ibuf [dreg:s7], $0x2FFFF;
	_ =	strace $0x9FFFFFFF  }
0xc3: {  	(tm) =	ssettm $0x7FFFFFFF  }
tec
execute0_lowered:
.L_overlay_start_1:
0x0: {  	(tag) =	ssettag $0x1  }
0x1: {  	s10 =	rddreg [dreg:$0x0]  }
0x2: {  	s15 =	rddreg [dreg:$0x1]  }
0x3: {  	s2 =	rddreg [dreg:$0x2]  }
0x4: {  	s1 =	stileid.u32;
	s0 =	rddreg [dreg:$0x3]  }
0x5: {  	s3 =	simm.s32 $0x0;
	s5 =	srdreg.scid;
	s16 =	smul.u32 $0x1388, s1  }
0x6: {  	s6 =	simm.s32 $0x1400;
	[smem:$0x7FF] =	sst s3;
	s17 =	sand.u32 $0x1, s5  }
0x7: {  	s5 =	simm.s32 $0x1;
	s29 =	sshll.u32 s1, $0x6;
	s4 =	sshrl.u32 s16, $0x3  }
0x8: {  	_ =	strace $0x80000047;
	s7 =	sadd.s32 s4, s15;
	s4 =	sadd.s32 $0x4200, s15  }
0x9: {  	[tilespmem:s6], [sflag:$0x1] =	stream.linear.gather [hbm4b:s4+s3], $0x2000, $0x38;
	[tilespmem:$0x4790] =	vst v63  }
0xa: {  	s8 =	sshll.u32 s17, $0x4;
	s9 =	sadd.s32 s16, s2;
	_ =	swait.ge [sflag:s5], $0x2000  }
0xb: {  	s11 =	sor.u32 s1, s8;
	s8 =	sor.u32 $0x1C01, s29;
	[sflag:s5] =	ssyncset.done $0x0  }
0xc: {  	s9 =	sshrl.u32 s9, $0x3;
	s7 =	sadd.s32 $0x1A00, s7;
	[sflag:s5] =	ssyncadd.s32 $0xFFFFE000  }
0xd: {  	[spmem:s9], [sflag:s8] =	dma.local [hbm:s7], $0x271  }
0xe: {  	s11 =	smul.u32 $0x280, s11;
	_ =	swait.ge [sflag:s5], $0x271  }
0xf: {  	[sflag:s5] =	ssyncset.done $0x0  }
0x10: {  	s10 =	sadd.s32 s10, s11;
	[sflag:s5] =	ssyncadd.s32 $0xFFFFFD8F  }
0x11: {  	[tilespmem:s3], [sflag:$0x1] =	stream.linear.gather [hbm4b:s10+s3], $0x1400, $0x38;
	[tilespmem:$0x4790] =	vst v63  }
0x12: {  	_ =	swait.ge [sflag:s5], $0x1400  }
0x13: {  	[sflag:s5] =	ssyncset.done $0x0  }
0x14: {  	[sflag:s5] =	ssyncadd.s32 $0xFFFFEC00  }
0x15: {  	s11 =	simm.s32 $0x400;
	[bflag:$0x0] =	sbarrier.arrive $0xFFFF  }
0x16: {  	[spmem:s2] =	stream.indirect.scatter.add.f32 [tilespmem:s6], [sflag:$0x1], $0x8, s3, s11, $0xb8;
	[tilespmem:$0x4790] =	vst v63  }
0x17: {  	_ =	swait.ge [sflag:s5], $0x2000  }
0x18: {  	[sflag:s5] =	ssyncset.done $0x0  }
0x19: {  	[sflag:s5] =	ssyncadd.s32 $0xFFFFE000  }
0x1a: {  	[spmem:s2] =	stream.indirect.scatter.add.f32 [tilespmem:s6], [sflag:$0x1], $0x8, s11, s11, $0xb8;
	[tilespmem:$0x4790] =	vst v63  }
0x1b: {  	_ =	swait.ge [sflag:s5], $0x2000  }
0x1c: {  	[sflag:s5] =	ssyncset.done $0x0  }
0x1d: {  	s12 =	simm.s32 $0x800;
	[sflag:s5] =	ssyncadd.s32 $0xFFFFE000  }
0x1e: {  	[spmem:s2] =	stream.indirect.scatter.add.f32 [tilespmem:s6], [sflag:$0x1], $0x8, s12, s11, $0xb8;
	[tilespmem:$0x4790] =	vst v63  }
0x1f: {  	_ =	swait.ge [sflag:s5], $0x2000  }
0x20: {  	[sflag:s5] =	ssyncset.done $0x0  }
0x21: {  	s13 =	simm.s32 $0xC00;
	s18 =	smul.u32 $0x13880, s17;
	[sflag:s5] =	ssyncadd.s32 $0xFFFFE000  }
0x22: {  	[spmem:s2] =	stream.indirect.scatter.add.f32 [tilespmem:s6], [sflag:$0x1], $0x8, s13, s11, $0xb8;
	[tilespmem:$0x4790] =	vst v63  }
0x23: {  	s14 =	simm.s32 $0x1000;
	s17 =	ssub.s32 $0x2, s17;
	_ =	swait.ge [sflag:s5], $0x2000  }
0x24: {  	s30 =	sshrl.u32 s17, $0x1;
	s16 =	sadd.s32 s16, s18;
	[sflag:s5] =	ssyncset.done $0x0  }
0x25: {  	s31 =	ssub.s32 s17, s30;
	s16 =	sshrl.u32 s16, $0x3;
	[sflag:s5] =	ssyncadd.s32 $0xFFFFE000  }
0x26: {  	[spmem:s2] =	stream.indirect.scatter.add.f32 [tilespmem:s6], [sflag:$0x1], $0x8, s14, s11, $0xb8;
	[tilespmem:$0x4790] =	vst v63  }
0x27: {  	s15 =	sadd.s32 s16, s15;
	s16 =	smax.u32 s31, $0x1;
	_ =	swait.ge [sflag:s5], $0x2000  }
0x28: {  	p0 =	sne.s32 s16, $0x1;
	[sflag:s5] =	ssyncset.done $0x0  }
.Ltmp0:
0x29: {  	[sflag:s5] =	ssyncadd.s32 $0xFFFFE000;
	(pc) =	sbr.rel @!p0 .LBB2_2-.Ltmp0, $4  }
0x2a: {  	s15 =	sadd.s32 $0x4600, s15;
	[bflag:$0x0] =	sbarrier.arrive $0xFFFF  }
0x2b: {  	[hbm:s15], [sflag:s8] =	dma.local [spmem:s9], $0x271  }
0x2c: {  	_ =	swait.ge [sflag:s5], $0x271  }
0x2d: {  	s16 =	sadd.s32 $0xFFFFFFFF, s16;
	[sflag:s5] =	ssyncset.done $0x0  }
.LBB2_1:
0x2e: {  	p0 =	sne.s32 s16, $0x1;
	s16 =	sadd.s32 $0xFFFFFFFF, s16;
	[sflag:s5] =	ssyncadd.s32 $0xFFFFFD8F  }
0x2f: {  	[tilespmem:s6], [sflag:$0x1] =	stream.linear.gather [hbm4b:s4+s3], $0x2000, $0x38;
	[tilespmem:$0x4790] =	vst v63  }
0x30: {  	_ =	swait.ge [sflag:s5], $0x2000  }
0x31: {  	[sflag:s5] =	ssyncset.done $0x0  }
0x32: {  	[sflag:s5] =	ssyncadd.s32 $0xFFFFE000  }
0x33: {  	[spmem:s9], [sflag:s8] =	dma.local [hbm:s7], $0x271  }
0x34: {  	_ =	swait.ge [sflag:s5], $0x271  }
0x35: {  	[sflag:s5] =	ssyncset.done $0x0  }
0x36: {  	[sflag:s5] =	ssyncadd.s32 $0xFFFFFD8F  }
0x37: {  	[tilespmem:s3], [sflag:$0x1] =	stream.linear.gather [hbm4b:s10+s3], $0x1400, $0x38;
	[tilespmem:$0x4790] =	vst v63  }
0x38: {  	_ =	swait.ge [sflag:s5], $0x1400  }
0x39: {  	[sflag:s5] =	ssyncset.done $0x0  }
0x3a: {  	[sflag:s5] =	ssyncadd.s32 $0xFFFFEC00  }
0x3b: {  	[bflag:$0x0] =	sbarrier.arrive $0xFFFF  }
0x3c: {  	[spmem:s2] =	stream.indirect.scatter.add.f32 [tilespmem:s6], [sflag:$0x1], $0x8, s3, s11, $0xb8;
	[tilespmem:$0x4790] =	vst v63  }
0x3d: {  	_ =	swait.ge [sflag:s5], $0x2000  }
0x3e: {  	[sflag:s5] =	ssyncset.done $0x0  }
0x3f: {  	[sflag:s5] =	ssyncadd.s32 $0xFFFFE000  }
0x40: {  	[spmem:s2] =	stream.indirect.scatter.add.f32 [tilespmem:s6], [sflag:$0x1], $0x8, s11, s11, $0xb8;
	[tilespmem:$0x4790] =	vst v63  }
0x41: {  	_ =	swait.ge [sflag:s5], $0x2000  }
0x42: {  	[sflag:s5] =	ssyncset.done $0x0  }
0x43: {  	[sflag:s5] =	ssyncadd.s32 $0xFFFFE000  }
0x44: {  	[spmem:s2] =	stream.indirect.scatter.add.f32 [tilespmem:s6], [sflag:$0x1], $0x8, s12, s11, $0xb8;
	[tilespmem:$0x4790] =	vst v63  }
0x45: {  	_ =	swait.ge [sflag:s5], $0x2000  }
0x46: {  	[sflag:s5] =	ssyncset.done $0x0  }
0x47: {  	[sflag:s5] =	ssyncadd.s32 $0xFFFFE000  }
0x48: {  	[spmem:s2] =	stream.indirect.scatter.add.f32 [tilespmem:s6], [sflag:$0x1], $0x8, s13, s11, $0xb8;
	[tilespmem:$0x4790] =	vst v63  }
0x49: {  	_ =	swait.ge [sflag:s5], $0x2000  }
0x4a: {  	[sflag:s5] =	ssyncset.done $0x0  }
0x4b: {  	[sflag:s5] =	ssyncadd.s32 $0xFFFFE000  }
0x4c: {  	[spmem:s2] =	stream.indirect.scatter.add.f32 [tilespmem:s6], [sflag:$0x1], $0x8, s14, s11, $0xb8;
	[tilespmem:$0x4790] =	vst v63  }
0x4d: {  	_ =	swait.ge [sflag:s5], $0x2000  }
0x4e: {  	[sflag:s5] =	ssyncset.done $0x0  }
.Ltmp1:
0x4f: {  	[sflag:s5] =	ssyncadd.s32 $0xFFFFE000;
	(pc) =	sbr.rel @p0 .LBB2_1-.Ltmp1, $4  }
0x50: {  	[bflag:$0x0] =	sbarrier.arrive $0xFFFF  }
0x51: {  	[hbm:s15], [sflag:s8] =	dma.local [spmem:s9], $0x271  }
0x52: {  	_ =	swait.ge [sflag:s5], $0x271  }
0x53: {  	[sflag:s5] =	ssyncset.done $0x0  }
.LBB2_2:
0x54: {  	[sflag:s5] =	ssyncadd.s32 $0xFFFFFD8F  }
0x55: {  	_ =	sfence.sel $0x180000  }
0x56: {  	[bflag:$0x0] =	sbarrier.arrive $0xFFFF  }
0x57: {  	p0 =	sne.s32 s1, $0x0;
	_ =	strace $0x90000047  }
0x58: {  	s0 =	sadd.s32 @!p0 $0x100000, s0;
	[bflag:$0x2] =	sbarrier.arrive $0xFFFF  }
0x59: {  	[sflag:s0] =	ssyncadd.tile.s32 @!p0 $0x1;
	_ =	shalt  }
.Lfunc_end2:
_tile_overlayer_lowered:
.L_overlay_start_2:
0x5a: {  	(tag) =	ssettag $0x2  }
0x5b: {  	s0 =	rddreg [dreg:$0x0];
	s2 =	stileid.u32  }
0x5c: {  	s1 =	rddreg [dreg:$0x1];
	p0 =	sne.s32 s2, $0x0  }
0x5d: {  	s3 =	rddreg [dreg:$0x2];
	[bflag:$0x3] =	sbarrier.arrive $0xFFFF;
	s2 =	simm.s32 @!p0 $0x1C01  }
0x5e: {  	[timem:s3], [sflag:s2] =	dma.local @!p0 [hbm:s0], s1  }
0x5f: {  	s0 =	simm.s32 @!p0 $0x1  }
0x60: {  	_ =	swait.ge @!p0 [sflag:s0], s1  }
0x61: {  	s1 =	ssub.s32 @!p0 $0x0, s1;
	[sflag:s0] =	ssyncset.done @!p0 $0x0  }
0x62: {  	[sflag:s0] =	ssyncadd.s32 @!p0 s1  }
0x63: {  	[bflag:$0x3] =	sbarrier.arrive $0xFFFF  }
0x64: {  	_ =	shalt  }

</sc_bundles>
